<compile_context>
chip_gen: v7x
topology: tpu7x:2x2x1
jax: 0.10.2.dev20260603
libtpu: 0.0.44.dev20260713+nightly
codegen_flags: <defaults>
</compile_context>

<pallas_src>
import functools

import jax
import jax.numpy as jnp
from jax import lax
from jax.experimental import pallas as pl
from jax.experimental.pallas import tpu as pltpu
from jax.experimental.pallas import tpu_sc as plsc

N = 10000
E = 320000
D = 128
D2 = 64
NCLS = 40

NC = 2
NS = 16
CHUNK = 128
CH0 = 152
CH1 = 8
CHMAX = max(CH0, CH1)
G = 4
E_PAD = NS * (CH0 + CH1) * CHUNK
ZROWS = 640
ZBLK = 64
ACC_ROWS = NS * ZROWS
ROWS_OUT = 1000

_mesh = plsc.VectorSubcoreMesh(core_axis_name="c", subcore_axis_name="s")


def _make_sc_aggregate(d):

    @functools.partial(
        pl.kernel,
        mesh=_mesh,
        compiler_params=pltpu.CompilerParams(
            use_tc_tiling_on_sc=(d == D)),
        out_type=jax.ShapeDtypeStruct((NC, N, d), jnp.float32),
        scratch_types=[
            pltpu.VMEM((G, CHUNK), jnp.int32),
            pltpu.VMEM((G, CHUNK), jnp.int32),
            pltpu.VMEM((G, CHUNK), jnp.int32),
            pltpu.VMEM((G, CHUNK), jnp.int32),
            pltpu.VMEM((CHUNK, d), jnp.float32),
            pltpu.VMEM((CHUNK, d), jnp.float32),
            pltpu.SemaphoreType.DMA,
            pltpu.SemaphoreType.DMA,
            pltpu.SemaphoreType.DMA,
            pltpu.SemaphoreType.DMA,
            pltpu.VMEM_SHARED((ACC_ROWS, d), jnp.float32),
        ],
    )
    def sc_aggregate(h_hbm, srcs_hbm, dsts_hbm, zeros_hbm, out_hbm,
                     srcga, dstga, srcgb, dstgb, buf0, buf1,
                     semia, semib, semg0, semg1, acc):
        c = lax.axis_index("c")
        s = lax.axis_index("s")
        base = jnp.where(c == 0, s * CH0, NS * CH0 + s * CH1)
        nch = jnp.where(c == 0, CH0, CH1)

        bufs = (buf0, buf1)
        semg = (semg0, semg1)

        def idx_fill(grp_first_chunk, srcg, dstg, sem):
            pltpu.async_copy(srcs_hbm.at[pl.ds(base + grp_first_chunk, G)],
                             srcg, sem)
            pltpu.async_copy(dsts_hbm.at[pl.ds(base + grp_first_chunk, G)],
                             dstg, sem)

        def idx_wait(srcg, dstg, sem):
            pltpu.make_async_copy(srcs_hbm.at[pl.ds(0, G)], srcg, sem).wait()
            pltpu.make_async_copy(dsts_hbm.at[pl.ds(0, G)], dstg, sem).wait()

        def gather_start(srcg, k, b):
            pltpu.async_copy(h_hbm.at[srcg.at[k]], bufs[b], semg[b])

        def gather_wait(b):
            pltpu.make_async_copy(h_hbm.at[pl.ds(0, CHUNK)], bufs[b],
                                  semg[b]).wait()

        for k in range(ZROWS // ZBLK):
            pltpu.sync_copy(zeros_hbm,
                            acc.at[pl.ds(s * ZROWS + k * ZBLK, ZBLK)])
        plsc.subcore_barrier()

        @pl.when(nch > 0)
        def _():
            pltpu.sync_copy(srcs_hbm.at[pl.ds(base, G)], srcga)
            pltpu.sync_copy(dsts_hbm.at[pl.ds(base, G)], dstga)
            idx_fill(G, srcgb, dstgb, semib)
            gather_start(srcga, 0, 0)

        def body(u, carry):
            j0 = 8 * u

            @pl.when(j0 < nch)
            def _():
                for k in range(8):
                    grp_cur = (srcga, dstga) if k < 4 else (srcgb, dstgb)
                    b = k % 2
                    nb = (k + 1) % 2
                    if k < 3:
                        gather_start(grp_cur[0], k + 1, nb)
                    elif k == 3:
                        idx_wait(srcgb, dstgb, semib)
                        gather_start(srcgb, 0, nb)
                    elif k < 7:
                        gather_start(srcgb, k - 3, nb)
                    else:
                        @pl.when(j0 + 8 < nch)
                        def _():
                            idx_wait(srcga, dstga, semia)
                            gather_start(srcga, 0, nb)
                    gather_wait(b)
                    pltpu.sync_copy(bufs[b], acc.at[grp_cur[1].at[k % 4]],
                                    add=True)
                    if k == 3:
                        @pl.when(j0 + 8 < nch)
                        def _():
                            idx_fill(j0 + 8, srcga, dstga, semia)

                @pl.when(j0 + 12 < nch)
                def _():
                    idx_fill(j0 + 12, srcgb, dstgb, semib)

            return carry

        lax.fori_loop(0, CHMAX // 8, body, 0)

        plsc.subcore_barrier()

        @pl.when(s < N // ROWS_OUT)
        def _():
            pltpu.sync_copy(acc.at[pl.ds(s * ROWS_OUT, ROWS_OUT)],
                            out_hbm.at[c, pl.ds(s * ROWS_OUT, ROWS_OUT)])

    return sc_aggregate


_sc_aggregate_d = _make_sc_aggregate(D)
_sc_aggregate_d2 = _make_sc_aggregate(D2)


BR = 1000


def _mm_body(x_ref, w_ref, o_ref):
    o_ref[...] = jnp.dot(x_ref[...], w_ref[...],
                         preferred_element_type=jnp.float32)


def _fuse_body(p_ref, b_ref, w_ref, o_ref):
    h = jnp.maximum(p_ref[0] + p_ref[1] + b_ref[...], 0.0)
    o_ref[...] = jnp.dot(h, w_ref[...], preferred_element_type=jnp.float32)


def _bias_body(p_ref, b_ref, o_ref):
    o_ref[...] = p_ref[0] + p_ref[1] + b_ref[...]


def _tc_matmul(x, w):
    return pl.pallas_call(
        _mm_body,
        grid=(N // BR,),
        in_specs=[pl.BlockSpec((BR, D), lambda i: (i, 0)),
                  pl.BlockSpec((D, D), lambda i: (0, 0))],
        out_specs=pl.BlockSpec((BR, D), lambda i: (i, 0)),
        out_shape=jax.ShapeDtypeStruct((N, D), jnp.float32),
    )(x, w)


def _tc_fused(p, b, w, dout):
    return pl.pallas_call(
        _fuse_body,
        grid=(N // BR,),
        in_specs=[pl.BlockSpec((2, BR, D), lambda i: (0, i, 0)),
                  pl.BlockSpec((1, D), lambda i: (0, 0)),
                  pl.BlockSpec((D, dout), lambda i: (0, 0))],
        out_specs=pl.BlockSpec((BR, dout), lambda i: (i, 0)),
        out_shape=jax.ShapeDtypeStruct((N, dout), jnp.float32),
    )(p, b, w)


def _tc_bias(p, b, dout):
    return pl.pallas_call(
        _bias_body,
        grid=(N // BR,),
        in_specs=[pl.BlockSpec((2, BR, dout), lambda i: (0, i, 0)),
                  pl.BlockSpec((1, dout), lambda i: (0, 0))],
        out_specs=pl.BlockSpec((BR, dout), lambda i: (i, 0)),
        out_shape=jax.ShapeDtypeStruct((N, dout), jnp.float32),
    )(p, b)


def kernel(features, edge_index, W0, b0, W1, b1, W2, b2):
    src = edge_index[0]
    dst = edge_index[1]
    pad = E_PAD - E
    srcs = jnp.concatenate(
        [src, jnp.zeros((pad,), jnp.int32)]).reshape(-1, CHUNK)
    dsts = jnp.concatenate(
        [dst, jnp.full((pad,), ACC_ROWS - 1, jnp.int32)]).reshape(-1, CHUNK)
    zeros = jnp.zeros((ZBLK, D), jnp.float32)
    zeros2 = jnp.zeros((ZBLK, D2), jnp.float32)

    a = _tc_matmul(features, W0)
    p = _sc_aggregate_d(a, srcs, dsts, zeros)
    c = _tc_fused(p, b0.reshape(1, D), W1, D)
    q = _sc_aggregate_d(c, srcs, dsts, zeros)
    w2p = jnp.pad(W2, ((0, 0), (0, D2 - NCLS)))
    h2 = _tc_fused(q, b1.reshape(1, D), w2p, D2)
    r = _sc_aggregate_d2(h2, srcs, dsts, zeros2)
    b2p = jnp.pad(b2, (0, D2 - NCLS)).reshape(1, D2)
    o = _tc_bias(r, b2p, D2)
    return o[:, :NCLS]

# --- scband reference (transcript-rebuilt; emitter-appended) ---
"""Pipeline reference for scband-gcn-1211180778044 (READ-ONLY COPY).

The authoritative reference and input builder live on the scoring server;
editing this copy changes nothing except your own understanding.
"""

import jax, jax.numpy as jnp
import numpy as np

N = 10000
E = 320000
D_IN = 128
D_H = 128
N_CLASSES = 40


def setup_inputs(seed: int = 0) -> dict:
    key = jax.random.key(seed)
    ks = jax.random.split(key, 9)
    features = jax.random.normal(ks[0], (N, D_IN), dtype=jnp.float32)
    edge_index = jax.random.randint(ks[1], (2, E), 0, N, dtype=jnp.int32)
    W0 = jax.random.normal(ks[2], (D_IN, D_H), dtype=jnp.float32) / np.sqrt(D_IN)
    b0 = jnp.zeros((D_H,), dtype=jnp.float32)
    W1 = jax.random.normal(ks[3], (D_H, D_H), dtype=jnp.float32) / np.sqrt(D_H)
    b1 = jnp.zeros((D_H,), dtype=jnp.float32)
    W2 = jax.random.normal(ks[4], (D_H, N_CLASSES), dtype=jnp.float32) / np.sqrt(D_H)
    b2 = jnp.zeros((N_CLASSES,), dtype=jnp.float32)
    return {"features": features, "edge_index": edge_index,
            "W0": W0, "b0": b0, "W1": W1, "b1": b1, "W2": W2, "b2": b2}


def reference(features, edge_index, W0, b0, W1, b1, W2, b2):
    # GCN with 3 GraphConv layers (norm='none'), DGL semantics:
    # sum-aggregation over edges; mult-then-aggregate when in<=out,
    # aggregate-then-mult when in>out. Dropout is identity (eval mode).
    src = edge_index[0]
    dst = edge_index[1]

    def aggregate(h):
        # scatter-add of source node features into destination nodes
        return jax.ops.segment_sum(h[src], dst, num_segments=N)

    # Layer 0: in_feats(128) <= n_hidden(128) -> mult then aggregate
    h = aggregate(features @ W0) + b0
    h = jax.nn.relu(h)
    # Layer 1: n_hidden -> n_hidden, mult then aggregate
    h = aggregate(h @ W1) + b1
    h = jax.nn.relu(h)
    # Layer 2: n_hidden(128) > n_classes(40) -> aggregate then mult; no activation
    h = aggregate(h) @ W2 + b2
    return h

if __name__ == "__main__":
    import jax
    _d = setup_inputs()
    print(jax.jit(kernel)(*tuple(_d.values())))

</pallas_src>

<mosaic_0001>
#map = affine_map<(d0, d1) -> (0, 0)>
#map1 = affine_map<(d0, d1) -> (0, 0, 0)>
module attributes {stable_mosaic.version = 14 : i64} {
  func.func @sc_aggregate(%arg0: i32, %arg1: i32, %arg2: memref<10000x128xf32, #tpu.memory_space<hbm>>, %arg3: memref<2560x128xi32, #tpu.memory_space<hbm>>, %arg4: memref<2560x128xi32, #tpu.memory_space<hbm>>, %arg5: memref<64x128xf32, #tpu.memory_space<hbm>>, %arg6: memref<2x10000x128xf32, #tpu.memory_space<hbm>>, %arg7: memref<4x128xi32, #tpu.memory_space<vmem>>, %arg8: memref<4x128xi32, #tpu.memory_space<vmem>>, %arg9: memref<4x128xi32, #tpu.memory_space<vmem>>, %arg10: memref<4x128xi32, #tpu.memory_space<vmem>>, %arg11: memref<128x128xf32, #tpu.memory_space<vmem>>, %arg12: memref<128x128xf32, #tpu.memory_space<vmem>>, %arg13: memref<!tpu.dma_semaphore, #tpu.memory_space<semaphore_mem>>, %arg14: memref<!tpu.dma_semaphore, #tpu.memory_space<semaphore_mem>>, %arg15: memref<!tpu.dma_semaphore, #tpu.memory_space<semaphore_mem>>, %arg16: memref<!tpu.dma_semaphore, #tpu.memory_space<semaphore_mem>>, %arg17: memref<10240x128xf32, #tpu.memory_space<vmem_shared>>) attributes {dimension_semantics = [#tpu.dimension_semantics<core_parallel>, #tpu.dimension_semantics<subcore_parallel>], iteration_bounds = array<i64: 2, 16>, scalar_prefetch = 0 : i64, scratch_operands = 11 : i64, tpu.core_type = #tpu.core_type<sc_vector_subcore>, window_params = [{transform_indices = #map}, {transform_indices = #map}, {transform_indices = #map}, {transform_indices = #map}, {transform_indices = #map1}]} {
    %eq3A = arith.constant 0 : i32
    %eq3A_0 = arith.cmpi eq, %arg0, %eq3A : i32
    %mul3A = arith.constant 152 : i32
    %mul3A_1 = arith.muli %arg1, %mul3A : i32
    %mul3A_2 = arith.constant 8 : i32
    %mul3A_3 = arith.muli %arg1, %mul3A_2 : i32
    %add3A = arith.constant 2432 : i32
    %add3A_4 = arith.addi %add3A, %mul3A_3 : i32
    %select_n3A = arith.select %eq3A_0, %mul3A_1, %add3A_4 : i32
    %eq3A_5 = arith.constant 0 : i32
    %eq3A_6 = arith.cmpi eq, %arg0, %eq3A_5 : i32
    %jit3A = arith.constant 152 : i32
    %jit3A_7 = arith.constant 8 : i32
    %select_n3A_8 = arith.select %eq3A_6, %jit3A, %jit3A_7 : i32
    %mul3A_9 = arith.constant 640 : i32
    %mul3A_10 = arith.muli %arg1, %mul3A_9 : i32
    %add3A_11 = arith.constant 0 : i32
    %add3A_12 = arith.addi %mul3A_10, %add3A_11 : i32
    "tpu.region"() ({
      %run_scoped3A = tpu.sem_alloc : memref<!tpu.dma_semaphore, #tpu.memory_space<semaphore_mem>>
      %dma_start3A = arith.constant 0 : i32
      %dma_start3A_61 = tpu.memref_slice %arg17[%add3A_12, %dma_start3A] : memref<10240x128xf32, #tpu.memory_space<vmem_shared>> -> memref<64x128xf32, #tpu.memory_space<vmem_shared>>
      tpu.enqueue_dma source(%arg5 : memref<64x128xf32, #tpu.memory_space<hbm>>) target(%dma_start3A_61 : memref<64x128xf32, #tpu.memory_space<vmem_shared>>) target_semaphore(%run_scoped3A : memref<!tpu.dma_semaphore, #tpu.memory_space<semaphore_mem>>)
      %dma_wait3A = arith.constant 0 : i32
      %dma_wait3A_62 = tpu.memref_slice %arg17[%add3A_12, %dma_wait3A] : memref<10240x128xf32, #tpu.memory_space<vmem_shared>> -> memref<64x128xf32, #tpu.memory_space<vmem_shared>>
      tpu.wait_dma2 semaphore(%run_scoped3A : memref<!tpu.dma_semaphore, #tpu.memory_space<semaphore_mem>>) src(%arg5 : memref<64x128xf32, #tpu.memory_space<hbm>>) dst(%dma_wait3A_62 : memref<64x128xf32, #tpu.memory_space<vmem_shared>>)
      tpu.yield
    }) : () -> ()
    %mul3A_13 = arith.constant 640 : i32
    %mul3A_14 = arith.muli %arg1, %mul3A_13 : i32
    %add3A_15 = arith.constant 64 : i32
    %add3A_16 = arith.addi %mul3A_14, %add3A_15 : i32
    "tpu.region"() ({
      %run_scoped3A = tpu.sem_alloc : memref<!tpu.dma_semaphore, #tpu.memory_space<semaphore_mem>>
      %dma_start3A = arith.constant 0 : i32
      %dma_start3A_61 = tpu.memref_slice %arg17[%add3A_16, %dma_start3A] : memref<10240x128xf32, #tpu.memory_space<vmem_shared>> -> memref<64x128xf32, #tpu.memory_space<vmem_shared>>
      tpu.enqueue_dma source(%arg5 : memref<64x128xf32, #tpu.memory_space<hbm>>) target(%dma_start3A_61 : memref<64x128xf32, #tpu.memory_space<vmem_shared>>) target_semaphore(%run_scoped3A : memref<!tpu.dma_semaphore, #tpu.memory_space<semaphore_mem>>)
      %dma_wait3A = arith.constant 0 : i32
      %dma_wait3A_62 = tpu.memref_slice %arg17[%add3A_16, %dma_wait3A] : memref<10240x128xf32, #tpu.memory_space<vmem_shared>> -> memref<64x128xf32, #tpu.memory_space<vmem_shared>>
      tpu.wait_dma2 semaphore(%run_scoped3A : memref<!tpu.dma_semaphore, #tpu.memory_space<semaphore_mem>>) src(%arg5 : memref<64x128xf32, #tpu.memory_space<hbm>>) dst(%dma_wait3A_62 : memref<64x128xf32, #tpu.memory_space<vmem_shared>>)
      tpu.yield
    }) : () -> ()
    %mul3A_17 = arith.constant 640 : i32
    %mul3A_18 = arith.muli %arg1, %mul3A_17 : i32
    %add3A_19 = arith.constant 128 : i32
    %add3A_20 = arith.addi %mul3A_18, %add3A_19 : i32
    "tpu.region"() ({
      %run_scoped3A = tpu.sem_alloc : memref<!tpu.dma_semaphore, #tpu.memory_space<semaphore_mem>>
      %dma_start3A = arith.constant 0 : i32
      %dma_start3A_61 = tpu.memref_slice %arg17[%add3A_20, %dma_start3A] : memref<10240x128xf32, #tpu.memory_space<vmem_shared>> -> memref<64x128xf32, #tpu.memory_space<vmem_shared>>
      tpu.enqueue_dma source(%arg5 : memref<64x128xf32, #tpu.memory_space<hbm>>) target(%dma_start3A_61 : memref<64x128xf32, #tpu.memory_space<vmem_shared>>) target_semaphore(%run_scoped3A : memref<!tpu.dma_semaphore, #tpu.memory_space<semaphore_mem>>)
      %dma_wait3A = arith.constant 0 : i32
      %dma_wait3A_62 = tpu.memref_slice %arg17[%add3A_20, %dma_wait3A] : memref<10240x128xf32, #tpu.memory_space<vmem_shared>> -> memref<64x128xf32, #tpu.memory_space<vmem_shared>>
      tpu.wait_dma2 semaphore(%run_scoped3A : memref<!tpu.dma_semaphore, #tpu.memory_space<semaphore_mem>>) src(%arg5 : memref<64x128xf32, #tpu.memory_space<hbm>>) dst(%dma_wait3A_62 : memref<64x128xf32, #tpu.memory_space<vmem_shared>>)
      tpu.yield
    }) : () -> ()
    %mul3A_21 = arith.constant 640 : i32
    %mul3A_22 = arith.muli %arg1, %mul3A_21 : i32
    %add3A_23 = arith.constant 192 : i32
    %add3A_24 = arith.addi %mul3A_22, %add3A_23 : i32
    "tpu.region"() ({
      %run_scoped3A = tpu.sem_alloc : memref<!tpu.dma_semaphore, #tpu.memory_space<semaphore_mem>>
      %dma_start3A = arith.constant 0 : i32
      %dma_start3A_61 = tpu.memref_slice %arg17[%add3A_24, %dma_start3A] : memref<10240x128xf32, #tpu.memory_space<vmem_shared>> -> memref<64x128xf32, #tpu.memory_space<vmem_shared>>
      tpu.enqueue_dma source(%arg5 : memref<64x128xf32, #tpu.memory_space<hbm>>) target(%dma_start3A_61 : memref<64x128xf32, #tpu.memory_space<vmem_shared>>) target_semaphore(%run_scoped3A : memref<!tpu.dma_semaphore, #tpu.memory_space<semaphore_mem>>)
      %dma_wait3A = arith.constant 0 : i32
      %dma_wait3A_62 = tpu.memref_slice %arg17[%add3A_24, %dma_wait3A] : memref<10240x128xf32, #tpu.memory_space<vmem_shared>> -> memref<64x128xf32, #tpu.memory_space<vmem_shared>>
      tpu.wait_dma2 semaphore(%run_scoped3A : memref<!tpu.dma_semaphore, #tpu.memory_space<semaphore_mem>>) src(%arg5 : memref<64x128xf32, #tpu.memory_space<hbm>>) dst(%dma_wait3A_62 : memref<64x128xf32, #tpu.memory_space<vmem_shared>>)
      tpu.yield
    }) : () -> ()
    %mul3A_25 = arith.constant 640 : i32
    %mul3A_26 = arith.muli %arg1, %mul3A_25 : i32
    %add3A_27 = arith.constant 256 : i32
    %add3A_28 = arith.addi %mul3A_26, %add3A_27 : i32
    "tpu.region"() ({
      %run_scoped3A = tpu.sem_alloc : memref<!tpu.dma_semaphore, #tpu.memory_space<semaphore_mem>>
      %dma_start3A = arith.constant 0 : i32
      %dma_start3A_61 = tpu.memref_slice %arg17[%add3A_28, %dma_start3A] : memref<10240x128xf32, #tpu.memory_space<vmem_shared>> -> memref<64x128xf32, #tpu.memory_space<vmem_shared>>
      tpu.enqueue_dma source(%arg5 : memref<64x128xf32, #tpu.memory_space<hbm>>) target(%dma_start3A_61 : memref<64x128xf32, #tpu.memory_space<vmem_shared>>) target_semaphore(%run_scoped3A : memref<!tpu.dma_semaphore, #tpu.memory_space<semaphore_mem>>)
      %dma_wait3A = arith.constant 0 : i32
      %dma_wait3A_62 = tpu.memref_slice %arg17[%add3A_28, %dma_wait3A] : memref<10240x128xf32, #tpu.memory_space<vmem_shared>> -> memref<64x128xf32, #tpu.memory_space<vmem_shared>>
      tpu.wait_dma2 semaphore(%run_scoped3A : memref<!tpu.dma_semaphore, #tpu.memory_space<semaphore_mem>>) src(%arg5 : memref<64x128xf32, #tpu.memory_space<hbm>>) dst(%dma_wait3A_62 : memref<64x128xf32, #tpu.memory_space<vmem_shared>>)
      tpu.yield
    }) : () -> ()
    %mul3A_29 = arith.constant 640 : i32
    %mul3A_30 = arith.muli %arg1, %mul3A_29 : i32
    %add3A_31 = arith.constant 320 : i32
    %add3A_32 = arith.addi %mul3A_30, %add3A_31 : i32
    "tpu.region"() ({
      %run_scoped3A = tpu.sem_alloc : memref<!tpu.dma_semaphore, #tpu.memory_space<semaphore_mem>>
      %dma_start3A = arith.constant 0 : i32
      %dma_start3A_61 = tpu.memref_slice %arg17[%add3A_32, %dma_start3A] : memref<10240x128xf32, #tpu.memory_space<vmem_shared>> -> memref<64x128xf32, #tpu.memory_space<vmem_shared>>
      tpu.enqueue_dma source(%arg5 : memref<64x128xf32, #tpu.memory_space<hbm>>) target(%dma_start3A_61 : memref<64x128xf32, #tpu.memory_space<vmem_shared>>) target_semaphore(%run_scoped3A : memref<!tpu.dma_semaphore, #tpu.memory_space<semaphore_mem>>)
      %dma_wait3A = arith.constant 0 : i32
      %dma_wait3A_62 = tpu.memref_slice %arg17[%add3A_32, %dma_wait3A] : memref<10240x128xf32, #tpu.memory_space<vmem_shared>> -> memref<64x128xf32, #tpu.memory_space<vmem_shared>>
      tpu.wait_dma2 semaphore(%run_scoped3A : memref<!tpu.dma_semaphore, #tpu.memory_space<semaphore_mem>>) src(%arg5 : memref<64x128xf32, #tpu.memory_space<hbm>>) dst(%dma_wait3A_62 : memref<64x128xf32, #tpu.memory_space<vmem_shared>>)
      tpu.yield
    }) : () -> ()
    %mul3A_33 = arith.constant 640 : i32
    %mul3A_34 = arith.muli %arg1, %mul3A_33 : i32
    %add3A_35 = arith.constant 384 : i32
    %add3A_36 = arith.addi %mul3A_34, %add3A_35 : i32
    "tpu.region"() ({
      %run_scoped3A = tpu.sem_alloc : memref<!tpu.dma_semaphore, #tpu.memory_space<semaphore_mem>>
      %dma_start3A = arith.constant 0 : i32
      %dma_start3A_61 = tpu.memref_slice %arg17[%add3A_36, %dma_start3A] : memref<10240x128xf32, #tpu.memory_space<vmem_shared>> -> memref<64x128xf32, #tpu.memory_space<vmem_shared>>
      tpu.enqueue_dma source(%arg5 : memref<64x128xf32, #tpu.memory_space<hbm>>) target(%dma_start3A_61 : memref<64x128xf32, #tpu.memory_space<vmem_shared>>) target_semaphore(%run_scoped3A : memref<!tpu.dma_semaphore, #tpu.memory_space<semaphore_mem>>)
      %dma_wait3A = arith.constant 0 : i32
      %dma_wait3A_62 = tpu.memref_slice %arg17[%add3A_36, %dma_wait3A] : memref<10240x128xf32, #tpu.memory_space<vmem_shared>> -> memref<64x128xf32, #tpu.memory_space<vmem_shared>>
      tpu.wait_dma2 semaphore(%run_scoped3A : memref<!tpu.dma_semaphore, #tpu.memory_space<semaphore_mem>>) src(%arg5 : memref<64x128xf32, #tpu.memory_space<hbm>>) dst(%dma_wait3A_62 : memref<64x128xf32, #tpu.memory_space<vmem_shared>>)
      tpu.yield
    }) : () -> ()
    %mul3A_37 = arith.constant 640 : i32
    %mul3A_38 = arith.muli %arg1, %mul3A_37 : i32
    %add3A_39 = arith.constant 448 : i32
    %add3A_40 = arith.addi %mul3A_38, %add3A_39 : i32
    "tpu.region"() ({
      %run_scoped3A = tpu.sem_alloc : memref<!tpu.dma_semaphore, #tpu.memory_space<semaphore_mem>>
      %dma_start3A = arith.constant 0 : i32
      %dma_start3A_61 = tpu.memref_slice %arg17[%add3A_40, %dma_start3A] : memref<10240x128xf32, #tpu.memory_space<vmem_shared>> -> memref<64x128xf32, #tpu.memory_space<vmem_shared>>
      tpu.enqueue_dma source(%arg5 : memref<64x128xf32, #tpu.memory_space<hbm>>) target(%dma_start3A_61 : memref<64x128xf32, #tpu.memory_space<vmem_shared>>) target_semaphore(%run_scoped3A : memref<!tpu.dma_semaphore, #tpu.memory_space<semaphore_mem>>)
      %dma_wait3A = arith.constant 0 : i32
      %dma_wait3A_62 = tpu.memref_slice %arg17[%add3A_40, %dma_wait3A] : memref<10240x128xf32, #tpu.memory_space<vmem_shared>> -> memref<64x128xf32, #tpu.memory_space<vmem_shared>>
      tpu.wait_dma2 semaphore(%run_scoped3A : memref<!tpu.dma_semaphore, #tpu.memory_space<semaphore_mem>>) src(%arg5 : memref<64x128xf32, #tpu.memory_space<hbm>>) dst(%dma_wait3A_62 : memref<64x128xf32, #tpu.memory_space<vmem_shared>>)
      tpu.yield
    }) : () -> ()
    %mul3A_41 = arith.constant 640 : i32
    %mul3A_42 = arith.muli %arg1, %mul3A_41 : i32
    %add3A_43 = arith.constant 512 : i32
    %add3A_44 = arith.addi %mul3A_42, %add3A_43 : i32
    "tpu.region"() ({
      %run_scoped3A = tpu.sem_alloc : memref<!tpu.dma_semaphore, #tpu.memory_space<semaphore_mem>>
      %dma_start3A = arith.constant 0 : i32
      %dma_start3A_61 = tpu.memref_slice %arg17[%add3A_44, %dma_start3A] : memref<10240x128xf32, #tpu.memory_space<vmem_shared>> -> memref<64x128xf32, #tpu.memory_space<vmem_shared>>
      tpu.enqueue_dma source(%arg5 : memref<64x128xf32, #tpu.memory_space<hbm>>) target(%dma_start3A_61 : memref<64x128xf32, #tpu.memory_space<vmem_shared>>) target_semaphore(%run_scoped3A : memref<!tpu.dma_semaphore, #tpu.memory_space<semaphore_mem>>)
      %dma_wait3A = arith.constant 0 : i32
      %dma_wait3A_62 = tpu.memref_slice %arg17[%add3A_44, %dma_wait3A] : memref<10240x128xf32, #tpu.memory_space<vmem_shared>> -> memref<64x128xf32, #tpu.memory_space<vmem_shared>>
      tpu.wait_dma2 semaphore(%run_scoped3A : memref<!tpu.dma_semaphore, #tpu.memory_space<semaphore_mem>>) src(%arg5 : memref<64x128xf32, #tpu.memory_space<hbm>>) dst(%dma_wait3A_62 : memref<64x128xf32, #tpu.memory_space<vmem_shared>>)
      tpu.yield
    }) : () -> ()
    %mul3A_45 = arith.constant 640 : i32
    %mul3A_46 = arith.muli %arg1, %mul3A_45 : i32
    %add3A_47 = arith.constant 576 : i32
    %add3A_48 = arith.addi %mul3A_46, %add3A_47 : i32
    "tpu.region"() ({
      %run_scoped3A = tpu.sem_alloc : memref<!tpu.dma_semaphore, #tpu.memory_space<semaphore_mem>>
      %dma_start3A = arith.constant 0 : i32
      %dma_start3A_61 = tpu.memref_slice %arg17[%add3A_48, %dma_start3A] : memref<10240x128xf32, #tpu.memory_space<vmem_shared>> -> memref<64x128xf32, #tpu.memory_space<vmem_shared>>
      tpu.enqueue_dma source(%arg5 : memref<64x128xf32, #tpu.memory_space<hbm>>) target(%dma_start3A_61 : memref<64x128xf32, #tpu.memory_space<vmem_shared>>) target_semaphore(%run_scoped3A : memref<!tpu.dma_semaphore, #tpu.memory_space<semaphore_mem>>)
      %dma_wait3A = arith.constant 0 : i32
      %dma_wait3A_62 = tpu.memref_slice %arg17[%add3A_48, %dma_wait3A] : memref<10240x128xf32, #tpu.memory_space<vmem_shared>> -> memref<64x128xf32, #tpu.memory_space<vmem_shared>>
      tpu.wait_dma2 semaphore(%run_scoped3A : memref<!tpu.dma_semaphore, #tpu.memory_space<semaphore_mem>>) src(%arg5 : memref<64x128xf32, #tpu.memory_space<hbm>>) dst(%dma_wait3A_62 : memref<64x128xf32, #tpu.memory_space<vmem_shared>>)
      tpu.yield
    }) : () -> ()
    %barrier3A = arith.constant 0 : index
    tpu.barrier barrier_id(%barrier3A)
    %gt3A = arith.constant 0 : i32
    %gt3A_49 = arith.cmpi sgt, %select_n3A_8, %gt3A : i32
    %convert_element_type3A = arith.extui %gt3A_49 : i1 to i32
    %cond3A = arith.constant 0 : i32
    %cond3A_50 = arith.cmpi ne, %convert_element_type3A, %cond3A : i32
    scf.if %cond3A_50 {
      "tpu.region"() ({
        %run_scoped3A = tpu.sem_alloc : memref<!tpu.dma_semaphore, #tpu.memory_space<semaphore_mem>>
        %dma_start3A_79 = arith.constant 0 : i32
        %dma_start3A_80 = tpu.memref_slice %arg3[%select_n3A, %dma_start3A_79] : memref<2560x128xi32, #tpu.memory_space<hbm>> -> memref<4x128xi32, #tpu.memory_space<hbm>>
        %dma_start3A_81 = arith.constant 0 : i32
        %dma_start3A_82 = tpu.memref_slice %arg3[%select_n3A, %dma_start3A_81] : memref<2560x128xi32, #tpu.memory_space<hbm>> -> memref<4x128xi32, #tpu.memory_space<hbm>>
        tpu.enqueue_dma source(%dma_start3A_82 : memref<4x128xi32, #tpu.memory_space<hbm>>) target(%arg7 : memref<4x128xi32, #tpu.memory_space<vmem>>) target_semaphore(%run_scoped3A : memref<!tpu.dma_semaphore, #tpu.memory_space<semaphore_mem>>)
        %dma_wait3A = arith.constant 0 : i32
        %dma_wait3A_83 = tpu.memref_slice %arg3[%select_n3A, %dma_wait3A] : memref<2560x128xi32, #tpu.memory_space<hbm>> -> memref<4x128xi32, #tpu.memory_space<hbm>>
        %dma_wait3A_84 = arith.constant 0 : i32
        %dma_wait3A_85 = tpu.memref_slice %arg3[%select_n3A, %dma_wait3A_84] : memref<2560x128xi32, #tpu.memory_space<hbm>> -> memref<4x128xi32, #tpu.memory_space<hbm>>
        tpu.wait_dma2 semaphore(%run_scoped3A : memref<!tpu.dma_semaphore, #tpu.memory_space<semaphore_mem>>) src(%dma_wait3A_85 : memref<4x128xi32, #tpu.memory_space<hbm>>) dst(%arg7 : memref<4x128xi32, #tpu.memory_space<vmem>>)
        tpu.yield
      }) : () -> ()
      "tpu.region"() ({
        %run_scoped3A = tpu.sem_alloc : memref<!tpu.dma_semaphore, #tpu.memory_space<semaphore_mem>>
        %dma_start3A_79 = arith.constant 0 : i32
        %dma_start3A_80 = tpu.memref_slice %arg4[%select_n3A, %dma_start3A_79] : memref<2560x128xi32, #tpu.memory_space<hbm>> -> memref<4x128xi32, #tpu.memory_space<hbm>>
        %dma_start3A_81 = arith.constant 0 : i32
        %dma_start3A_82 = tpu.memref_slice %arg4[%select_n3A, %dma_start3A_81] : memref<2560x128xi32, #tpu.memory_space<hbm>> -> memref<4x128xi32, #tpu.memory_space<hbm>>
        tpu.enqueue_dma source(%dma_start3A_82 : memref<4x128xi32, #tpu.memory_space<hbm>>) target(%arg8 : memref<4x128xi32, #tpu.memory_space<vmem>>) target_semaphore(%run_scoped3A : memref<!tpu.dma_semaphore, #tpu.memory_space<semaphore_mem>>)
        %dma_wait3A = arith.constant 0 : i32
        %dma_wait3A_83 = tpu.memref_slice %arg4[%select_n3A, %dma_wait3A] : memref<2560x128xi32, #tpu.memory_space<hbm>> -> memref<4x128xi32, #tpu.memory_space<hbm>>
        %dma_wait3A_84 = arith.constant 0 : i32
        %dma_wait3A_85 = tpu.memref_slice %arg4[%select_n3A, %dma_wait3A_84] : memref<2560x128xi32, #tpu.memory_space<hbm>> -> memref<4x128xi32, #tpu.memory_space<hbm>>
        tpu.wait_dma2 semaphore(%run_scoped3A : memref<!tpu.dma_semaphore, #tpu.memory_space<semaphore_mem>>) src(%dma_wait3A_85 : memref<4x128xi32, #tpu.memory_space<hbm>>) dst(%arg8 : memref<4x128xi32, #tpu.memory_space<vmem>>)
        tpu.yield
      }) : () -> ()
      %add3A_61 = arith.constant 4 : i32
      %add3A_62 = arith.addi %select_n3A, %add3A_61 : i32
      %dma_start3A = arith.constant 0 : i32
      %dma_start3A_63 = tpu.memref_slice %arg3[%add3A_62, %dma_start3A] : memref<2560x128xi32, #tpu.memory_space<hbm>> -> memref<4x128xi32, #tpu.memory_space<hbm>>
      %dma_start3A_64 = arith.constant 0 : i32
      %dma_start3A_65 = tpu.memref_slice %arg3[%add3A_62, %dma_start3A_64] : memref<2560x128xi32, #tpu.memory_space<hbm>> -> memref<4x128xi32, #tpu.memory_space<hbm>>
      tpu.enqueue_dma source(%dma_start3A_65 : memref<4x128xi32, #tpu.memory_space<hbm>>) target(%arg9 : memref<4x128xi32, #tpu.memory_space<vmem>>) target_semaphore(%arg14 : memref<!tpu.dma_semaphore, #tpu.memory_space<semaphore_mem>>)
      %add3A_66 = arith.constant 4 : i32
      %add3A_67 = arith.addi %select_n3A, %add3A_66 : i32
      %dma_start3A_68 = arith.constant 0 : i32
      %dma_start3A_69 = tpu.memref_slice %arg4[%add3A_67, %dma_start3A_68] : memref<2560x128xi32, #tpu.memory_space<hbm>> -> memref<4x128xi32, #tpu.memory_space<hbm>>
      %dma_start3A_70 = arith.constant 0 : i32
      %dma_start3A_71 = tpu.memref_slice %arg4[%add3A_67, %dma_start3A_70] : memref<2560x128xi32, #tpu.memory_space<hbm>> -> memref<4x128xi32, #tpu.memory_space<hbm>>
      tpu.enqueue_dma source(%dma_start3A_71 : memref<4x128xi32, #tpu.memory_space<hbm>>) target(%arg10 : memref<4x128xi32, #tpu.memory_space<vmem>>) target_semaphore(%arg14 : memref<!tpu.dma_semaphore, #tpu.memory_space<semaphore_mem>>)
      %dma_start3A_72 = arith.constant 0 : i32
      %dma_start3A_73 = arith.constant 0 : i32
      %dma_start3A_74 = tpu.memref_slice %arg7[%dma_start3A_72, %dma_start3A_73] : memref<4x128xi32, #tpu.memory_space<vmem>> -> memref<1x128xi32, #tpu.memory_space<vmem>>
      %dma_start3A_75 = tpu.memref_squeeze %dma_start3A_74 : memref<1x128xi32, #tpu.memory_space<vmem>> -> memref<128xi32, #tpu.memory_space<vmem>>
      %dma_start3A_76 = arith.constant 0 : i32
      %dma_start3A_77 = arith.constant 0 : i32
      %dma_start3A_78 = tpu.memref_slice %arg2[%dma_start3A_76, %dma_start3A_77] : memref<10000x128xf32, #tpu.memory_space<hbm>> -> memref<10000x128xf32, #tpu.memory_space<hbm>>
      tpu.enqueue_indirect_dma source(%dma_start3A_78 : memref<10000x128xf32, #tpu.memory_space<hbm>>) target(%arg11 : memref<128x128xf32, #tpu.memory_space<vmem>>) offsets(%dma_start3A_75 : memref<128xi32, #tpu.memory_space<vmem>>) semaphore(%arg15 : memref<!tpu.dma_semaphore, #tpu.memory_space<semaphore_mem>>)
    } else {
    }
    %scan3A = arith.constant 0 : i32
    %scan3A_51 = arith.constant 0 : i32
    %scan3A_52 = arith.constant 19 : i32
    %scan3A_53 = arith.addi %scan3A_51, %scan3A_52 : i32
    %scan3A_54 = arith.constant 1 : i32
    scf.for %scan3A_61 = %scan3A_51 to %scan3A_53 step %scan3A_54  : i32 {
      %mul3A_62 = arith.constant 8 : i32
      %mul3A_63 = arith.muli %mul3A_62, %scan3A_61 : i32
      %lt3A_64 = arith.cmpi slt, %mul3A_63, %select_n3A_8 : i32
      %convert_element_type3A_65 = arith.extui %lt3A_64 : i1 to i32
      %cond3A_66 = arith.constant 0 : i32
      %cond3A_67 = arith.cmpi ne, %convert_element_type3A_65, %cond3A_66 : i32
      scf.if %cond3A_67 {
        %dma_start3A = arith.constant 1 : i32
        %dma_start3A_68 = arith.constant 0 : i32
        %dma_start3A_69 = tpu.memref_slice %arg7[%dma_start3A, %dma_start3A_68] : memref<4x128xi32, #tpu.memory_space<vmem>> -> memref<1x128xi32, #tpu.memory_space<vmem>>
        %dma_start3A_70 = tpu.memref_squeeze %dma_start3A_69 : memref<1x128xi32, #tpu.memory_space<vmem>> -> memref<128xi32, #tpu.memory_space<vmem>>
        %dma_start3A_71 = arith.constant 0 : i32
        %dma_start3A_72 = arith.constant 0 : i32
        %dma_start3A_73 = tpu.memref_slice %arg2[%dma_start3A_71, %dma_start3A_72] : memref<10000x128xf32, #tpu.memory_space<hbm>> -> memref<10000x128xf32, #tpu.memory_space<hbm>>
        tpu.enqueue_indirect_dma source(%dma_start3A_73 : memref<10000x128xf32, #tpu.memory_space<hbm>>) target(%arg12 : memref<128x128xf32, #tpu.memory_space<vmem>>) offsets(%dma_start3A_70 : memref<128xi32, #tpu.memory_space<vmem>>) semaphore(%arg16 : memref<!tpu.dma_semaphore, #tpu.memory_space<semaphore_mem>>)
        %dma_wait3A = arith.constant 0 : i32
        %dma_wait3A_74 = arith.constant 0 : i32
        %dma_wait3A_75 = tpu.memref_slice %arg2[%dma_wait3A, %dma_wait3A_74] : memref<10000x128xf32, #tpu.memory_space<hbm>> -> memref<128x128xf32, #tpu.memory_space<hbm>>
        %dma_wait3A_76 = arith.constant 0 : i32
        %dma_wait3A_77 = arith.constant 0 : i32
        %dma_wait3A_78 = tpu.memref_slice %arg2[%dma_wait3A_76, %dma_wait3A_77] : memref<10000x128xf32, #tpu.memory_space<hbm>> -> memref<128x128xf32, #tpu.memory_space<hbm>>
        tpu.wait_dma2 semaphore(%arg15 : memref<!tpu.dma_semaphore, #tpu.memory_space<semaphore_mem>>) src(%dma_wait3A_78 : memref<128x128xf32, #tpu.memory_space<hbm>>) dst(%arg11 : memref<128x128xf32, #tpu.memory_space<vmem>>)
        %run_scoped3A = arith.constant 0 : i32
        "tpu.region"() ({
          %run_scoped3A_200 = tpu.sem_alloc : memref<!tpu.dma_semaphore, #tpu.memory_space<semaphore_mem>>
          %dma_start3A_201 = arith.constant 0 : i32
          %dma_start3A_202 = tpu.memref_slice %arg8[%run_scoped3A, %dma_start3A_201] : memref<4x128xi32, #tpu.memory_space<vmem>> -> memref<1x128xi32, #tpu.memory_space<vmem>>
          %dma_start3A_203 = tpu.memref_squeeze %dma_start3A_202 : memref<1x128xi32, #tpu.memory_space<vmem>> -> memref<128xi32, #tpu.memory_space<vmem>>
          %dma_start3A_204 = arith.constant 0 : i32
          %dma_start3A_205 = arith.constant 0 : i32
          %dma_start3A_206 = tpu.memref_slice %arg17[%dma_start3A_204, %dma_start3A_205] : memref<10240x128xf32, #tpu.memory_space<vmem_shared>> -> memref<10240x128xf32, #tpu.memory_space<vmem_shared>>
          tpu.enqueue_indirect_dma source(%arg11 : memref<128x128xf32, #tpu.memory_space<vmem>>) target(%dma_start3A_206 : memref<10240x128xf32, #tpu.memory_space<vmem_shared>>) offsets(%dma_start3A_203 : memref<128xi32, #tpu.memory_space<vmem>>) semaphore(%run_scoped3A_200 : memref<!tpu.dma_semaphore, #tpu.memory_space<semaphore_mem>>) {add = true}
          %dma_wait3A_207 = arith.constant 0 : i32
          %dma_wait3A_208 = tpu.memref_slice %arg8[%run_scoped3A, %dma_wait3A_207] : memref<4x128xi32, #tpu.memory_space<vmem>> -> memref<1x128xi32, #tpu.memory_space<vmem>>
          %dma_wait3A_209 = tpu.memref_squeeze %dma_wait3A_208 : memref<1x128xi32, #tpu.memory_space<vmem>> -> memref<128xi32, #tpu.memory_space<vmem>>
          %dma_wait3A_210 = arith.constant 0 : i32
          %dma_wait3A_211 = arith.constant 0 : i32
          %dma_wait3A_212 = tpu.memref_slice %arg17[%dma_wait3A_210, %dma_wait3A_211] : memref<10240x128xf32, #tpu.memory_space<vmem_shared>> -> memref<10240x128xf32, #tpu.memory_space<vmem_shared>>
          tpu.wait_indirect_dma semaphore(%run_scoped3A_200 : memref<!tpu.dma_semaphore, #tpu.memory_space<semaphore_mem>>) src(%arg11 : memref<128x128xf32, #tpu.memory_space<vmem>>) dst(%dma_wait3A_212 : memref<10240x128xf32, #tpu.memory_space<vmem_shared>>)
          tpu.yield
        }) : () -> ()
        %dma_start3A_79 = arith.constant 2 : i32
        %dma_start3A_80 = arith.constant 0 : i32
        %dma_start3A_81 = tpu.memref_slice %arg7[%dma_start3A_79, %dma_start3A_80] : memref<4x128xi32, #tpu.memory_space<vmem>> -> memref<1x128xi32, #tpu.memory_space<vmem>>
        %dma_start3A_82 = tpu.memref_squeeze %dma_start3A_81 : memref<1x128xi32, #tpu.memory_space<vmem>> -> memref<128xi32, #tpu.memory_space<vmem>>
        %dma_start3A_83 = arith.constant 0 : i32
        %dma_start3A_84 = arith.constant 0 : i32
        %dma_start3A_85 = tpu.memref_slice %arg2[%dma_start3A_83, %dma_start3A_84] : memref<10000x128xf32, #tpu.memory_space<hbm>> -> memref<10000x128xf32, #tpu.memory_space<hbm>>
        tpu.enqueue_indirect_dma source(%dma_start3A_85 : memref<10000x128xf32, #tpu.memory_space<hbm>>) target(%arg11 : memref<128x128xf32, #tpu.memory_space<vmem>>) offsets(%dma_start3A_82 : memref<128xi32, #tpu.memory_space<vmem>>) semaphore(%arg15 : memref<!tpu.dma_semaphore, #tpu.memory_space<semaphore_mem>>)
        %dma_wait3A_86 = arith.constant 0 : i32
        %dma_wait3A_87 = arith.constant 0 : i32
        %dma_wait3A_88 = tpu.memref_slice %arg2[%dma_wait3A_86, %dma_wait3A_87] : memref<10000x128xf32, #tpu.memory_space<hbm>> -> memref<128x128xf32, #tpu.memory_space<hbm>>
        %dma_wait3A_89 = arith.constant 0 : i32
        %dma_wait3A_90 = arith.constant 0 : i32
        %dma_wait3A_91 = tpu.memref_slice %arg2[%dma_wait3A_89, %dma_wait3A_90] : memref<10000x128xf32, #tpu.memory_space<hbm>> -> memref<128x128xf32, #tpu.memory_space<hbm>>
        tpu.wait_dma2 semaphore(%arg16 : memref<!tpu.dma_semaphore, #tpu.memory_space<semaphore_mem>>) src(%dma_wait3A_91 : memref<128x128xf32, #tpu.memory_space<hbm>>) dst(%arg12 : memref<128x128xf32, #tpu.memory_space<vmem>>)
        %run_scoped3A_92 = arith.constant 1 : i32
        "tpu.region"() ({
          %run_scoped3A_200 = tpu.sem_alloc : memref<!tpu.dma_semaphore, #tpu.memory_space<semaphore_mem>>
          %dma_start3A_201 = arith.constant 0 : i32
          %dma_start3A_202 = tpu.memref_slice %arg8[%run_scoped3A_92, %dma_start3A_201] : memref<4x128xi32, #tpu.memory_space<vmem>> -> memref<1x128xi32, #tpu.memory_space<vmem>>
          %dma_start3A_203 = tpu.memref_squeeze %dma_start3A_202 : memref<1x128xi32, #tpu.memory_space<vmem>> -> memref<128xi32, #tpu.memory_space<vmem>>
          %dma_start3A_204 = arith.constant 0 : i32
          %dma_start3A_205 = arith.constant 0 : i32
          %dma_start3A_206 = tpu.memref_slice %arg17[%dma_start3A_204, %dma_start3A_205] : memref<10240x128xf32, #tpu.memory_space<vmem_shared>> -> memref<10240x128xf32, #tpu.memory_space<vmem_shared>>
          tpu.enqueue_indirect_dma source(%arg12 : memref<128x128xf32, #tpu.memory_space<vmem>>) target(%dma_start3A_206 : memref<10240x128xf32, #tpu.memory_space<vmem_shared>>) offsets(%dma_start3A_203 : memref<128xi32, #tpu.memory_space<vmem>>) semaphore(%run_scoped3A_200 : memref<!tpu.dma_semaphore, #tpu.memory_space<semaphore_mem>>) {add = true}
          %dma_wait3A_207 = arith.constant 0 : i32
          %dma_wait3A_208 = tpu.memref_slice %arg8[%run_scoped3A_92, %dma_wait3A_207] : memref<4x128xi32, #tpu.memory_space<vmem>> -> memref<1x128xi32, #tpu.memory_space<vmem>>
          %dma_wait3A_209 = tpu.memref_squeeze %dma_wait3A_208 : memref<1x128xi32, #tpu.memory_space<vmem>> -> memref<128xi32, #tpu.memory_space<vmem>>
          %dma_wait3A_210 = arith.constant 0 : i32
          %dma_wait3A_211 = arith.constant 0 : i32
          %dma_wait3A_212 = tpu.memref_slice %arg17[%dma_wait3A_210, %dma_wait3A_211] : memref<10240x128xf32, #tpu.memory_space<vmem_shared>> -> memref<10240x128xf32, #tpu.memory_space<vmem_shared>>
          tpu.wait_indirect_dma semaphore(%run_scoped3A_200 : memref<!tpu.dma_semaphore, #tpu.memory_space<semaphore_mem>>) src(%arg12 : memref<128x128xf32, #tpu.memory_space<vmem>>) dst(%dma_wait3A_212 : memref<10240x128xf32, #tpu.memory_space<vmem_shared>>)
          tpu.yield
        }) : () -> ()
        %dma_start3A_93 = arith.constant 3 : i32
        %dma_start3A_94 = arith.constant 0 : i32
        %dma_start3A_95 = tpu.memref_slice %arg7[%dma_start3A_93, %dma_start3A_94] : memref<4x128xi32, #tpu.memory_space<vmem>> -> memref<1x128xi32, #tpu.memory_space<vmem>>
        %dma_start3A_96 = tpu.memref_squeeze %dma_start3A_95 : memref<1x128xi32, #tpu.memory_space<vmem>> -> memref<128xi32, #tpu.memory_space<vmem>>
        %dma_start3A_97 = arith.constant 0 : i32
        %dma_start3A_98 = arith.constant 0 : i32
        %dma_start3A_99 = tpu.memref_slice %arg2[%dma_start3A_97, %dma_start3A_98] : memref<10000x128xf32, #tpu.memory_space<hbm>> -> memref<10000x128xf32, #tpu.memory_space<hbm>>
        tpu.enqueue_indirect_dma source(%dma_start3A_99 : memref<10000x128xf32, #tpu.memory_space<hbm>>) target(%arg12 : memref<128x128xf32, #tpu.memory_space<vmem>>) offsets(%dma_start3A_96 : memref<128xi32, #tpu.memory_space<vmem>>) semaphore(%arg16 : memref<!tpu.dma_semaphore, #tpu.memory_space<semaphore_mem>>)
        %dma_wait3A_100 = arith.constant 0 : i32
        %dma_wait3A_101 = arith.constant 0 : i32
        %dma_wait3A_102 = tpu.memref_slice %arg2[%dma_wait3A_100, %dma_wait3A_101] : memref<10000x128xf32, #tpu.memory_space<hbm>> -> memref<128x128xf32, #tpu.memory_space<hbm>>
        %dma_wait3A_103 = arith.constant 0 : i32
        %dma_wait3A_104 = arith.constant 0 : i32
        %dma_wait3A_105 = tpu.memref_slice %arg2[%dma_wait3A_103, %dma_wait3A_104] : memref<10000x128xf32, #tpu.memory_space<hbm>> -> memref<128x128xf32, #tpu.memory_space<hbm>>
        tpu.wait_dma2 semaphore(%arg15 : memref<!tpu.dma_semaphore, #tpu.memory_space<semaphore_mem>>) src(%dma_wait3A_105 : memref<128x128xf32, #tpu.memory_space<hbm>>) dst(%arg11 : memref<128x128xf32, #tpu.memory_space<vmem>>)
        %run_scoped3A_106 = arith.constant 2 : i32
        "tpu.region"() ({
          %run_scoped3A_200 = tpu.sem_alloc : memref<!tpu.dma_semaphore, #tpu.memory_space<semaphore_mem>>
          %dma_start3A_201 = arith.constant 0 : i32
          %dma_start3A_202 = tpu.memref_slice %arg8[%run_scoped3A_106, %dma_start3A_201] : memref<4x128xi32, #tpu.memory_space<vmem>> -> memref<1x128xi32, #tpu.memory_space<vmem>>
          %dma_start3A_203 = tpu.memref_squeeze %dma_start3A_202 : memref<1x128xi32, #tpu.memory_space<vmem>> -> memref<128xi32, #tpu.memory_space<vmem>>
          %dma_start3A_204 = arith.constant 0 : i32
          %dma_start3A_205 = arith.constant 0 : i32
          %dma_start3A_206 = tpu.memref_slice %arg17[%dma_start3A_204, %dma_start3A_205] : memref<10240x128xf32, #tpu.memory_space<vmem_shared>> -> memref<10240x128xf32, #tpu.memory_space<vmem_shared>>
          tpu.enqueue_indirect_dma source(%arg11 : memref<128x128xf32, #tpu.memory_space<vmem>>) target(%dma_start3A_206 : memref<10240x128xf32, #tpu.memory_space<vmem_shared>>) offsets(%dma_start3A_203 : memref<128xi32, #tpu.memory_space<vmem>>) semaphore(%run_scoped3A_200 : memref<!tpu.dma_semaphore, #tpu.memory_space<semaphore_mem>>) {add = true}
          %dma_wait3A_207 = arith.constant 0 : i32
          %dma_wait3A_208 = tpu.memref_slice %arg8[%run_scoped3A_106, %dma_wait3A_207] : memref<4x128xi32, #tpu.memory_space<vmem>> -> memref<1x128xi32, #tpu.memory_space<vmem>>
          %dma_wait3A_209 = tpu.memref_squeeze %dma_wait3A_208 : memref<1x128xi32, #tpu.memory_space<vmem>> -> memref<128xi32, #tpu.memory_space<vmem>>
          %dma_wait3A_210 = arith.constant 0 : i32
          %dma_wait3A_211 = arith.constant 0 : i32
          %dma_wait3A_212 = tpu.memref_slice %arg17[%dma_wait3A_210, %dma_wait3A_211] : memref<10240x128xf32, #tpu.memory_space<vmem_shared>> -> memref<10240x128xf32, #tpu.memory_space<vmem_shared>>
          tpu.wait_indirect_dma semaphore(%run_scoped3A_200 : memref<!tpu.dma_semaphore, #tpu.memory_space<semaphore_mem>>) src(%arg11 : memref<128x128xf32, #tpu.memory_space<vmem>>) dst(%dma_wait3A_212 : memref<10240x128xf32, #tpu.memory_space<vmem_shared>>)
          tpu.yield
        }) : () -> ()
        %dma_wait3A_107 = arith.constant 0 : i32
        %dma_wait3A_108 = arith.constant 0 : i32
        %dma_wait3A_109 = tpu.memref_slice %arg3[%dma_wait3A_107, %dma_wait3A_108] : memref<2560x128xi32, #tpu.memory_space<hbm>> -> memref<4x128xi32, #tpu.memory_space<hbm>>
        %dma_wait3A_110 = arith.constant 0 : i32
        %dma_wait3A_111 = arith.constant 0 : i32
        %dma_wait3A_112 = tpu.memref_slice %arg3[%dma_wait3A_110, %dma_wait3A_111] : memref<2560x128xi32, #tpu.memory_space<hbm>> -> memref<4x128xi32, #tpu.memory_space<hbm>>
        tpu.wait_dma2 semaphore(%arg14 : memref<!tpu.dma_semaphore, #tpu.memory_space<semaphore_mem>>) src(%dma_wait3A_112 : memref<4x128xi32, #tpu.memory_space<hbm>>) dst(%arg9 : memref<4x128xi32, #tpu.memory_space<vmem>>)
        %dma_wait3A_113 = arith.constant 0 : i32
        %dma_wait3A_114 = arith.constant 0 : i32
        %dma_wait3A_115 = tpu.memref_slice %arg4[%dma_wait3A_113, %dma_wait3A_114] : memref<2560x128xi32, #tpu.memory_space<hbm>> -> memref<4x128xi32, #tpu.memory_space<hbm>>
        %dma_wait3A_116 = arith.constant 0 : i32
        %dma_wait3A_117 = arith.constant 0 : i32
        %dma_wait3A_118 = tpu.memref_slice %arg4[%dma_wait3A_116, %dma_wait3A_117] : memref<2560x128xi32, #tpu.memory_space<hbm>> -> memref<4x128xi32, #tpu.memory_space<hbm>>
        tpu.wait_dma2 semaphore(%arg14 : memref<!tpu.dma_semaphore, #tpu.memory_space<semaphore_mem>>) src(%dma_wait3A_118 : memref<4x128xi32, #tpu.memory_space<hbm>>) dst(%arg10 : memref<4x128xi32, #tpu.memory_space<vmem>>)
        %dma_start3A_119 = arith.constant 0 : i32
        %dma_start3A_120 = arith.constant 0 : i32
        %dma_start3A_121 = tpu.memref_slice %arg9[%dma_start3A_119, %dma_start3A_120] : memref<4x128xi32, #tpu.memory_space<vmem>> -> memref<1x128xi32, #tpu.memory_space<vmem>>
        %dma_start3A_122 = tpu.memref_squeeze %dma_start3A_121 : memref<1x128xi32, #tpu.memory_space<vmem>> -> memref<128xi32, #tpu.memory_space<vmem>>
        %dma_start3A_123 = arith.constant 0 : i32
        %dma_start3A_124 = arith.constant 0 : i32
        %dma_start3A_125 = tpu.memref_slice %arg2[%dma_start3A_123, %dma_start3A_124] : memref<10000x128xf32, #tpu.memory_space<hbm>> -> memref<10000x128xf32, #tpu.memory_space<hbm>>
        tpu.enqueue_indirect_dma source(%dma_start3A_125 : memref<10000x128xf32, #tpu.memory_space<hbm>>) target(%arg11 : memref<128x128xf32, #tpu.memory_space<vmem>>) offsets(%dma_start3A_122 : memref<128xi32, #tpu.memory_space<vmem>>) semaphore(%arg15 : memref<!tpu.dma_semaphore, #tpu.memory_space<semaphore_mem>>)
        %dma_wait3A_126 = arith.constant 0 : i32
        %dma_wait3A_127 = arith.constant 0 : i32
        %dma_wait3A_128 = tpu.memref_slice %arg2[%dma_wait3A_126, %dma_wait3A_127] : memref<10000x128xf32, #tpu.memory_space<hbm>> -> memref<128x128xf32, #tpu.memory_space<hbm>>
        %dma_wait3A_129 = arith.constant 0 : i32
        %dma_wait3A_130 = arith.constant 0 : i32
        %dma_wait3A_131 = tpu.memref_slice %arg2[%dma_wait3A_129, %dma_wait3A_130] : memref<10000x128xf32, #tpu.memory_space<hbm>> -> memref<128x128xf32, #tpu.memory_space<hbm>>
        tpu.wait_dma2 semaphore(%arg16 : memref<!tpu.dma_semaphore, #tpu.memory_space<semaphore_mem>>) src(%dma_wait3A_131 : memref<128x128xf32, #tpu.memory_space<hbm>>) dst(%arg12 : memref<128x128xf32, #tpu.memory_space<vmem>>)
        %run_scoped3A_132 = arith.constant 3 : i32
        "tpu.region"() ({
          %run_scoped3A_200 = tpu.sem_alloc : memref<!tpu.dma_semaphore, #tpu.memory_space<semaphore_mem>>
          %dma_start3A_201 = arith.constant 0 : i32
          %dma_start3A_202 = tpu.memref_slice %arg8[%run_scoped3A_132, %dma_start3A_201] : memref<4x128xi32, #tpu.memory_space<vmem>> -> memref<1x128xi32, #tpu.memory_space<vmem>>
          %dma_start3A_203 = tpu.memref_squeeze %dma_start3A_202 : memref<1x128xi32, #tpu.memory_space<vmem>> -> memref<128xi32, #tpu.memory_space<vmem>>
          %dma_start3A_204 = arith.constant 0 : i32
          %dma_start3A_205 = arith.constant 0 : i32
          %dma_start3A_206 = tpu.memref_slice %arg17[%dma_start3A_204, %dma_start3A_205] : memref<10240x128xf32, #tpu.memory_space<vmem_shared>> -> memref<10240x128xf32, #tpu.memory_space<vmem_shared>>
          tpu.enqueue_indirect_dma source(%arg12 : memref<128x128xf32, #tpu.memory_space<vmem>>) target(%dma_start3A_206 : memref<10240x128xf32, #tpu.memory_space<vmem_shared>>) offsets(%dma_start3A_203 : memref<128xi32, #tpu.memory_space<vmem>>) semaphore(%run_scoped3A_200 : memref<!tpu.dma_semaphore, #tpu.memory_space<semaphore_mem>>) {add = true}
          %dma_wait3A_207 = arith.constant 0 : i32
          %dma_wait3A_208 = tpu.memref_slice %arg8[%run_scoped3A_132, %dma_wait3A_207] : memref<4x128xi32, #tpu.memory_space<vmem>> -> memref<1x128xi32, #tpu.memory_space<vmem>>
          %dma_wait3A_209 = tpu.memref_squeeze %dma_wait3A_208 : memref<1x128xi32, #tpu.memory_space<vmem>> -> memref<128xi32, #tpu.memory_space<vmem>>
          %dma_wait3A_210 = arith.constant 0 : i32
          %dma_wait3A_211 = arith.constant 0 : i32
          %dma_wait3A_212 = tpu.memref_slice %arg17[%dma_wait3A_210, %dma_wait3A_211] : memref<10240x128xf32, #tpu.memory_space<vmem_shared>> -> memref<10240x128xf32, #tpu.memory_space<vmem_shared>>
          tpu.wait_indirect_dma semaphore(%run_scoped3A_200 : memref<!tpu.dma_semaphore, #tpu.memory_space<semaphore_mem>>) src(%arg12 : memref<128x128xf32, #tpu.memory_space<vmem>>) dst(%dma_wait3A_212 : memref<10240x128xf32, #tpu.memory_space<vmem_shared>>)
          tpu.yield
        }) : () -> ()
        %add3A_133 = arith.constant 8 : i32
        %add3A_134 = arith.addi %mul3A_63, %add3A_133 : i32
        %lt3A_135 = arith.cmpi slt, %add3A_134, %select_n3A_8 : i32
        %convert_element_type3A_136 = arith.extui %lt3A_135 : i1 to i32
        %cond3A_137 = arith.constant 0 : i32
        %cond3A_138 = arith.cmpi ne, %convert_element_type3A_136, %cond3A_137 : i32
        scf.if %cond3A_138 {
          %add3A_200 = arith.constant 8 : i32
          %add3A_201 = arith.addi %mul3A_63, %add3A_200 : i32
          %add3A_202 = arith.addi %select_n3A, %add3A_201 : i32
          %dma_start3A_203 = arith.constant 0 : i32
          %dma_start3A_204 = tpu.memref_slice %arg3[%add3A_202, %dma_start3A_203] : memref<2560x128xi32, #tpu.memory_space<hbm>> -> memref<4x128xi32, #tpu.memory_space<hbm>>
          %dma_start3A_205 = arith.constant 0 : i32
          %dma_start3A_206 = tpu.memref_slice %arg3[%add3A_202, %dma_start3A_205] : memref<2560x128xi32, #tpu.memory_space<hbm>> -> memref<4x128xi32, #tpu.memory_space<hbm>>
          tpu.enqueue_dma source(%dma_start3A_206 : memref<4x128xi32, #tpu.memory_space<hbm>>) target(%arg7 : memref<4x128xi32, #tpu.memory_space<vmem>>) target_semaphore(%arg13 : memref<!tpu.dma_semaphore, #tpu.memory_space<semaphore_mem>>)
          %add3A_207 = arith.addi %select_n3A, %add3A_201 : i32
          %dma_start3A_208 = arith.constant 0 : i32
          %dma_start3A_209 = tpu.memref_slice %arg4[%add3A_207, %dma_start3A_208] : memref<2560x128xi32, #tpu.memory_space<hbm>> -> memref<4x128xi32, #tpu.memory_space<hbm>>
          %dma_start3A_210 = arith.constant 0 : i32
          %dma_start3A_211 = tpu.memref_slice %arg4[%add3A_207, %dma_start3A_210] : memref<2560x128xi32, #tpu.memory_space<hbm>> -> memref<4x128xi32, #tpu.memory_space<hbm>>
          tpu.enqueue_dma source(%dma_start3A_211 : memref<4x128xi32, #tpu.memory_space<hbm>>) target(%arg8 : memref<4x128xi32, #tpu.memory_space<vmem>>) target_semaphore(%arg13 : memref<!tpu.dma_semaphore, #tpu.memory_space<semaphore_mem>>)
        } else {
        }
        %dma_start3A_139 = arith.constant 1 : i32
        %dma_start3A_140 = arith.constant 0 : i32
        %dma_start3A_141 = tpu.memref_slice %arg9[%dma_start3A_139, %dma_start3A_140] : memref<4x128xi32, #tpu.memory_space<vmem>> -> memref<1x128xi32, #tpu.memory_space<vmem>>
        %dma_start3A_142 = tpu.memref_squeeze %dma_start3A_141 : memref<1x128xi32, #tpu.memory_space<vmem>> -> memref<128xi32, #tpu.memory_space<vmem>>
        %dma_start3A_143 = arith.constant 0 : i32
        %dma_start3A_144 = arith.constant 0 : i32
        %dma_start3A_145 = tpu.memref_slice %arg2[%dma_start3A_143, %dma_start3A_144] : memref<10000x128xf32, #tpu.memory_space<hbm>> -> memref<10000x128xf32, #tpu.memory_space<hbm>>
        tpu.enqueue_indirect_dma source(%dma_start3A_145 : memref<10000x128xf32, #tpu.memory_space<hbm>>) target(%arg12 : memref<128x128xf32, #tpu.memory_space<vmem>>) offsets(%dma_start3A_142 : memref<128xi32, #tpu.memory_space<vmem>>) semaphore(%arg16 : memref<!tpu.dma_semaphore, #tpu.memory_space<semaphore_mem>>)
        %dma_wait3A_146 = arith.constant 0 : i32
        %dma_wait3A_147 = arith.constant 0 : i32
        %dma_wait3A_148 = tpu.memref_slice %arg2[%dma_wait3A_146, %dma_wait3A_147] : memref<10000x128xf32, #tpu.memory_space<hbm>> -> memref<128x128xf32, #tpu.memory_space<hbm>>
        %dma_wait3A_149 = arith.constant 0 : i32
        %dma_wait3A_150 = arith.constant 0 : i32
        %dma_wait3A_151 = tpu.memref_slice %arg2[%dma_wait3A_149, %dma_wait3A_150] : memref<10000x128xf32, #tpu.memory_space<hbm>> -> memref<128x128xf32, #tpu.memory_space<hbm>>
        tpu.wait_dma2 semaphore(%arg15 : memref<!tpu.dma_semaphore, #tpu.memory_space<semaphore_mem>>) src(%dma_wait3A_151 : memref<128x128xf32, #tpu.memory_space<hbm>>) dst(%arg11 : memref<128x128xf32, #tpu.memory_space<vmem>>)
        %run_scoped3A_152 = arith.constant 0 : i32
        "tpu.region"() ({
          %run_scoped3A_200 = tpu.sem_alloc : memref<!tpu.dma_semaphore, #tpu.memory_space<semaphore_mem>>
          %dma_start3A_201 = arith.constant 0 : i32
          %dma_start3A_202 = tpu.memref_slice %arg10[%run_scoped3A_152, %dma_start3A_201] : memref<4x128xi32, #tpu.memory_space<vmem>> -> memref<1x128xi32, #tpu.memory_space<vmem>>
          %dma_start3A_203 = tpu.memref_squeeze %dma_start3A_202 : memref<1x128xi32, #tpu.memory_space<vmem>> -> memref<128xi32, #tpu.memory_space<vmem>>
          %dma_start3A_204 = arith.constant 0 : i32
          %dma_start3A_205 = arith.constant 0 : i32
          %dma_start3A_206 = tpu.memref_slice %arg17[%dma_start3A_204, %dma_start3A_205] : memref<10240x128xf32, #tpu.memory_space<vmem_shared>> -> memref<10240x128xf32, #tpu.memory_space<vmem_shared>>
          tpu.enqueue_indirect_dma source(%arg11 : memref<128x128xf32, #tpu.memory_space<vmem>>) target(%dma_start3A_206 : memref<10240x128xf32, #tpu.memory_space<vmem_shared>>) offsets(%dma_start3A_203 : memref<128xi32, #tpu.memory_space<vmem>>) semaphore(%run_scoped3A_200 : memref<!tpu.dma_semaphore, #tpu.memory_space<semaphore_mem>>) {add = true}
          %dma_wait3A_207 = arith.constant 0 : i32
          %dma_wait3A_208 = tpu.memref_slice %arg10[%run_scoped3A_152, %dma_wait3A_207] : memref<4x128xi32, #tpu.memory_space<vmem>> -> memref<1x128xi32, #tpu.memory_space<vmem>>
          %dma_wait3A_209 = tpu.memref_squeeze %dma_wait3A_208 : memref<1x128xi32, #tpu.memory_space<vmem>> -> memref<128xi32, #tpu.memory_space<vmem>>
          %dma_wait3A_210 = arith.constant 0 : i32
          %dma_wait3A_211 = arith.constant 0 : i32
          %dma_wait3A_212 = tpu.memref_slice %arg17[%dma_wait3A_210, %dma_wait3A_211] : memref<10240x128xf32, #tpu.memory_space<vmem_shared>> -> memref<10240x128xf32, #tpu.memory_space<vmem_shared>>
          tpu.wait_indirect_dma semaphore(%run_scoped3A_200 : memref<!tpu.dma_semaphore, #tpu.memory_space<semaphore_mem>>) src(%arg11 : memref<128x128xf32, #tpu.memory_space<vmem>>) dst(%dma_wait3A_212 : memref<10240x128xf32, #tpu.memory_space<vmem_shared>>)
          tpu.yield
        }) : () -> ()
        %dma_start3A_153 = arith.constant 2 : i32
        %dma_start3A_154 = arith.constant 0 : i32
        %dma_start3A_155 = tpu.memref_slice %arg9[%dma_start3A_153, %dma_start3A_154] : memref<4x128xi32, #tpu.memory_space<vmem>> -> memref<1x128xi32, #tpu.memory_space<vmem>>
        %dma_start3A_156 = tpu.memref_squeeze %dma_start3A_155 : memref<1x128xi32, #tpu.memory_space<vmem>> -> memref<128xi32, #tpu.memory_space<vmem>>
        %dma_start3A_157 = arith.constant 0 : i32
        %dma_start3A_158 = arith.constant 0 : i32
        %dma_start3A_159 = tpu.memref_slice %arg2[%dma_start3A_157, %dma_start3A_158] : memref<10000x128xf32, #tpu.memory_space<hbm>> -> memref<10000x128xf32, #tpu.memory_space<hbm>>
        tpu.enqueue_indirect_dma source(%dma_start3A_159 : memref<10000x128xf32, #tpu.memory_space<hbm>>) target(%arg11 : memref<128x128xf32, #tpu.memory_space<vmem>>) offsets(%dma_start3A_156 : memref<128xi32, #tpu.memory_space<vmem>>) semaphore(%arg15 : memref<!tpu.dma_semaphore, #tpu.memory_space<semaphore_mem>>)
        %dma_wait3A_160 = arith.constant 0 : i32
        %dma_wait3A_161 = arith.constant 0 : i32
        %dma_wait3A_162 = tpu.memref_slice %arg2[%dma_wait3A_160, %dma_wait3A_161] : memref<10000x128xf32, #tpu.memory_space<hbm>> -> memref<128x128xf32, #tpu.memory_space<hbm>>
        %dma_wait3A_163 = arith.constant 0 : i32
        %dma_wait3A_164 = arith.constant 0 : i32
        %dma_wait3A_165 = tpu.memref_slice %arg2[%dma_wait3A_163, %dma_wait3A_164] : memref<10000x128xf32, #tpu.memory_space<hbm>> -> memref<128x128xf32, #tpu.memory_space<hbm>>
        tpu.wait_dma2 semaphore(%arg16 : memref<!tpu.dma_semaphore, #tpu.memory_space<semaphore_mem>>) src(%dma_wait3A_165 : memref<128x128xf32, #tpu.memory_space<hbm>>) dst(%arg12 : memref<128x128xf32, #tpu.memory_space<vmem>>)
        %run_scoped3A_166 = arith.constant 1 : i32
        "tpu.region"() ({
          %run_scoped3A_200 = tpu.sem_alloc : memref<!tpu.dma_semaphore, #tpu.memory_space<semaphore_mem>>
          %dma_start3A_201 = arith.constant 0 : i32
          %dma_start3A_202 = tpu.memref_slice %arg10[%run_scoped3A_166, %dma_start3A_201] : memref<4x128xi32, #tpu.memory_space<vmem>> -> memref<1x128xi32, #tpu.memory_space<vmem>>
          %dma_start3A_203 = tpu.memref_squeeze %dma_start3A_202 : memref<1x128xi32, #tpu.memory_space<vmem>> -> memref<128xi32, #tpu.memory_space<vmem>>
          %dma_start3A_204 = arith.constant 0 : i32
          %dma_start3A_205 = arith.constant 0 : i32
          %dma_start3A_206 = tpu.memref_slice %arg17[%dma_start3A_204, %dma_start3A_205] : memref<10240x128xf32, #tpu.memory_space<vmem_shared>> -> memref<10240x128xf32, #tpu.memory_space<vmem_shared>>
          tpu.enqueue_indirect_dma source(%arg12 : memref<128x128xf32, #tpu.memory_space<vmem>>) target(%dma_start3A_206 : memref<10240x128xf32, #tpu.memory_space<vmem_shared>>) offsets(%dma_start3A_203 : memref<128xi32, #tpu.memory_space<vmem>>) semaphore(%run_scoped3A_200 : memref<!tpu.dma_semaphore, #tpu.memory_space<semaphore_mem>>) {add = true}
          %dma_wait3A_207 = arith.constant 0 : i32
          %dma_wait3A_208 = tpu.memref_slice %arg10[%run_scoped3A_166, %dma_wait3A_207] : memref<4x128xi32, #tpu.memory_space<vmem>> -> memref<1x128xi32, #tpu.memory_space<vmem>>
          %dma_wait3A_209 = tpu.memref_squeeze %dma_wait3A_208 : memref<1x128xi32, #tpu.memory_space<vmem>> -> memref<128xi32, #tpu.memory_space<vmem>>
          %dma_wait3A_210 = arith.constant 0 : i32
          %dma_wait3A_211 = arith.constant 0 : i32
          %dma_wait3A_212 = tpu.memref_slice %arg17[%dma_wait3A_210, %dma_wait3A_211] : memref<10240x128xf32, #tpu.memory_space<vmem_shared>> -> memref<10240x128xf32, #tpu.memory_space<vmem_shared>>
          tpu.wait_indirect_dma semaphore(%run_scoped3A_200 : memref<!tpu.dma_semaphore, #tpu.memory_space<semaphore_mem>>) src(%arg12 : memref<128x128xf32, #tpu.memory_space<vmem>>) dst(%dma_wait3A_212 : memref<10240x128xf32, #tpu.memory_space<vmem_shared>>)
          tpu.yield
        }) : () -> ()
        %dma_start3A_167 = arith.constant 3 : i32
        %dma_start3A_168 = arith.constant 0 : i32
        %dma_start3A_169 = tpu.memref_slice %arg9[%dma_start3A_167, %dma_start3A_168] : memref<4x128xi32, #tpu.memory_space<vmem>> -> memref<1x128xi32, #tpu.memory_space<vmem>>
        %dma_start3A_170 = tpu.memref_squeeze %dma_start3A_169 : memref<1x128xi32, #tpu.memory_space<vmem>> -> memref<128xi32, #tpu.memory_space<vmem>>
        %dma_start3A_171 = arith.constant 0 : i32
        %dma_start3A_172 = arith.constant 0 : i32
        %dma_start3A_173 = tpu.memref_slice %arg2[%dma_start3A_171, %dma_start3A_172] : memref<10000x128xf32, #tpu.memory_space<hbm>> -> memref<10000x128xf32, #tpu.memory_space<hbm>>
        tpu.enqueue_indirect_dma source(%dma_start3A_173 : memref<10000x128xf32, #tpu.memory_space<hbm>>) target(%arg12 : memref<128x128xf32, #tpu.memory_space<vmem>>) offsets(%dma_start3A_170 : memref<128xi32, #tpu.memory_space<vmem>>) semaphore(%arg16 : memref<!tpu.dma_semaphore, #tpu.memory_space<semaphore_mem>>)
        %dma_wait3A_174 = arith.constant 0 : i32
        %dma_wait3A_175 = arith.constant 0 : i32
        %dma_wait3A_176 = tpu.memref_slice %arg2[%dma_wait3A_174, %dma_wait3A_175] : memref<10000x128xf32, #tpu.memory_space<hbm>> -> memref<128x128xf32, #tpu.memory_space<hbm>>
        %dma_wait3A_177 = arith.constant 0 : i32
        %dma_wait3A_178 = arith.constant 0 : i32
        %dma_wait3A_179 = tpu.memref_slice %arg2[%dma_wait3A_177, %dma_wait3A_178] : memref<10000x128xf32, #tpu.memory_space<hbm>> -> memref<128x128xf32, #tpu.memory_space<hbm>>
        tpu.wait_dma2 semaphore(%arg15 : memref<!tpu.dma_semaphore, #tpu.memory_space<semaphore_mem>>) src(%dma_wait3A_179 : memref<128x128xf32, #tpu.memory_space<hbm>>) dst(%arg11 : memref<128x128xf32, #tpu.memory_space<vmem>>)
        %run_scoped3A_180 = arith.constant 2 : i32
        "tpu.region"() ({
          %run_scoped3A_200 = tpu.sem_alloc : memref<!tpu.dma_semaphore, #tpu.memory_space<semaphore_mem>>
          %dma_start3A_201 = arith.constant 0 : i32
          %dma_start3A_202 = tpu.memref_slice %arg10[%run_scoped3A_180, %dma_start3A_201] : memref<4x128xi32, #tpu.memory_space<vmem>> -> memref<1x128xi32, #tpu.memory_space<vmem>>
          %dma_start3A_203 = tpu.memref_squeeze %dma_start3A_202 : memref<1x128xi32, #tpu.memory_space<vmem>> -> memref<128xi32, #tpu.memory_space<vmem>>
          %dma_start3A_204 = arith.constant 0 : i32
          %dma_start3A_205 = arith.constant 0 : i32
          %dma_start3A_206 = tpu.memref_slice %arg17[%dma_start3A_204, %dma_start3A_205] : memref<10240x128xf32, #tpu.memory_space<vmem_shared>> -> memref<10240x128xf32, #tpu.memory_space<vmem_shared>>
          tpu.enqueue_indirect_dma source(%arg11 : memref<128x128xf32, #tpu.memory_space<vmem>>) target(%dma_start3A_206 : memref<10240x128xf32, #tpu.memory_space<vmem_shared>>) offsets(%dma_start3A_203 : memref<128xi32, #tpu.memory_space<vmem>>) semaphore(%run_scoped3A_200 : memref<!tpu.dma_semaphore, #tpu.memory_space<semaphore_mem>>) {add = true}
          %dma_wait3A_207 = arith.constant 0 : i32
          %dma_wait3A_208 = tpu.memref_slice %arg10[%run_scoped3A_180, %dma_wait3A_207] : memref<4x128xi32, #tpu.memory_space<vmem>> -> memref<1x128xi32, #tpu.memory_space<vmem>>
          %dma_wait3A_209 = tpu.memref_squeeze %dma_wait3A_208 : memref<1x128xi32, #tpu.memory_space<vmem>> -> memref<128xi32, #tpu.memory_space<vmem>>
          %dma_wait3A_210 = arith.constant 0 : i32
          %dma_wait3A_211 = arith.constant 0 : i32
          %dma_wait3A_212 = tpu.memref_slice %arg17[%dma_wait3A_210, %dma_wait3A_211] : memref<10240x128xf32, #tpu.memory_space<vmem_shared>> -> memref<10240x128xf32, #tpu.memory_space<vmem_shared>>
          tpu.wait_indirect_dma semaphore(%run_scoped3A_200 : memref<!tpu.dma_semaphore, #tpu.memory_space<semaphore_mem>>) src(%arg11 : memref<128x128xf32, #tpu.memory_space<vmem>>) dst(%dma_wait3A_212 : memref<10240x128xf32, #tpu.memory_space<vmem_shared>>)
          tpu.yield
        }) : () -> ()
        %add3A_181 = arith.constant 8 : i32
        %add3A_182 = arith.addi %mul3A_63, %add3A_181 : i32
        %lt3A_183 = arith.cmpi slt, %add3A_182, %select_n3A_8 : i32
        %convert_element_type3A_184 = arith.extui %lt3A_183 : i1 to i32
        %cond3A_185 = arith.constant 0 : i32
        %cond3A_186 = arith.cmpi ne, %convert_element_type3A_184, %cond3A_185 : i32
        scf.if %cond3A_186 {
          %dma_wait3A_200 = arith.constant 0 : i32
          %dma_wait3A_201 = arith.constant 0 : i32
          %dma_wait3A_202 = tpu.memref_slice %arg3[%dma_wait3A_200, %dma_wait3A_201] : memref<2560x128xi32, #tpu.memory_space<hbm>> -> memref<4x128xi32, #tpu.memory_space<hbm>>
          %dma_wait3A_203 = arith.constant 0 : i32
          %dma_wait3A_204 = arith.constant 0 : i32
          %dma_wait3A_205 = tpu.memref_slice %arg3[%dma_wait3A_203, %dma_wait3A_204] : memref<2560x128xi32, #tpu.memory_space<hbm>> -> memref<4x128xi32, #tpu.memory_space<hbm>>
          tpu.wait_dma2 semaphore(%arg13 : memref<!tpu.dma_semaphore, #tpu.memory_space<semaphore_mem>>) src(%dma_wait3A_205 : memref<4x128xi32, #tpu.memory_space<hbm>>) dst(%arg7 : memref<4x128xi32, #tpu.memory_space<vmem>>)
          %dma_wait3A_206 = arith.constant 0 : i32
          %dma_wait3A_207 = arith.constant 0 : i32
          %dma_wait3A_208 = tpu.memref_slice %arg4[%dma_wait3A_206, %dma_wait3A_207] : memref<2560x128xi32, #tpu.memory_space<hbm>> -> memref<4x128xi32, #tpu.memory_space<hbm>>
          %dma_wait3A_209 = arith.constant 0 : i32
          %dma_wait3A_210 = arith.constant 0 : i32
          %dma_wait3A_211 = tpu.memref_slice %arg4[%dma_wait3A_209, %dma_wait3A_210] : memref<2560x128xi32, #tpu.memory_space<hbm>> -> memref<4x128xi32, #tpu.memory_space<hbm>>
          tpu.wait_dma2 semaphore(%arg13 : memref<!tpu.dma_semaphore, #tpu.memory_space<semaphore_mem>>) src(%dma_wait3A_211 : memref<4x128xi32, #tpu.memory_space<hbm>>) dst(%arg8 : memref<4x128xi32, #tpu.memory_space<vmem>>)
          %dma_start3A_212 = arith.constant 0 : i32
          %dma_start3A_213 = arith.constant 0 : i32
          %dma_start3A_214 = tpu.memref_slice %arg7[%dma_start3A_212, %dma_start3A_213] : memref<4x128xi32, #tpu.memory_space<vmem>> -> memref<1x128xi32, #tpu.memory_space<vmem>>
          %dma_start3A_215 = tpu.memref_squeeze %dma_start3A_214 : memref<1x128xi32, #tpu.memory_space<vmem>> -> memref<128xi32, #tpu.memory_space<vmem>>
          %dma_start3A_216 = arith.constant 0 : i32
          %dma_start3A_217 = arith.constant 0 : i32
          %dma_start3A_218 = tpu.memref_slice %arg2[%dma_start3A_216, %dma_start3A_217] : memref<10000x128xf32, #tpu.memory_space<hbm>> -> memref<10000x128xf32, #tpu.memory_space<hbm>>
          tpu.enqueue_indirect_dma source(%dma_start3A_218 : memref<10000x128xf32, #tpu.memory_space<hbm>>) target(%arg11 : memref<128x128xf32, #tpu.memory_space<vmem>>) offsets(%dma_start3A_215 : memref<128xi32, #tpu.memory_space<vmem>>) semaphore(%arg15 : memref<!tpu.dma_semaphore, #tpu.memory_space<semaphore_mem>>)
        } else {
        }
        %dma_wait3A_187 = arith.constant 0 : i32
        %dma_wait3A_188 = arith.constant 0 : i32
        %dma_wait3A_189 = tpu.memref_slice %arg2[%dma_wait3A_187, %dma_wait3A_188] : memref<10000x128xf32, #tpu.memory_space<hbm>> -> memref<128x128xf32, #tpu.memory_space<hbm>>
        %dma_wait3A_190 = arith.constant 0 : i32
        %dma_wait3A_191 = arith.constant 0 : i32
        %dma_wait3A_192 = tpu.memref_slice %arg2[%dma_wait3A_190, %dma_wait3A_191] : memref<10000x128xf32, #tpu.memory_space<hbm>> -> memref<128x128xf32, #tpu.memory_space<hbm>>
        tpu.wait_dma2 semaphore(%arg16 : memref<!tpu.dma_semaphore, #tpu.memory_space<semaphore_mem>>) src(%dma_wait3A_192 : memref<128x128xf32, #tpu.memory_space<hbm>>) dst(%arg12 : memref<128x128xf32, #tpu.memory_space<vmem>>)
        %run_scoped3A_193 = arith.constant 3 : i32
        "tpu.region"() ({
          %run_scoped3A_200 = tpu.sem_alloc : memref<!tpu.dma_semaphore, #tpu.memory_space<semaphore_mem>>
          %dma_start3A_201 = arith.constant 0 : i32
          %dma_start3A_202 = tpu.memref_slice %arg10[%run_scoped3A_193, %dma_start3A_201] : memref<4x128xi32, #tpu.memory_space<vmem>> -> memref<1x128xi32, #tpu.memory_space<vmem>>
          %dma_start3A_203 = tpu.memref_squeeze %dma_start3A_202 : memref<1x128xi32, #tpu.memory_space<vmem>> -> memref<128xi32, #tpu.memory_space<vmem>>
          %dma_start3A_204 = arith.constant 0 : i32
          %dma_start3A_205 = arith.constant 0 : i32
          %dma_start3A_206 = tpu.memref_slice %arg17[%dma_start3A_204, %dma_start3A_205] : memref<10240x128xf32, #tpu.memory_space<vmem_shared>> -> memref<10240x128xf32, #tpu.memory_space<vmem_shared>>
          tpu.enqueue_indirect_dma source(%arg12 : memref<128x128xf32, #tpu.memory_space<vmem>>) target(%dma_start3A_206 : memref<10240x128xf32, #tpu.memory_space<vmem_shared>>) offsets(%dma_start3A_203 : memref<128xi32, #tpu.memory_space<vmem>>) semaphore(%run_scoped3A_200 : memref<!tpu.dma_semaphore, #tpu.memory_space<semaphore_mem>>) {add = true}
          %dma_wait3A_207 = arith.constant 0 : i32
          %dma_wait3A_208 = tpu.memref_slice %arg10[%run_scoped3A_193, %dma_wait3A_207] : memref<4x128xi32, #tpu.memory_space<vmem>> -> memref<1x128xi32, #tpu.memory_space<vmem>>
          %dma_wait3A_209 = tpu.memref_squeeze %dma_wait3A_208 : memref<1x128xi32, #tpu.memory_space<vmem>> -> memref<128xi32, #tpu.memory_space<vmem>>
          %dma_wait3A_210 = arith.constant 0 : i32
          %dma_wait3A_211 = arith.constant 0 : i32
          %dma_wait3A_212 = tpu.memref_slice %arg17[%dma_wait3A_210, %dma_wait3A_211] : memref<10240x128xf32, #tpu.memory_space<vmem_shared>> -> memref<10240x128xf32, #tpu.memory_space<vmem_shared>>
          tpu.wait_indirect_dma semaphore(%run_scoped3A_200 : memref<!tpu.dma_semaphore, #tpu.memory_space<semaphore_mem>>) src(%arg12 : memref<128x128xf32, #tpu.memory_space<vmem>>) dst(%dma_wait3A_212 : memref<10240x128xf32, #tpu.memory_space<vmem_shared>>)
          tpu.yield
        }) : () -> ()
        %add3A_194 = arith.constant 12 : i32
        %add3A_195 = arith.addi %mul3A_63, %add3A_194 : i32
        %lt3A_196 = arith.cmpi slt, %add3A_195, %select_n3A_8 : i32
        %convert_element_type3A_197 = arith.extui %lt3A_196 : i1 to i32
        %cond3A_198 = arith.constant 0 : i32
        %cond3A_199 = arith.cmpi ne, %convert_element_type3A_197, %cond3A_198 : i32
        scf.if %cond3A_199 {
          %add3A_200 = arith.constant 12 : i32
          %add3A_201 = arith.addi %mul3A_63, %add3A_200 : i32
          %add3A_202 = arith.addi %select_n3A, %add3A_201 : i32
          %dma_start3A_203 = arith.constant 0 : i32
          %dma_start3A_204 = tpu.memref_slice %arg3[%add3A_202, %dma_start3A_203] : memref<2560x128xi32, #tpu.memory_space<hbm>> -> memref<4x128xi32, #tpu.memory_space<hbm>>
          %dma_start3A_205 = arith.constant 0 : i32
          %dma_start3A_206 = tpu.memref_slice %arg3[%add3A_202, %dma_start3A_205] : memref<2560x128xi32, #tpu.memory_space<hbm>> -> memref<4x128xi32, #tpu.memory_space<hbm>>
          tpu.enqueue_dma source(%dma_start3A_206 : memref<4x128xi32, #tpu.memory_space<hbm>>) target(%arg9 : memref<4x128xi32, #tpu.memory_space<vmem>>) target_semaphore(%arg14 : memref<!tpu.dma_semaphore, #tpu.memory_space<semaphore_mem>>)
          %add3A_207 = arith.addi %select_n3A, %add3A_201 : i32
          %dma_start3A_208 = arith.constant 0 : i32
          %dma_start3A_209 = tpu.memref_slice %arg4[%add3A_207, %dma_start3A_208] : memref<2560x128xi32, #tpu.memory_space<hbm>> -> memref<4x128xi32, #tpu.memory_space<hbm>>
          %dma_start3A_210 = arith.constant 0 : i32
          %dma_start3A_211 = tpu.memref_slice %arg4[%add3A_207, %dma_start3A_210] : memref<2560x128xi32, #tpu.memory_space<hbm>> -> memref<4x128xi32, #tpu.memory_space<hbm>>
          tpu.enqueue_dma source(%dma_start3A_211 : memref<4x128xi32, #tpu.memory_space<hbm>>) target(%arg10 : memref<4x128xi32, #tpu.memory_space<vmem>>) target_semaphore(%arg14 : memref<!tpu.dma_semaphore, #tpu.memory_space<semaphore_mem>>)
        } else {
        }
      } else {
      }
    }
    %scan3A_55 = arith.constant 19 : i32
    %barrier3A_56 = arith.constant 0 : index
    tpu.barrier barrier_id(%barrier3A_56)
    %lt3A = arith.constant 10 : i32
    %lt3A_57 = arith.cmpi slt, %arg1, %lt3A : i32
    %convert_element_type3A_58 = arith.extui %lt3A_57 : i1 to i32
    %cond3A_59 = arith.constant 0 : i32
    %cond3A_60 = arith.cmpi ne, %convert_element_type3A_58, %cond3A_59 : i32
    scf.if %cond3A_60 {
      %mul3A_61 = arith.constant 1000 : i32
      %mul3A_62 = arith.muli %arg1, %mul3A_61 : i32
      %mul3A_63 = arith.constant 1000 : i32
      %mul3A_64 = arith.muli %arg1, %mul3A_63 : i32
      "tpu.region"() ({
        %run_scoped3A = tpu.sem_alloc : memref<!tpu.dma_semaphore, #tpu.memory_space<semaphore_mem>>
        %dma_start3A = arith.constant 0 : i32
        %dma_start3A_65 = tpu.memref_slice %arg6[%arg0, %mul3A_64, %dma_start3A] : memref<2x10000x128xf32, #tpu.memory_space<hbm>> -> memref<1x1000x128xf32, #tpu.memory_space<hbm>>
        %dma_start3A_66 = tpu.memref_squeeze %dma_start3A_65 : memref<1x1000x128xf32, #tpu.memory_space<hbm>> -> memref<1000x128xf32, #tpu.memory_space<hbm>>
        %dma_start3A_67 = arith.constant 0 : i32
        %dma_start3A_68 = tpu.memref_slice %arg17[%mul3A_62, %dma_start3A_67] : memref<10240x128xf32, #tpu.memory_space<vmem_shared>> -> memref<1000x128xf32, #tpu.memory_space<vmem_shared>>
        tpu.enqueue_dma source(%dma_start3A_68 : memref<1000x128xf32, #tpu.memory_space<vmem_shared>>) target(%dma_start3A_66 : memref<1000x128xf32, #tpu.memory_space<hbm>>) target_semaphore(%run_scoped3A : memref<!tpu.dma_semaphore, #tpu.memory_space<semaphore_mem>>)
        %dma_wait3A = arith.constant 0 : i32
        %dma_wait3A_69 = tpu.memref_slice %arg6[%arg0, %mul3A_64, %dma_wait3A] : memref<2x10000x128xf32, #tpu.memory_space<hbm>> -> memref<1x1000x128xf32, #tpu.memory_space<hbm>>
        %dma_wait3A_70 = tpu.memref_squeeze %dma_wait3A_69 : memref<1x1000x128xf32, #tpu.memory_space<hbm>> -> memref<1000x128xf32, #tpu.memory_space<hbm>>
        %dma_wait3A_71 = arith.constant 0 : i32
        %dma_wait3A_72 = tpu.memref_slice %arg17[%mul3A_62, %dma_wait3A_71] : memref<10240x128xf32, #tpu.memory_space<vmem_shared>> -> memref<1000x128xf32, #tpu.memory_space<vmem_shared>>
        tpu.wait_dma2 semaphore(%run_scoped3A : memref<!tpu.dma_semaphore, #tpu.memory_space<semaphore_mem>>) src(%dma_wait3A_72 : memref<1000x128xf32, #tpu.memory_space<vmem_shared>>) dst(%dma_wait3A_70 : memref<1000x128xf32, #tpu.memory_space<hbm>>)
        tpu.yield
      }) : () -> ()
    } else {
    }
    return
  }
}

#map = affine_map<(d0, d1) -> (0, 0)>
#map1 = affine_map<(d0, d1) -> (0, 0, 0)>
module attributes {stable_mosaic.version = 14 : i64} {
  func.func @sc_aggregate(%arg0: i32, %arg1: i32, %arg2: memref<10000x64xf32, #tpu.memory_space<hbm>>, %arg3: memref<2560x128xi32, #tpu.memory_space<hbm>>, %arg4: memref<2560x128xi32, #tpu.memory_space<hbm>>, %arg5: memref<64x64xf32, #tpu.memory_space<hbm>>, %arg6: memref<2x10000x64xf32, #tpu.memory_space<hbm>>, %arg7: memref<4x128xi32, #tpu.memory_space<vmem>>, %arg8: memref<4x128xi32, #tpu.memory_space<vmem>>, %arg9: memref<4x128xi32, #tpu.memory_space<vmem>>, %arg10: memref<4x128xi32, #tpu.memory_space<vmem>>, %arg11: memref<128x64xf32, #tpu.memory_space<vmem>>, %arg12: memref<128x64xf32, #tpu.memory_space<vmem>>, %arg13: memref<!tpu.dma_semaphore, #tpu.memory_space<semaphore_mem>>, %arg14: memref<!tpu.dma_semaphore, #tpu.memory_space<semaphore_mem>>, %arg15: memref<!tpu.dma_semaphore, #tpu.memory_space<semaphore_mem>>, %arg16: memref<!tpu.dma_semaphore, #tpu.memory_space<semaphore_mem>>, %arg17: memref<10240x64xf32, #tpu.memory_space<vmem_shared>>) attributes {dimension_semantics = [#tpu.dimension_semantics<core_parallel>, #tpu.dimension_semantics<subcore_parallel>], iteration_bounds = array<i64: 2, 16>, scalar_prefetch = 0 : i64, scratch_operands = 11 : i64, tpu.core_type = #tpu.core_type<sc_vector_subcore>, window_params = [{transform_indices = #map}, {transform_indices = #map}, {transform_indices = #map}, {transform_indices = #map}, {transform_indices = #map1}]} {
    %eq3A = arith.constant 0 : i32
    %eq3A_0 = arith.cmpi eq, %arg0, %eq3A : i32
    %mul3A = arith.constant 152 : i32
    %mul3A_1 = arith.muli %arg1, %mul3A : i32
    %mul3A_2 = arith.constant 8 : i32
    %mul3A_3 = arith.muli %arg1, %mul3A_2 : i32
    %add3A = arith.constant 2432 : i32
    %add3A_4 = arith.addi %add3A, %mul3A_3 : i32
    %select_n3A = arith.select %eq3A_0, %mul3A_1, %add3A_4 : i32
    %eq3A_5 = arith.constant 0 : i32
    %eq3A_6 = arith.cmpi eq, %arg0, %eq3A_5 : i32
    %jit3A = arith.constant 152 : i32
    %jit3A_7 = arith.constant 8 : i32
    %select_n3A_8 = arith.select %eq3A_6, %jit3A, %jit3A_7 : i32
    %mul3A_9 = arith.constant 640 : i32
    %mul3A_10 = arith.muli %arg1, %mul3A_9 : i32
    %add3A_11 = arith.constant 0 : i32
    %add3A_12 = arith.addi %mul3A_10, %add3A_11 : i32
    "tpu.region"() ({
      %run_scoped3A = tpu.sem_alloc : memref<!tpu.dma_semaphore, #tpu.memory_space<semaphore_mem>>
      %dma_start3A = arith.constant 0 : i32
      %dma_start3A_61 = tpu.memref_slice %arg17[%add3A_12, %dma_start3A] : memref<10240x64xf32, #tpu.memory_space<vmem_shared>> -> memref<64x64xf32, #tpu.memory_space<vmem_shared>>
      tpu.enqueue_dma source(%arg5 : memref<64x64xf32, #tpu.memory_space<hbm>>) target(%dma_start3A_61 : memref<64x64xf32, #tpu.memory_space<vmem_shared>>) target_semaphore(%run_scoped3A : memref<!tpu.dma_semaphore, #tpu.memory_space<semaphore_mem>>)
      %dma_wait3A = arith.constant 0 : i32
      %dma_wait3A_62 = tpu.memref_slice %arg17[%add3A_12, %dma_wait3A] : memref<10240x64xf32, #tpu.memory_space<vmem_shared>> -> memref<64x64xf32, #tpu.memory_space<vmem_shared>>
      tpu.wait_dma2 semaphore(%run_scoped3A : memref<!tpu.dma_semaphore, #tpu.memory_space<semaphore_mem>>) src(%arg5 : memref<64x64xf32, #tpu.memory_space<hbm>>) dst(%dma_wait3A_62 : memref<64x64xf32, #tpu.memory_space<vmem_shared>>)
      tpu.yield
    }) : () -> ()
    %mul3A_13 = arith.constant 640 : i32
    %mul3A_14 = arith.muli %arg1, %mul3A_13 : i32
    %add3A_15 = arith.constant 64 : i32
    %add3A_16 = arith.addi %mul3A_14, %add3A_15 : i32
    "tpu.region"() ({
      %run_scoped3A = tpu.sem_alloc : memref<!tpu.dma_semaphore, #tpu.memory_space<semaphore_mem>>
      %dma_start3A = arith.constant 0 : i32
      %dma_start3A_61 = tpu.memref_slice %arg17[%add3A_16, %dma_start3A] : memref<10240x64xf32, #tpu.memory_space<vmem_shared>> -> memref<64x64xf32, #tpu.memory_space<vmem_shared>>
      tpu.enqueue_dma source(%arg5 : memref<64x64xf32, #tpu.memory_space<hbm>>) target(%dma_start3A_61 : memref<64x64xf32, #tpu.memory_space<vmem_shared>>) target_semaphore(%run_scoped3A : memref<!tpu.dma_semaphore, #tpu.memory_space<semaphore_mem>>)
      %dma_wait3A = arith.constant 0 : i32
      %dma_wait3A_62 = tpu.memref_slice %arg17[%add3A_16, %dma_wait3A] : memref<10240x64xf32, #tpu.memory_space<vmem_shared>> -> memref<64x64xf32, #tpu.memory_space<vmem_shared>>
      tpu.wait_dma2 semaphore(%run_scoped3A : memref<!tpu.dma_semaphore, #tpu.memory_space<semaphore_mem>>) src(%arg5 : memref<64x64xf32, #tpu.memory_space<hbm>>) dst(%dma_wait3A_62 : memref<64x64xf32, #tpu.memory_space<vmem_shared>>)
      tpu.yield
    }) : () -> ()
    %mul3A_17 = arith.constant 640 : i32
    %mul3A_18 = arith.muli %arg1, %mul3A_17 : i32
    %add3A_19 = arith.constant 128 : i32
    %add3A_20 = arith.addi %mul3A_18, %add3A_19 : i32
    "tpu.region"() ({
      %run_scoped3A = tpu.sem_alloc : memref<!tpu.dma_semaphore, #tpu.memory_space<semaphore_mem>>
      %dma_start3A = arith.constant 0 : i32
      %dma_start3A_61 = tpu.memref_slice %arg17[%add3A_20, %dma_start3A] : memref<10240x64xf32, #tpu.memory_space<vmem_shared>> -> memref<64x64xf32, #tpu.memory_space<vmem_shared>>
      tpu.enqueue_dma source(%arg5 : memref<64x64xf32, #tpu.memory_space<hbm>>) target(%dma_start3A_61 : memref<64x64xf32, #tpu.memory_space<vmem_shared>>) target_semaphore(%run_scoped3A : memref<!tpu.dma_semaphore, #tpu.memory_space<semaphore_mem>>)
      %dma_wait3A = arith.constant 0 : i32
      %dma_wait3A_62 = tpu.memref_slice %arg17[%add3A_20, %dma_wait3A] : memref<10240x64xf32, #tpu.memory_space<vmem_shared>> -> memref<64x64xf32, #tpu.memory_space<vmem_shared>>
      tpu.wait_dma2 semaphore(%run_scoped3A : memref<!tpu.dma_semaphore, #tpu.memory_space<semaphore_mem>>) src(%arg5 : memref<64x64xf32, #tpu.memory_space<hbm>>) dst(%dma_wait3A_62 : memref<64x64xf32, #tpu.memory_space<vmem_shared>>)
      tpu.yield
    }) : () -> ()
    %mul3A_21 = arith.constant 640 : i32
    %mul3A_22 = arith.muli %arg1, %mul3A_21 : i32
    %add3A_23 = arith.constant 192 : i32
    %add3A_24 = arith.addi %mul3A_22, %add3A_23 : i32
    "tpu.region"() ({
      %run_scoped3A = tpu.sem_alloc : memref<!tpu.dma_semaphore, #tpu.memory_space<semaphore_mem>>
      %dma_start3A = arith.constant 0 : i32
      %dma_start3A_61 = tpu.memref_slice %arg17[%add3A_24, %dma_start3A] : memref<10240x64xf32, #tpu.memory_space<vmem_shared>> -> memref<64x64xf32, #tpu.memory_space<vmem_shared>>
      tpu.enqueue_dma source(%arg5 : memref<64x64xf32, #tpu.memory_space<hbm>>) target(%dma_start3A_61 : memref<64x64xf32, #tpu.memory_space<vmem_shared>>) target_semaphore(%run_scoped3A : memref<!tpu.dma_semaphore, #tpu.memory_space<semaphore_mem>>)
      %dma_wait3A = arith.constant 0 : i32
      %dma_wait3A_62 = tpu.memref_slice %arg17[%add3A_24, %dma_wait3A] : memref<10240x64xf32, #tpu.memory_space<vmem_shared>> -> memref<64x64xf32, #tpu.memory_space<vmem_shared>>
      tpu.wait_dma2 semaphore(%run_scoped3A : memref<!tpu.dma_semaphore, #tpu.memory_space<semaphore_mem>>) src(%arg5 : memref<64x64xf32, #tpu.memory_space<hbm>>) dst(%dma_wait3A_62 : memref<64x64xf32, #tpu.memory_space<vmem_shared>>)
      tpu.yield
    }) : () -> ()
    %mul3A_25 = arith.constant 640 : i32
    %mul3A_26 = arith.muli %arg1, %mul3A_25 : i32
    %add3A_27 = arith.constant 256 : i32
    %add3A_28 = arith.addi %mul3A_26, %add3A_27 : i32
    "tpu.region"() ({
      %run_scoped3A = tpu.sem_alloc : memref<!tpu.dma_semaphore, #tpu.memory_space<semaphore_mem>>
      %dma_start3A = arith.constant 0 : i32
      %dma_start3A_61 = tpu.memref_slice %arg17[%add3A_28, %dma_start3A] : memref<10240x64xf32, #tpu.memory_space<vmem_shared>> -> memref<64x64xf32, #tpu.memory_space<vmem_shared>>
      tpu.enqueue_dma source(%arg5 : memref<64x64xf32, #tpu.memory_space<hbm>>) target(%dma_start3A_61 : memref<64x64xf32, #tpu.memory_space<vmem_shared>>) target_semaphore(%run_scoped3A : memref<!tpu.dma_semaphore, #tpu.memory_space<semaphore_mem>>)
      %dma_wait3A = arith.constant 0 : i32
      %dma_wait3A_62 = tpu.memref_slice %arg17[%add3A_28, %dma_wait3A] : memref<10240x64xf32, #tpu.memory_space<vmem_shared>> -> memref<64x64xf32, #tpu.memory_space<vmem_shared>>
      tpu.wait_dma2 semaphore(%run_scoped3A : memref<!tpu.dma_semaphore, #tpu.memory_space<semaphore_mem>>) src(%arg5 : memref<64x64xf32, #tpu.memory_space<hbm>>) dst(%dma_wait3A_62 : memref<64x64xf32, #tpu.memory_space<vmem_shared>>)
      tpu.yield
    }) : () -> ()
    %mul3A_29 = arith.constant 640 : i32
    %mul3A_30 = arith.muli %arg1, %mul3A_29 : i32
    %add3A_31 = arith.constant 320 : i32
    %add3A_32 = arith.addi %mul3A_30, %add3A_31 : i32
    "tpu.region"() ({
      %run_scoped3A = tpu.sem_alloc : memref<!tpu.dma_semaphore, #tpu.memory_space<semaphore_mem>>
      %dma_start3A = arith.constant 0 : i32
      %dma_start3A_61 = tpu.memref_slice %arg17[%add3A_32, %dma_start3A] : memref<10240x64xf32, #tpu.memory_space<vmem_shared>> -> memref<64x64xf32, #tpu.memory_space<vmem_shared>>
      tpu.enqueue_dma source(%arg5 : memref<64x64xf32, #tpu.memory_space<hbm>>) target(%dma_start3A_61 : memref<64x64xf32, #tpu.memory_space<vmem_shared>>) target_semaphore(%run_scoped3A : memref<!tpu.dma_semaphore, #tpu.memory_space<semaphore_mem>>)
      %dma_wait3A = arith.constant 0 : i32
      %dma_wait3A_62 = tpu.memref_slice %arg17[%add3A_32, %dma_wait3A] : memref<10240x64xf32, #tpu.memory_space<vmem_shared>> -> memref<64x64xf32, #tpu.memory_space<vmem_shared>>
      tpu.wait_dma2 semaphore(%run_scoped3A : memref<!tpu.dma_semaphore, #tpu.memory_space<semaphore_mem>>) src(%arg5 : memref<64x64xf32, #tpu.memory_space<hbm>>) dst(%dma_wait3A_62 : memref<64x64xf32, #tpu.memory_space<vmem_shared>>)
      tpu.yield
    }) : () -> ()
    %mul3A_33 = arith.constant 640 : i32
    %mul3A_34 = arith.muli %arg1, %mul3A_33 : i32
    %add3A_35 = arith.constant 384 : i32
    %add3A_36 = arith.addi %mul3A_34, %add3A_35 : i32
    "tpu.region"() ({
      %run_scoped3A = tpu.sem_alloc : memref<!tpu.dma_semaphore, #tpu.memory_space<semaphore_mem>>
      %dma_start3A = arith.constant 0 : i32
      %dma_start3A_61 = tpu.memref_slice %arg17[%add3A_36, %dma_start3A] : memref<10240x64xf32, #tpu.memory_space<vmem_shared>> -> memref<64x64xf32, #tpu.memory_space<vmem_shared>>
      tpu.enqueue_dma source(%arg5 : memref<64x64xf32, #tpu.memory_space<hbm>>) target(%dma_start3A_61 : memref<64x64xf32, #tpu.memory_space<vmem_shared>>) target_semaphore(%run_scoped3A : memref<!tpu.dma_semaphore, #tpu.memory_space<semaphore_mem>>)
      %dma_wait3A = arith.constant 0 : i32
      %dma_wait3A_62 = tpu.memref_slice %arg17[%add3A_36, %dma_wait3A] : memref<10240x64xf32, #tpu.memory_space<vmem_shared>> -> memref<64x64xf32, #tpu.memory_space<vmem_shared>>
      tpu.wait_dma2 semaphore(%run_scoped3A : memref<!tpu.dma_semaphore, #tpu.memory_space<semaphore_mem>>) src(%arg5 : memref<64x64xf32, #tpu.memory_space<hbm>>) dst(%dma_wait3A_62 : memref<64x64xf32, #tpu.memory_space<vmem_shared>>)
      tpu.yield
    }) : () -> ()
    %mul3A_37 = arith.constant 640 : i32
    %mul3A_38 = arith.muli %arg1, %mul3A_37 : i32
    %add3A_39 = arith.constant 448 : i32
    %add3A_40 = arith.addi %mul3A_38, %add3A_39 : i32
    "tpu.region"() ({
      %run_scoped3A = tpu.sem_alloc : memref<!tpu.dma_semaphore, #tpu.memory_space<semaphore_mem>>
      %dma_start3A = arith.constant 0 : i32
      %dma_start3A_61 = tpu.memref_slice %arg17[%add3A_40, %dma_start3A] : memref<10240x64xf32, #tpu.memory_space<vmem_shared>> -> memref<64x64xf32, #tpu.memory_space<vmem_shared>>
      tpu.enqueue_dma source(%arg5 : memref<64x64xf32, #tpu.memory_space<hbm>>) target(%dma_start3A_61 : memref<64x64xf32, #tpu.memory_space<vmem_shared>>) target_semaphore(%run_scoped3A : memref<!tpu.dma_semaphore, #tpu.memory_space<semaphore_mem>>)
      %dma_wait3A = arith.constant 0 : i32
      %dma_wait3A_62 = tpu.memref_slice %arg17[%add3A_40, %dma_wait3A] : memref<10240x64xf32, #tpu.memory_space<vmem_shared>> -> memref<64x64xf32, #tpu.memory_space<vmem_shared>>
      tpu.wait_dma2 semaphore(%run_scoped3A : memref<!tpu.dma_semaphore, #tpu.memory_space<semaphore_mem>>) src(%arg5 : memref<64x64xf32, #tpu.memory_space<hbm>>) dst(%dma_wait3A_62 : memref<64x64xf32, #tpu.memory_space<vmem_shared>>)
      tpu.yield
    }) : () -> ()
    %mul3A_41 = arith.constant 640 : i32
    %mul3A_42 = arith.muli %arg1, %mul3A_41 : i32
    %add3A_43 = arith.constant 512 : i32
    %add3A_44 = arith.addi %mul3A_42, %add3A_43 : i32
    "tpu.region"() ({
      %run_scoped3A = tpu.sem_alloc : memref<!tpu.dma_semaphore, #tpu.memory_space<semaphore_mem>>
      %dma_start3A = arith.constant 0 : i32
      %dma_start3A_61 = tpu.memref_slice %arg17[%add3A_44, %dma_start3A] : memref<10240x64xf32, #tpu.memory_space<vmem_shared>> -> memref<64x64xf32, #tpu.memory_space<vmem_shared>>
      tpu.enqueue_dma source(%arg5 : memref<64x64xf32, #tpu.memory_space<hbm>>) target(%dma_start3A_61 : memref<64x64xf32, #tpu.memory_space<vmem_shared>>) target_semaphore(%run_scoped3A : memref<!tpu.dma_semaphore, #tpu.memory_space<semaphore_mem>>)
      %dma_wait3A = arith.constant 0 : i32
      %dma_wait3A_62 = tpu.memref_slice %arg17[%add3A_44, %dma_wait3A] : memref<10240x64xf32, #tpu.memory_space<vmem_shared>> -> memref<64x64xf32, #tpu.memory_space<vmem_shared>>
      tpu.wait_dma2 semaphore(%run_scoped3A : memref<!tpu.dma_semaphore, #tpu.memory_space<semaphore_mem>>) src(%arg5 : memref<64x64xf32, #tpu.memory_space<hbm>>) dst(%dma_wait3A_62 : memref<64x64xf32, #tpu.memory_space<vmem_shared>>)
      tpu.yield
    }) : () -> ()
    %mul3A_45 = arith.constant 640 : i32
    %mul3A_46 = arith.muli %arg1, %mul3A_45 : i32
    %add3A_47 = arith.constant 576 : i32
    %add3A_48 = arith.addi %mul3A_46, %add3A_47 : i32
    "tpu.region"() ({
      %run_scoped3A = tpu.sem_alloc : memref<!tpu.dma_semaphore, #tpu.memory_space<semaphore_mem>>
      %dma_start3A = arith.constant 0 : i32
      %dma_start3A_61 = tpu.memref_slice %arg17[%add3A_48, %dma_start3A] : memref<10240x64xf32, #tpu.memory_space<vmem_shared>> -> memref<64x64xf32, #tpu.memory_space<vmem_shared>>
      tpu.enqueue_dma source(%arg5 : memref<64x64xf32, #tpu.memory_space<hbm>>) target(%dma_start3A_61 : memref<64x64xf32, #tpu.memory_space<vmem_shared>>) target_semaphore(%run_scoped3A : memref<!tpu.dma_semaphore, #tpu.memory_space<semaphore_mem>>)
      %dma_wait3A = arith.constant 0 : i32
      %dma_wait3A_62 = tpu.memref_slice %arg17[%add3A_48, %dma_wait3A] : memref<10240x64xf32, #tpu.memory_space<vmem_shared>> -> memref<64x64xf32, #tpu.memory_space<vmem_shared>>
      tpu.wait_dma2 semaphore(%run_scoped3A : memref<!tpu.dma_semaphore, #tpu.memory_space<semaphore_mem>>) src(%arg5 : memref<64x64xf32, #tpu.memory_space<hbm>>) dst(%dma_wait3A_62 : memref<64x64xf32, #tpu.memory_space<vmem_shared>>)
      tpu.yield
    }) : () -> ()
    %barrier3A = arith.constant 0 : index
    tpu.barrier barrier_id(%barrier3A)
    %gt3A = arith.constant 0 : i32
    %gt3A_49 = arith.cmpi sgt, %select_n3A_8, %gt3A : i32
    %convert_element_type3A = arith.extui %gt3A_49 : i1 to i32
    %cond3A = arith.constant 0 : i32
    %cond3A_50 = arith.cmpi ne, %convert_element_type3A, %cond3A : i32
    scf.if %cond3A_50 {
      "tpu.region"() ({
        %run_scoped3A = tpu.sem_alloc : memref<!tpu.dma_semaphore, #tpu.memory_space<semaphore_mem>>
        %dma_start3A_79 = arith.constant 0 : i32
        %dma_start3A_80 = tpu.memref_slice %arg3[%select_n3A, %dma_start3A_79] : memref<2560x128xi32, #tpu.memory_space<hbm>> -> memref<4x128xi32, #tpu.memory_space<hbm>>
        %dma_start3A_81 = arith.constant 0 : i32
        %dma_start3A_82 = tpu.memref_slice %arg3[%select_n3A, %dma_start3A_81] : memref<2560x128xi32, #tpu.memory_space<hbm>> -> memref<4x128xi32, #tpu.memory_space<hbm>>
        tpu.enqueue_dma source(%dma_start3A_82 : memref<4x128xi32, #tpu.memory_space<hbm>>) target(%arg7 : memref<4x128xi32, #tpu.memory_space<vmem>>) target_semaphore(%run_scoped3A : memref<!tpu.dma_semaphore, #tpu.memory_space<semaphore_mem>>)
        %dma_wait3A = arith.constant 0 : i32
        %dma_wait3A_83 = tpu.memref_slice %arg3[%select_n3A, %dma_wait3A] : memref<2560x128xi32, #tpu.memory_space<hbm>> -> memref<4x128xi32, #tpu.memory_space<hbm>>
        %dma_wait3A_84 = arith.constant 0 : i32
        %dma_wait3A_85 = tpu.memref_slice %arg3[%select_n3A, %dma_wait3A_84] : memref<2560x128xi32, #tpu.memory_space<hbm>> -> memref<4x128xi32, #tpu.memory_space<hbm>>
        tpu.wait_dma2 semaphore(%run_scoped3A : memref<!tpu.dma_semaphore, #tpu.memory_space<semaphore_mem>>) src(%dma_wait3A_85 : memref<4x128xi32, #tpu.memory_space<hbm>>) dst(%arg7 : memref<4x128xi32, #tpu.memory_space<vmem>>)
        tpu.yield
      }) : () -> ()
      "tpu.region"() ({
        %run_scoped3A = tpu.sem_alloc : memref<!tpu.dma_semaphore, #tpu.memory_space<semaphore_mem>>
        %dma_start3A_79 = arith.constant 0 : i32
        %dma_start3A_80 = tpu.memref_slice %arg4[%select_n3A, %dma_start3A_79] : memref<2560x128xi32, #tpu.memory_space<hbm>> -> memref<4x128xi32, #tpu.memory_space<hbm>>
        %dma_start3A_81 = arith.constant 0 : i32
        %dma_start3A_82 = tpu.memref_slice %arg4[%select_n3A, %dma_start3A_81] : memref<2560x128xi32, #tpu.memory_space<hbm>> -> memref<4x128xi32, #tpu.memory_space<hbm>>
        tpu.enqueue_dma source(%dma_start3A_82 : memref<4x128xi32, #tpu.memory_space<hbm>>) target(%arg8 : memref<4x128xi32, #tpu.memory_space<vmem>>) target_semaphore(%run_scoped3A : memref<!tpu.dma_semaphore, #tpu.memory_space<semaphore_mem>>)
        %dma_wait3A = arith.constant 0 : i32
        %dma_wait3A_83 = tpu.memref_slice %arg4[%select_n3A, %dma_wait3A] : memref<2560x128xi32, #tpu.memory_space<hbm>> -> memref<4x128xi32, #tpu.memory_space<hbm>>
        %dma_wait3A_84 = arith.constant 0 : i32
        %dma_wait3A_85 = tpu.memref_slice %arg4[%select_n3A, %dma_wait3A_84] : memref<2560x128xi32, #tpu.memory_space<hbm>> -> memref<4x128xi32, #tpu.memory_space<hbm>>
        tpu.wait_dma2 semaphore(%run_scoped3A : memref<!tpu.dma_semaphore, #tpu.memory_space<semaphore_mem>>) src(%dma_wait3A_85 : memref<4x128xi32, #tpu.memory_space<hbm>>) dst(%arg8 : memref<4x128xi32, #tpu.memory_space<vmem>>)
        tpu.yield
      }) : () -> ()
      %add3A_61 = arith.constant 4 : i32
      %add3A_62 = arith.addi %select_n3A, %add3A_61 : i32
      %dma_start3A = arith.constant 0 : i32
      %dma_start3A_63 = tpu.memref_slice %arg3[%add3A_62, %dma_start3A] : memref<2560x128xi32, #tpu.memory_space<hbm>> -> memref<4x128xi32, #tpu.memory_space<hbm>>
      %dma_start3A_64 = arith.constant 0 : i32
      %dma_start3A_65 = tpu.memref_slice %arg3[%add3A_62, %dma_start3A_64] : memref<2560x128xi32, #tpu.memory_space<hbm>> -> memref<4x128xi32, #tpu.memory_space<hbm>>
      tpu.enqueue_dma source(%dma_start3A_65 : memref<4x128xi32, #tpu.memory_space<hbm>>) target(%arg9 : memref<4x128xi32, #tpu.memory_space<vmem>>) target_semaphore(%arg14 : memref<!tpu.dma_semaphore, #tpu.memory_space<semaphore_mem>>)
      %add3A_66 = arith.constant 4 : i32
      %add3A_67 = arith.addi %select_n3A, %add3A_66 : i32
      %dma_start3A_68 = arith.constant 0 : i32
      %dma_start3A_69 = tpu.memref_slice %arg4[%add3A_67, %dma_start3A_68] : memref<2560x128xi32, #tpu.memory_space<hbm>> -> memref<4x128xi32, #tpu.memory_space<hbm>>
      %dma_start3A_70 = arith.constant 0 : i32
      %dma_start3A_71 = tpu.memref_slice %arg4[%add3A_67, %dma_start3A_70] : memref<2560x128xi32, #tpu.memory_space<hbm>> -> memref<4x128xi32, #tpu.memory_space<hbm>>
      tpu.enqueue_dma source(%dma_start3A_71 : memref<4x128xi32, #tpu.memory_space<hbm>>) target(%arg10 : memref<4x128xi32, #tpu.memory_space<vmem>>) target_semaphore(%arg14 : memref<!tpu.dma_semaphore, #tpu.memory_space<semaphore_mem>>)
      %dma_start3A_72 = arith.constant 0 : i32
      %dma_start3A_73 = arith.constant 0 : i32
      %dma_start3A_74 = tpu.memref_slice %arg7[%dma_start3A_72, %dma_start3A_73] : memref<4x128xi32, #tpu.memory_space<vmem>> -> memref<1x128xi32, #tpu.memory_space<vmem>>
      %dma_start3A_75 = tpu.memref_squeeze %dma_start3A_74 : memref<1x128xi32, #tpu.memory_space<vmem>> -> memref<128xi32, #tpu.memory_space<vmem>>
      %dma_start3A_76 = arith.constant 0 : i32
      %dma_start3A_77 = arith.constant 0 : i32
      %dma_start3A_78 = tpu.memref_slice %arg2[%dma_start3A_76, %dma_start3A_77] : memref<10000x64xf32, #tpu.memory_space<hbm>> -> memref<10000x64xf32, #tpu.memory_space<hbm>>
      tpu.enqueue_indirect_dma source(%dma_start3A_78 : memref<10000x64xf32, #tpu.memory_space<hbm>>) target(%arg11 : memref<128x64xf32, #tpu.memory_space<vmem>>) offsets(%dma_start3A_75 : memref<128xi32, #tpu.memory_space<vmem>>) semaphore(%arg15 : memref<!tpu.dma_semaphore, #tpu.memory_space<semaphore_mem>>)
    } else {
    }
    %scan3A = arith.constant 0 : i32
    %scan3A_51 = arith.constant 0 : i32
    %scan3A_52 = arith.constant 19 : i32
    %scan3A_53 = arith.addi %scan3A_51, %scan3A_52 : i32
    %scan3A_54 = arith.constant 1 : i32
    scf.for %scan3A_61 = %scan3A_51 to %scan3A_53 step %scan3A_54  : i32 {
      %mul3A_62 = arith.constant 8 : i32
      %mul3A_63 = arith.muli %mul3A_62, %scan3A_61 : i32
      %lt3A_64 = arith.cmpi slt, %mul3A_63, %select_n3A_8 : i32
      %convert_element_type3A_65 = arith.extui %lt3A_64 : i1 to i32
      %cond3A_66 = arith.constant 0 : i32
      %cond3A_67 = arith.cmpi ne, %convert_element_type3A_65, %cond3A_66 : i32
      scf.if %cond3A_67 {
        %dma_start3A = arith.constant 1 : i32
        %dma_start3A_68 = arith.constant 0 : i32
        %dma_start3A_69 = tpu.memref_slice %arg7[%dma_start3A, %dma_start3A_68] : memref<4x128xi32, #tpu.memory_space<vmem>> -> memref<1x128xi32, #tpu.memory_space<vmem>>
        %dma_start3A_70 = tpu.memref_squeeze %dma_start3A_69 : memref<1x128xi32, #tpu.memory_space<vmem>> -> memref<128xi32, #tpu.memory_space<vmem>>
        %dma_start3A_71 = arith.constant 0 : i32
        %dma_start3A_72 = arith.constant 0 : i32
        %dma_start3A_73 = tpu.memref_slice %arg2[%dma_start3A_71, %dma_start3A_72] : memref<10000x64xf32, #tpu.memory_space<hbm>> -> memref<10000x64xf32, #tpu.memory_space<hbm>>
        tpu.enqueue_indirect_dma source(%dma_start3A_73 : memref<10000x64xf32, #tpu.memory_space<hbm>>) target(%arg12 : memref<128x64xf32, #tpu.memory_space<vmem>>) offsets(%dma_start3A_70 : memref<128xi32, #tpu.memory_space<vmem>>) semaphore(%arg16 : memref<!tpu.dma_semaphore, #tpu.memory_space<semaphore_mem>>)
        %dma_wait3A = arith.constant 0 : i32
        %dma_wait3A_74 = arith.constant 0 : i32
        %dma_wait3A_75 = tpu.memref_slice %arg2[%dma_wait3A, %dma_wait3A_74] : memref<10000x64xf32, #tpu.memory_space<hbm>> -> memref<128x64xf32, #tpu.memory_space<hbm>>
        %dma_wait3A_76 = arith.constant 0 : i32
        %dma_wait3A_77 = arith.constant 0 : i32
        %dma_wait3A_78 = tpu.memref_slice %arg2[%dma_wait3A_76, %dma_wait3A_77] : memref<10000x64xf32, #tpu.memory_space<hbm>> -> memref<128x64xf32, #tpu.memory_space<hbm>>
        tpu.wait_dma2 semaphore(%arg15 : memref<!tpu.dma_semaphore, #tpu.memory_space<semaphore_mem>>) src(%dma_wait3A_78 : memref<128x64xf32, #tpu.memory_space<hbm>>) dst(%arg11 : memref<128x64xf32, #tpu.memory_space<vmem>>)
        %run_scoped3A = arith.constant 0 : i32
        "tpu.region"() ({
          %run_scoped3A_200 = tpu.sem_alloc : memref<!tpu.dma_semaphore, #tpu.memory_space<semaphore_mem>>
          %dma_start3A_201 = arith.constant 0 : i32
          %dma_start3A_202 = tpu.memref_slice %arg8[%run_scoped3A, %dma_start3A_201] : memref<4x128xi32, #tpu.memory_space<vmem>> -> memref<1x128xi32, #tpu.memory_space<vmem>>
          %dma_start3A_203 = tpu.memref_squeeze %dma_start3A_202 : memref<1x128xi32, #tpu.memory_space<vmem>> -> memref<128xi32, #tpu.memory_space<vmem>>
          %dma_start3A_204 = arith.constant 0 : i32
          %dma_start3A_205 = arith.constant 0 : i32
          %dma_start3A_206 = tpu.memref_slice %arg17[%dma_start3A_204, %dma_start3A_205] : memref<10240x64xf32, #tpu.memory_space<vmem_shared>> -> memref<10240x64xf32, #tpu.memory_space<vmem_shared>>
          tpu.enqueue_indirect_dma source(%arg11 : memref<128x64xf32, #tpu.memory_space<vmem>>) target(%dma_start3A_206 : memref<10240x64xf32, #tpu.memory_space<vmem_shared>>) offsets(%dma_start3A_203 : memref<128xi32, #tpu.memory_space<vmem>>) semaphore(%run_scoped3A_200 : memref<!tpu.dma_semaphore, #tpu.memory_space<semaphore_mem>>) {add = true}
          %dma_wait3A_207 = arith.constant 0 : i32
          %dma_wait3A_208 = tpu.memref_slice %arg8[%run_scoped3A, %dma_wait3A_207] : memref<4x128xi32, #tpu.memory_space<vmem>> -> memref<1x128xi32, #tpu.memory_space<vmem>>
          %dma_wait3A_209 = tpu.memref_squeeze %dma_wait3A_208 : memref<1x128xi32, #tpu.memory_space<vmem>> -> memref<128xi32, #tpu.memory_space<vmem>>
          %dma_wait3A_210 = arith.constant 0 : i32
          %dma_wait3A_211 = arith.constant 0 : i32
          %dma_wait3A_212 = tpu.memref_slice %arg17[%dma_wait3A_210, %dma_wait3A_211] : memref<10240x64xf32, #tpu.memory_space<vmem_shared>> -> memref<10240x64xf32, #tpu.memory_space<vmem_shared>>
          tpu.wait_indirect_dma semaphore(%run_scoped3A_200 : memref<!tpu.dma_semaphore, #tpu.memory_space<semaphore_mem>>) src(%arg11 : memref<128x64xf32, #tpu.memory_space<vmem>>) dst(%dma_wait3A_212 : memref<10240x64xf32, #tpu.memory_space<vmem_shared>>)
          tpu.yield
        }) : () -> ()
        %dma_start3A_79 = arith.constant 2 : i32
        %dma_start3A_80 = arith.constant 0 : i32
        %dma_start3A_81 = tpu.memref_slice %arg7[%dma_start3A_79, %dma_start3A_80] : memref<4x128xi32, #tpu.memory_space<vmem>> -> memref<1x128xi32, #tpu.memory_space<vmem>>
        %dma_start3A_82 = tpu.memref_squeeze %dma_start3A_81 : memref<1x128xi32, #tpu.memory_space<vmem>> -> memref<128xi32, #tpu.memory_space<vmem>>
        %dma_start3A_83 = arith.constant 0 : i32
        %dma_start3A_84 = arith.constant 0 : i32
        %dma_start3A_85 = tpu.memref_slice %arg2[%dma_start3A_83, %dma_start3A_84] : memref<10000x64xf32, #tpu.memory_space<hbm>> -> memref<10000x64xf32, #tpu.memory_space<hbm>>
        tpu.enqueue_indirect_dma source(%dma_start3A_85 : memref<10000x64xf32, #tpu.memory_space<hbm>>) target(%arg11 : memref<128x64xf32, #tpu.memory_space<vmem>>) offsets(%dma_start3A_82 : memref<128xi32, #tpu.memory_space<vmem>>) semaphore(%arg15 : memref<!tpu.dma_semaphore, #tpu.memory_space<semaphore_mem>>)
        %dma_wait3A_86 = arith.constant 0 : i32
        %dma_wait3A_87 = arith.constant 0 : i32
        %dma_wait3A_88 = tpu.memref_slice %arg2[%dma_wait3A_86, %dma_wait3A_87] : memref<10000x64xf32, #tpu.memory_space<hbm>> -> memref<128x64xf32, #tpu.memory_space<hbm>>
        %dma_wait3A_89 = arith.constant 0 : i32
        %dma_wait3A_90 = arith.constant 0 : i32
        %dma_wait3A_91 = tpu.memref_slice %arg2[%dma_wait3A_89, %dma_wait3A_90] : memref<10000x64xf32, #tpu.memory_space<hbm>> -> memref<128x64xf32, #tpu.memory_space<hbm>>
        tpu.wait_dma2 semaphore(%arg16 : memref<!tpu.dma_semaphore, #tpu.memory_space<semaphore_mem>>) src(%dma_wait3A_91 : memref<128x64xf32, #tpu.memory_space<hbm>>) dst(%arg12 : memref<128x64xf32, #tpu.memory_space<vmem>>)
        %run_scoped3A_92 = arith.constant 1 : i32
        "tpu.region"() ({
          %run_scoped3A_200 = tpu.sem_alloc : memref<!tpu.dma_semaphore, #tpu.memory_space<semaphore_mem>>
          %dma_start3A_201 = arith.constant 0 : i32
          %dma_start3A_202 = tpu.memref_slice %arg8[%run_scoped3A_92, %dma_start3A_201] : memref<4x128xi32, #tpu.memory_space<vmem>> -> memref<1x128xi32, #tpu.memory_space<vmem>>
          %dma_start3A_203 = tpu.memref_squeeze %dma_start3A_202 : memref<1x128xi32, #tpu.memory_space<vmem>> -> memref<128xi32, #tpu.memory_space<vmem>>
          %dma_start3A_204 = arith.constant 0 : i32
          %dma_start3A_205 = arith.constant 0 : i32
          %dma_start3A_206 = tpu.memref_slice %arg17[%dma_start3A_204, %dma_start3A_205] : memref<10240x64xf32, #tpu.memory_space<vmem_shared>> -> memref<10240x64xf32, #tpu.memory_space<vmem_shared>>
          tpu.enqueue_indirect_dma source(%arg12 : memref<128x64xf32, #tpu.memory_space<vmem>>) target(%dma_start3A_206 : memref<10240x64xf32, #tpu.memory_space<vmem_shared>>) offsets(%dma_start3A_203 : memref<128xi32, #tpu.memory_space<vmem>>) semaphore(%run_scoped3A_200 : memref<!tpu.dma_semaphore, #tpu.memory_space<semaphore_mem>>) {add = true}
          %dma_wait3A_207 = arith.constant 0 : i32
          %dma_wait3A_208 = tpu.memref_slice %arg8[%run_scoped3A_92, %dma_wait3A_207] : memref<4x128xi32, #tpu.memory_space<vmem>> -> memref<1x128xi32, #tpu.memory_space<vmem>>
          %dma_wait3A_209 = tpu.memref_squeeze %dma_wait3A_208 : memref<1x128xi32, #tpu.memory_space<vmem>> -> memref<128xi32, #tpu.memory_space<vmem>>
          %dma_wait3A_210 = arith.constant 0 : i32
          %dma_wait3A_211 = arith.constant 0 : i32
          %dma_wait3A_212 = tpu.memref_slice %arg17[%dma_wait3A_210, %dma_wait3A_211] : memref<10240x64xf32, #tpu.memory_space<vmem_shared>> -> memref<10240x64xf32, #tpu.memory_space<vmem_shared>>
          tpu.wait_indirect_dma semaphore(%run_scoped3A_200 : memref<!tpu.dma_semaphore, #tpu.memory_space<semaphore_mem>>) src(%arg12 : memref<128x64xf32, #tpu.memory_space<vmem>>) dst(%dma_wait3A_212 : memref<10240x64xf32, #tpu.memory_space<vmem_shared>>)
          tpu.yield
        }) : () -> ()
        %dma_start3A_93 = arith.constant 3 : i32
        %dma_start3A_94 = arith.constant 0 : i32
        %dma_start3A_95 = tpu.memref_slice %arg7[%dma_start3A_93, %dma_start3A_94] : memref<4x128xi32, #tpu.memory_space<vmem>> -> memref<1x128xi32, #tpu.memory_space<vmem>>
        %dma_start3A_96 = tpu.memref_squeeze %dma_start3A_95 : memref<1x128xi32, #tpu.memory_space<vmem>> -> memref<128xi32, #tpu.memory_space<vmem>>
        %dma_start3A_97 = arith.constant 0 : i32
        %dma_start3A_98 = arith.constant 0 : i32
        %dma_start3A_99 = tpu.memref_slice %arg2[%dma_start3A_97, %dma_start3A_98] : memref<10000x64xf32, #tpu.memory_space<hbm>> -> memref<10000x64xf32, #tpu.memory_space<hbm>>
        tpu.enqueue_indirect_dma source(%dma_start3A_99 : memref<10000x64xf32, #tpu.memory_space<hbm>>) target(%arg12 : memref<128x64xf32, #tpu.memory_space<vmem>>) offsets(%dma_start3A_96 : memref<128xi32, #tpu.memory_space<vmem>>) semaphore(%arg16 : memref<!tpu.dma_semaphore, #tpu.memory_space<semaphore_mem>>)
        %dma_wait3A_100 = arith.constant 0 : i32
        %dma_wait3A_101 = arith.constant 0 : i32
        %dma_wait3A_102 = tpu.memref_slice %arg2[%dma_wait3A_100, %dma_wait3A_101] : memref<10000x64xf32, #tpu.memory_space<hbm>> -> memref<128x64xf32, #tpu.memory_space<hbm>>
        %dma_wait3A_103 = arith.constant 0 : i32
        %dma_wait3A_104 = arith.constant 0 : i32
        %dma_wait3A_105 = tpu.memref_slice %arg2[%dma_wait3A_103, %dma_wait3A_104] : memref<10000x64xf32, #tpu.memory_space<hbm>> -> memref<128x64xf32, #tpu.memory_space<hbm>>
        tpu.wait_dma2 semaphore(%arg15 : memref<!tpu.dma_semaphore, #tpu.memory_space<semaphore_mem>>) src(%dma_wait3A_105 : memref<128x64xf32, #tpu.memory_space<hbm>>) dst(%arg11 : memref<128x64xf32, #tpu.memory_space<vmem>>)
        %run_scoped3A_106 = arith.constant 2 : i32
        "tpu.region"() ({
          %run_scoped3A_200 = tpu.sem_alloc : memref<!tpu.dma_semaphore, #tpu.memory_space<semaphore_mem>>
          %dma_start3A_201 = arith.constant 0 : i32
          %dma_start3A_202 = tpu.memref_slice %arg8[%run_scoped3A_106, %dma_start3A_201] : memref<4x128xi32, #tpu.memory_space<vmem>> -> memref<1x128xi32, #tpu.memory_space<vmem>>
          %dma_start3A_203 = tpu.memref_squeeze %dma_start3A_202 : memref<1x128xi32, #tpu.memory_space<vmem>> -> memref<128xi32, #tpu.memory_space<vmem>>
          %dma_start3A_204 = arith.constant 0 : i32
          %dma_start3A_205 = arith.constant 0 : i32
          %dma_start3A_206 = tpu.memref_slice %arg17[%dma_start3A_204, %dma_start3A_205] : memref<10240x64xf32, #tpu.memory_space<vmem_shared>> -> memref<10240x64xf32, #tpu.memory_space<vmem_shared>>
          tpu.enqueue_indirect_dma source(%arg11 : memref<128x64xf32, #tpu.memory_space<vmem>>) target(%dma_start3A_206 : memref<10240x64xf32, #tpu.memory_space<vmem_shared>>) offsets(%dma_start3A_203 : memref<128xi32, #tpu.memory_space<vmem>>) semaphore(%run_scoped3A_200 : memref<!tpu.dma_semaphore, #tpu.memory_space<semaphore_mem>>) {add = true}
          %dma_wait3A_207 = arith.constant 0 : i32
          %dma_wait3A_208 = tpu.memref_slice %arg8[%run_scoped3A_106, %dma_wait3A_207] : memref<4x128xi32, #tpu.memory_space<vmem>> -> memref<1x128xi32, #tpu.memory_space<vmem>>
          %dma_wait3A_209 = tpu.memref_squeeze %dma_wait3A_208 : memref<1x128xi32, #tpu.memory_space<vmem>> -> memref<128xi32, #tpu.memory_space<vmem>>
          %dma_wait3A_210 = arith.constant 0 : i32
          %dma_wait3A_211 = arith.constant 0 : i32
          %dma_wait3A_212 = tpu.memref_slice %arg17[%dma_wait3A_210, %dma_wait3A_211] : memref<10240x64xf32, #tpu.memory_space<vmem_shared>> -> memref<10240x64xf32, #tpu.memory_space<vmem_shared>>
          tpu.wait_indirect_dma semaphore(%run_scoped3A_200 : memref<!tpu.dma_semaphore, #tpu.memory_space<semaphore_mem>>) src(%arg11 : memref<128x64xf32, #tpu.memory_space<vmem>>) dst(%dma_wait3A_212 : memref<10240x64xf32, #tpu.memory_space<vmem_shared>>)
          tpu.yield
        }) : () -> ()
        %dma_wait3A_107 = arith.constant 0 : i32
        %dma_wait3A_108 = arith.constant 0 : i32
        %dma_wait3A_109 = tpu.memref_slice %arg3[%dma_wait3A_107, %dma_wait3A_108] : memref<2560x128xi32, #tpu.memory_space<hbm>> -> memref<4x128xi32, #tpu.memory_space<hbm>>
        %dma_wait3A_110 = arith.constant 0 : i32
        %dma_wait3A_111 = arith.constant 0 : i32
        %dma_wait3A_112 = tpu.memref_slice %arg3[%dma_wait3A_110, %dma_wait3A_111] : memref<2560x128xi32, #tpu.memory_space<hbm>> -> memref<4x128xi32, #tpu.memory_space<hbm>>
        tpu.wait_dma2 semaphore(%arg14 : memref<!tpu.dma_semaphore, #tpu.memory_space<semaphore_mem>>) src(%dma_wait3A_112 : memref<4x128xi32, #tpu.memory_space<hbm>>) dst(%arg9 : memref<4x128xi32, #tpu.memory_space<vmem>>)
        %dma_wait3A_113 = arith.constant 0 : i32
        %dma_wait3A_114 = arith.constant 0 : i32
        %dma_wait3A_115 = tpu.memref_slice %arg4[%dma_wait3A_113, %dma_wait3A_114] : memref<2560x128xi32, #tpu.memory_space<hbm>> -> memref<4x128xi32, #tpu.memory_space<hbm>>
        %dma_wait3A_116 = arith.constant 0 : i32
        %dma_wait3A_117 = arith.constant 0 : i32
        %dma_wait3A_118 = tpu.memref_slice %arg4[%dma_wait3A_116, %dma_wait3A_117] : memref<2560x128xi32, #tpu.memory_space<hbm>> -> memref<4x128xi32, #tpu.memory_space<hbm>>
        tpu.wait_dma2 semaphore(%arg14 : memref<!tpu.dma_semaphore, #tpu.memory_space<semaphore_mem>>) src(%dma_wait3A_118 : memref<4x128xi32, #tpu.memory_space<hbm>>) dst(%arg10 : memref<4x128xi32, #tpu.memory_space<vmem>>)
        %dma_start3A_119 = arith.constant 0 : i32
        %dma_start3A_120 = arith.constant 0 : i32
        %dma_start3A_121 = tpu.memref_slice %arg9[%dma_start3A_119, %dma_start3A_120] : memref<4x128xi32, #tpu.memory_space<vmem>> -> memref<1x128xi32, #tpu.memory_space<vmem>>
        %dma_start3A_122 = tpu.memref_squeeze %dma_start3A_121 : memref<1x128xi32, #tpu.memory_space<vmem>> -> memref<128xi32, #tpu.memory_space<vmem>>
        %dma_start3A_123 = arith.constant 0 : i32
        %dma_start3A_124 = arith.constant 0 : i32
        %dma_start3A_125 = tpu.memref_slice %arg2[%dma_start3A_123, %dma_start3A_124] : memref<10000x64xf32, #tpu.memory_space<hbm>> -> memref<10000x64xf32, #tpu.memory_space<hbm>>
        tpu.enqueue_indirect_dma source(%dma_start3A_125 : memref<10000x64xf32, #tpu.memory_space<hbm>>) target(%arg11 : memref<128x64xf32, #tpu.memory_space<vmem>>) offsets(%dma_start3A_122 : memref<128xi32, #tpu.memory_space<vmem>>) semaphore(%arg15 : memref<!tpu.dma_semaphore, #tpu.memory_space<semaphore_mem>>)
        %dma_wait3A_126 = arith.constant 0 : i32
        %dma_wait3A_127 = arith.constant 0 : i32
        %dma_wait3A_128 = tpu.memref_slice %arg2[%dma_wait3A_126, %dma_wait3A_127] : memref<10000x64xf32, #tpu.memory_space<hbm>> -> memref<128x64xf32, #tpu.memory_space<hbm>>
        %dma_wait3A_129 = arith.constant 0 : i32
        %dma_wait3A_130 = arith.constant 0 : i32
        %dma_wait3A_131 = tpu.memref_slice %arg2[%dma_wait3A_129, %dma_wait3A_130] : memref<10000x64xf32, #tpu.memory_space<hbm>> -> memref<128x64xf32, #tpu.memory_space<hbm>>
        tpu.wait_dma2 semaphore(%arg16 : memref<!tpu.dma_semaphore, #tpu.memory_space<semaphore_mem>>) src(%dma_wait3A_131 : memref<128x64xf32, #tpu.memory_space<hbm>>) dst(%arg12 : memref<128x64xf32, #tpu.memory_space<vmem>>)
        %run_scoped3A_132 = arith.constant 3 : i32
        "tpu.region"() ({
          %run_scoped3A_200 = tpu.sem_alloc : memref<!tpu.dma_semaphore, #tpu.memory_space<semaphore_mem>>
          %dma_start3A_201 = arith.constant 0 : i32
          %dma_start3A_202 = tpu.memref_slice %arg8[%run_scoped3A_132, %dma_start3A_201] : memref<4x128xi32, #tpu.memory_space<vmem>> -> memref<1x128xi32, #tpu.memory_space<vmem>>
          %dma_start3A_203 = tpu.memref_squeeze %dma_start3A_202 : memref<1x128xi32, #tpu.memory_space<vmem>> -> memref<128xi32, #tpu.memory_space<vmem>>
          %dma_start3A_204 = arith.constant 0 : i32
          %dma_start3A_205 = arith.constant 0 : i32
          %dma_start3A_206 = tpu.memref_slice %arg17[%dma_start3A_204, %dma_start3A_205] : memref<10240x64xf32, #tpu.memory_space<vmem_shared>> -> memref<10240x64xf32, #tpu.memory_space<vmem_shared>>
          tpu.enqueue_indirect_dma source(%arg12 : memref<128x64xf32, #tpu.memory_space<vmem>>) target(%dma_start3A_206 : memref<10240x64xf32, #tpu.memory_space<vmem_shared>>) offsets(%dma_start3A_203 : memref<128xi32, #tpu.memory_space<vmem>>) semaphore(%run_scoped3A_200 : memref<!tpu.dma_semaphore, #tpu.memory_space<semaphore_mem>>) {add = true}
          %dma_wait3A_207 = arith.constant 0 : i32
          %dma_wait3A_208 = tpu.memref_slice %arg8[%run_scoped3A_132, %dma_wait3A_207] : memref<4x128xi32, #tpu.memory_space<vmem>> -> memref<1x128xi32, #tpu.memory_space<vmem>>
          %dma_wait3A_209 = tpu.memref_squeeze %dma_wait3A_208 : memref<1x128xi32, #tpu.memory_space<vmem>> -> memref<128xi32, #tpu.memory_space<vmem>>
          %dma_wait3A_210 = arith.constant 0 : i32
          %dma_wait3A_211 = arith.constant 0 : i32
          %dma_wait3A_212 = tpu.memref_slice %arg17[%dma_wait3A_210, %dma_wait3A_211] : memref<10240x64xf32, #tpu.memory_space<vmem_shared>> -> memref<10240x64xf32, #tpu.memory_space<vmem_shared>>
          tpu.wait_indirect_dma semaphore(%run_scoped3A_200 : memref<!tpu.dma_semaphore, #tpu.memory_space<semaphore_mem>>) src(%arg12 : memref<128x64xf32, #tpu.memory_space<vmem>>) dst(%dma_wait3A_212 : memref<10240x64xf32, #tpu.memory_space<vmem_shared>>)
          tpu.yield
        }) : () -> ()
        %add3A_133 = arith.constant 8 : i32
        %add3A_134 = arith.addi %mul3A_63, %add3A_133 : i32
        %lt3A_135 = arith.cmpi slt, %add3A_134, %select_n3A_8 : i32
        %convert_element_type3A_136 = arith.extui %lt3A_135 : i1 to i32
        %cond3A_137 = arith.constant 0 : i32
        %cond3A_138 = arith.cmpi ne, %convert_element_type3A_136, %cond3A_137 : i32
        scf.if %cond3A_138 {
          %add3A_200 = arith.constant 8 : i32
          %add3A_201 = arith.addi %mul3A_63, %add3A_200 : i32
          %add3A_202 = arith.addi %select_n3A, %add3A_201 : i32
          %dma_start3A_203 = arith.constant 0 : i32
          %dma_start3A_204 = tpu.memref_slice %arg3[%add3A_202, %dma_start3A_203] : memref<2560x128xi32, #tpu.memory_space<hbm>> -> memref<4x128xi32, #tpu.memory_space<hbm>>
          %dma_start3A_205 = arith.constant 0 : i32
          %dma_start3A_206 = tpu.memref_slice %arg3[%add3A_202, %dma_start3A_205] : memref<2560x128xi32, #tpu.memory_space<hbm>> -> memref<4x128xi32, #tpu.memory_space<hbm>>
          tpu.enqueue_dma source(%dma_start3A_206 : memref<4x128xi32, #tpu.memory_space<hbm>>) target(%arg7 : memref<4x128xi32, #tpu.memory_space<vmem>>) target_semaphore(%arg13 : memref<!tpu.dma_semaphore, #tpu.memory_space<semaphore_mem>>)
          %add3A_207 = arith.addi %select_n3A, %add3A_201 : i32
          %dma_start3A_208 = arith.constant 0 : i32
          %dma_start3A_209 = tpu.memref_slice %arg4[%add3A_207, %dma_start3A_208] : memref<2560x128xi32, #tpu.memory_space<hbm>> -> memref<4x128xi32, #tpu.memory_space<hbm>>
          %dma_start3A_210 = arith.constant 0 : i32
          %dma_start3A_211 = tpu.memref_slice %arg4[%add3A_207, %dma_start3A_210] : memref<2560x128xi32, #tpu.memory_space<hbm>> -> memref<4x128xi32, #tpu.memory_space<hbm>>
          tpu.enqueue_dma source(%dma_start3A_211 : memref<4x128xi32, #tpu.memory_space<hbm>>) target(%arg8 : memref<4x128xi32, #tpu.memory_space<vmem>>) target_semaphore(%arg13 : memref<!tpu.dma_semaphore, #tpu.memory_space<semaphore_mem>>)
        } else {
        }
        %dma_start3A_139 = arith.constant 1 : i32
        %dma_start3A_140 = arith.constant 0 : i32
        %dma_start3A_141 = tpu.memref_slice %arg9[%dma_start3A_139, %dma_start3A_140] : memref<4x128xi32, #tpu.memory_space<vmem>> -> memref<1x128xi32, #tpu.memory_space<vmem>>
        %dma_start3A_142 = tpu.memref_squeeze %dma_start3A_141 : memref<1x128xi32, #tpu.memory_space<vmem>> -> memref<128xi32, #tpu.memory_space<vmem>>
        %dma_start3A_143 = arith.constant 0 : i32
        %dma_start3A_144 = arith.constant 0 : i32
        %dma_start3A_145 = tpu.memref_slice %arg2[%dma_start3A_143, %dma_start3A_144] : memref<10000x64xf32, #tpu.memory_space<hbm>> -> memref<10000x64xf32, #tpu.memory_space<hbm>>
        tpu.enqueue_indirect_dma source(%dma_start3A_145 : memref<10000x64xf32, #tpu.memory_space<hbm>>) target(%arg12 : memref<128x64xf32, #tpu.memory_space<vmem>>) offsets(%dma_start3A_142 : memref<128xi32, #tpu.memory_space<vmem>>) semaphore(%arg16 : memref<!tpu.dma_semaphore, #tpu.memory_space<semaphore_mem>>)
        %dma_wait3A_146 = arith.constant 0 : i32
        %dma_wait3A_147 = arith.constant 0 : i32
        %dma_wait3A_148 = tpu.memref_slice %arg2[%dma_wait3A_146, %dma_wait3A_147] : memref<10000x64xf32, #tpu.memory_space<hbm>> -> memref<128x64xf32, #tpu.memory_space<hbm>>
        %dma_wait3A_149 = arith.constant 0 : i32
        %dma_wait3A_150 = arith.constant 0 : i32
        %dma_wait3A_151 = tpu.memref_slice %arg2[%dma_wait3A_149, %dma_wait3A_150] : memref<10000x64xf32, #tpu.memory_space<hbm>> -> memref<128x64xf32, #tpu.memory_space<hbm>>
        tpu.wait_dma2 semaphore(%arg15 : memref<!tpu.dma_semaphore, #tpu.memory_space<semaphore_mem>>) src(%dma_wait3A_151 : memref<128x64xf32, #tpu.memory_space<hbm>>) dst(%arg11 : memref<128x64xf32, #tpu.memory_space<vmem>>)
        %run_scoped3A_152 = arith.constant 0 : i32
        "tpu.region"() ({
          %run_scoped3A_200 = tpu.sem_alloc : memref<!tpu.dma_semaphore, #tpu.memory_space<semaphore_mem>>
          %dma_start3A_201 = arith.constant 0 : i32
          %dma_start3A_202 = tpu.memref_slice %arg10[%run_scoped3A_152, %dma_start3A_201] : memref<4x128xi32, #tpu.memory_space<vmem>> -> memref<1x128xi32, #tpu.memory_space<vmem>>
          %dma_start3A_203 = tpu.memref_squeeze %dma_start3A_202 : memref<1x128xi32, #tpu.memory_space<vmem>> -> memref<128xi32, #tpu.memory_space<vmem>>
          %dma_start3A_204 = arith.constant 0 : i32
          %dma_start3A_205 = arith.constant 0 : i32
          %dma_start3A_206 = tpu.memref_slice %arg17[%dma_start3A_204, %dma_start3A_205] : memref<10240x64xf32, #tpu.memory_space<vmem_shared>> -> memref<10240x64xf32, #tpu.memory_space<vmem_shared>>
          tpu.enqueue_indirect_dma source(%arg11 : memref<128x64xf32, #tpu.memory_space<vmem>>) target(%dma_start3A_206 : memref<10240x64xf32, #tpu.memory_space<vmem_shared>>) offsets(%dma_start3A_203 : memref<128xi32, #tpu.memory_space<vmem>>) semaphore(%run_scoped3A_200 : memref<!tpu.dma_semaphore, #tpu.memory_space<semaphore_mem>>) {add = true}
          %dma_wait3A_207 = arith.constant 0 : i32
          %dma_wait3A_208 = tpu.memref_slice %arg10[%run_scoped3A_152, %dma_wait3A_207] : memref<4x128xi32, #tpu.memory_space<vmem>> -> memref<1x128xi32, #tpu.memory_space<vmem>>
          %dma_wait3A_209 = tpu.memref_squeeze %dma_wait3A_208 : memref<1x128xi32, #tpu.memory_space<vmem>> -> memref<128xi32, #tpu.memory_space<vmem>>
          %dma_wait3A_210 = arith.constant 0 : i32
          %dma_wait3A_211 = arith.constant 0 : i32
          %dma_wait3A_212 = tpu.memref_slice %arg17[%dma_wait3A_210, %dma_wait3A_211] : memref<10240x64xf32, #tpu.memory_space<vmem_shared>> -> memref<10240x64xf32, #tpu.memory_space<vmem_shared>>
          tpu.wait_indirect_dma semaphore(%run_scoped3A_200 : memref<!tpu.dma_semaphore, #tpu.memory_space<semaphore_mem>>) src(%arg11 : memref<128x64xf32, #tpu.memory_space<vmem>>) dst(%dma_wait3A_212 : memref<10240x64xf32, #tpu.memory_space<vmem_shared>>)
          tpu.yield
        }) : () -> ()
        %dma_start3A_153 = arith.constant 2 : i32
        %dma_start3A_154 = arith.constant 0 : i32
        %dma_start3A_155 = tpu.memref_slice %arg9[%dma_start3A_153, %dma_start3A_154] : memref<4x128xi32, #tpu.memory_space<vmem>> -> memref<1x128xi32, #tpu.memory_space<vmem>>
        %dma_start3A_156 = tpu.memref_squeeze %dma_start3A_155 : memref<1x128xi32, #tpu.memory_space<vmem>> -> memref<128xi32, #tpu.memory_space<vmem>>
        %dma_start3A_157 = arith.constant 0 : i32
        %dma_start3A_158 = arith.constant 0 : i32
        %dma_start3A_159 = tpu.memref_slice %arg2[%dma_start3A_157, %dma_start3A_158] : memref<10000x64xf32, #tpu.memory_space<hbm>> -> memref<10000x64xf32, #tpu.memory_space<hbm>>
        tpu.enqueue_indirect_dma source(%dma_start3A_159 : memref<10000x64xf32, #tpu.memory_space<hbm>>) target(%arg11 : memref<128x64xf32, #tpu.memory_space<vmem>>) offsets(%dma_start3A_156 : memref<128xi32, #tpu.memory_space<vmem>>) semaphore(%arg15 : memref<!tpu.dma_semaphore, #tpu.memory_space<semaphore_mem>>)
        %dma_wait3A_160 = arith.constant 0 : i32
        %dma_wait3A_161 = arith.constant 0 : i32
        %dma_wait3A_162 = tpu.memref_slice %arg2[%dma_wait3A_160, %dma_wait3A_161] : memref<10000x64xf32, #tpu.memory_space<hbm>> -> memref<128x64xf32, #tpu.memory_space<hbm>>
        %dma_wait3A_163 = arith.constant 0 : i32
        %dma_wait3A_164 = arith.constant 0 : i32
        %dma_wait3A_165 = tpu.memref_slice %arg2[%dma_wait3A_163, %dma_wait3A_164] : memref<10000x64xf32, #tpu.memory_space<hbm>> -> memref<128x64xf32, #tpu.memory_space<hbm>>
        tpu.wait_dma2 semaphore(%arg16 : memref<!tpu.dma_semaphore, #tpu.memory_space<semaphore_mem>>) src(%dma_wait3A_165 : memref<128x64xf32, #tpu.memory_space<hbm>>) dst(%arg12 : memref<128x64xf32, #tpu.memory_space<vmem>>)
        %run_scoped3A_166 = arith.constant 1 : i32
        "tpu.region"() ({
          %run_scoped3A_200 = tpu.sem_alloc : memref<!tpu.dma_semaphore, #tpu.memory_space<semaphore_mem>>
          %dma_start3A_201 = arith.constant 0 : i32
          %dma_start3A_202 = tpu.memref_slice %arg10[%run_scoped3A_166, %dma_start3A_201] : memref<4x128xi32, #tpu.memory_space<vmem>> -> memref<1x128xi32, #tpu.memory_space<vmem>>
          %dma_start3A_203 = tpu.memref_squeeze %dma_start3A_202 : memref<1x128xi32, #tpu.memory_space<vmem>> -> memref<128xi32, #tpu.memory_space<vmem>>
          %dma_start3A_204 = arith.constant 0 : i32
          %dma_start3A_205 = arith.constant 0 : i32
          %dma_start3A_206 = tpu.memref_slice %arg17[%dma_start3A_204, %dma_start3A_205] : memref<10240x64xf32, #tpu.memory_space<vmem_shared>> -> memref<10240x64xf32, #tpu.memory_space<vmem_shared>>
          tpu.enqueue_indirect_dma source(%arg12 : memref<128x64xf32, #tpu.memory_space<vmem>>) target(%dma_start3A_206 : memref<10240x64xf32, #tpu.memory_space<vmem_shared>>) offsets(%dma_start3A_203 : memref<128xi32, #tpu.memory_space<vmem>>) semaphore(%run_scoped3A_200 : memref<!tpu.dma_semaphore, #tpu.memory_space<semaphore_mem>>) {add = true}
          %dma_wait3A_207 = arith.constant 0 : i32
          %dma_wait3A_208 = tpu.memref_slice %arg10[%run_scoped3A_166, %dma_wait3A_207] : memref<4x128xi32, #tpu.memory_space<vmem>> -> memref<1x128xi32, #tpu.memory_space<vmem>>
          %dma_wait3A_209 = tpu.memref_squeeze %dma_wait3A_208 : memref<1x128xi32, #tpu.memory_space<vmem>> -> memref<128xi32, #tpu.memory_space<vmem>>
          %dma_wait3A_210 = arith.constant 0 : i32
          %dma_wait3A_211 = arith.constant 0 : i32
          %dma_wait3A_212 = tpu.memref_slice %arg17[%dma_wait3A_210, %dma_wait3A_211] : memref<10240x64xf32, #tpu.memory_space<vmem_shared>> -> memref<10240x64xf32, #tpu.memory_space<vmem_shared>>
          tpu.wait_indirect_dma semaphore(%run_scoped3A_200 : memref<!tpu.dma_semaphore, #tpu.memory_space<semaphore_mem>>) src(%arg12 : memref<128x64xf32, #tpu.memory_space<vmem>>) dst(%dma_wait3A_212 : memref<10240x64xf32, #tpu.memory_space<vmem_shared>>)
          tpu.yield
        }) : () -> ()
        %dma_start3A_167 = arith.constant 3 : i32
        %dma_start3A_168 = arith.constant 0 : i32
        %dma_start3A_169 = tpu.memref_slice %arg9[%dma_start3A_167, %dma_start3A_168] : memref<4x128xi32, #tpu.memory_space<vmem>> -> memref<1x128xi32, #tpu.memory_space<vmem>>
        %dma_start3A_170 = tpu.memref_squeeze %dma_start3A_169 : memref<1x128xi32, #tpu.memory_space<vmem>> -> memref<128xi32, #tpu.memory_space<vmem>>
        %dma_start3A_171 = arith.constant 0 : i32
        %dma_start3A_172 = arith.constant 0 : i32
        %dma_start3A_173 = tpu.memref_slice %arg2[%dma_start3A_171, %dma_start3A_172] : memref<10000x64xf32, #tpu.memory_space<hbm>> -> memref<10000x64xf32, #tpu.memory_space<hbm>>
        tpu.enqueue_indirect_dma source(%dma_start3A_173 : memref<10000x64xf32, #tpu.memory_space<hbm>>) target(%arg12 : memref<128x64xf32, #tpu.memory_space<vmem>>) offsets(%dma_start3A_170 : memref<128xi32, #tpu.memory_space<vmem>>) semaphore(%arg16 : memref<!tpu.dma_semaphore, #tpu.memory_space<semaphore_mem>>)
        %dma_wait3A_174 = arith.constant 0 : i32
        %dma_wait3A_175 = arith.constant 0 : i32
        %dma_wait3A_176 = tpu.memref_slice %arg2[%dma_wait3A_174, %dma_wait3A_175] : memref<10000x64xf32, #tpu.memory_space<hbm>> -> memref<128x64xf32, #tpu.memory_space<hbm>>
        %dma_wait3A_177 = arith.constant 0 : i32
        %dma_wait3A_178 = arith.constant 0 : i32
        %dma_wait3A_179 = tpu.memref_slice %arg2[%dma_wait3A_177, %dma_wait3A_178] : memref<10000x64xf32, #tpu.memory_space<hbm>> -> memref<128x64xf32, #tpu.memory_space<hbm>>
        tpu.wait_dma2 semaphore(%arg15 : memref<!tpu.dma_semaphore, #tpu.memory_space<semaphore_mem>>) src(%dma_wait3A_179 : memref<128x64xf32, #tpu.memory_space<hbm>>) dst(%arg11 : memref<128x64xf32, #tpu.memory_space<vmem>>)
        %run_scoped3A_180 = arith.constant 2 : i32
        "tpu.region"() ({
          %run_scoped3A_200 = tpu.sem_alloc : memref<!tpu.dma_semaphore, #tpu.memory_space<semaphore_mem>>
          %dma_start3A_201 = arith.constant 0 : i32
          %dma_start3A_202 = tpu.memref_slice %arg10[%run_scoped3A_180, %dma_start3A_201] : memref<4x128xi32, #tpu.memory_space<vmem>> -> memref<1x128xi32, #tpu.memory_space<vmem>>
          %dma_start3A_203 = tpu.memref_squeeze %dma_start3A_202 : memref<1x128xi32, #tpu.memory_space<vmem>> -> memref<128xi32, #tpu.memory_space<vmem>>
          %dma_start3A_204 = arith.constant 0 : i32
          %dma_start3A_205 = arith.constant 0 : i32
          %dma_start3A_206 = tpu.memref_slice %arg17[%dma_start3A_204, %dma_start3A_205] : memref<10240x64xf32, #tpu.memory_space<vmem_shared>> -> memref<10240x64xf32, #tpu.memory_space<vmem_shared>>
          tpu.enqueue_indirect_dma source(%arg11 : memref<128x64xf32, #tpu.memory_space<vmem>>) target(%dma_start3A_206 : memref<10240x64xf32, #tpu.memory_space<vmem_shared>>) offsets(%dma_start3A_203 : memref<128xi32, #tpu.memory_space<vmem>>) semaphore(%run_scoped3A_200 : memref<!tpu.dma_semaphore, #tpu.memory_space<semaphore_mem>>) {add = true}
          %dma_wait3A_207 = arith.constant 0 : i32
          %dma_wait3A_208 = tpu.memref_slice %arg10[%run_scoped3A_180, %dma_wait3A_207] : memref<4x128xi32, #tpu.memory_space<vmem>> -> memref<1x128xi32, #tpu.memory_space<vmem>>
          %dma_wait3A_209 = tpu.memref_squeeze %dma_wait3A_208 : memref<1x128xi32, #tpu.memory_space<vmem>> -> memref<128xi32, #tpu.memory_space<vmem>>
          %dma_wait3A_210 = arith.constant 0 : i32
          %dma_wait3A_211 = arith.constant 0 : i32
          %dma_wait3A_212 = tpu.memref_slice %arg17[%dma_wait3A_210, %dma_wait3A_211] : memref<10240x64xf32, #tpu.memory_space<vmem_shared>> -> memref<10240x64xf32, #tpu.memory_space<vmem_shared>>
          tpu.wait_indirect_dma semaphore(%run_scoped3A_200 : memref<!tpu.dma_semaphore, #tpu.memory_space<semaphore_mem>>) src(%arg11 : memref<128x64xf32, #tpu.memory_space<vmem>>) dst(%dma_wait3A_212 : memref<10240x64xf32, #tpu.memory_space<vmem_shared>>)
          tpu.yield
        }) : () -> ()
        %add3A_181 = arith.constant 8 : i32
        %add3A_182 = arith.addi %mul3A_63, %add3A_181 : i32
        %lt3A_183 = arith.cmpi slt, %add3A_182, %select_n3A_8 : i32
        %convert_element_type3A_184 = arith.extui %lt3A_183 : i1 to i32
        %cond3A_185 = arith.constant 0 : i32
        %cond3A_186 = arith.cmpi ne, %convert_element_type3A_184, %cond3A_185 : i32
        scf.if %cond3A_186 {
          %dma_wait3A_200 = arith.constant 0 : i32
          %dma_wait3A_201 = arith.constant 0 : i32
          %dma_wait3A_202 = tpu.memref_slice %arg3[%dma_wait3A_200, %dma_wait3A_201] : memref<2560x128xi32, #tpu.memory_space<hbm>> -> memref<4x128xi32, #tpu.memory_space<hbm>>
          %dma_wait3A_203 = arith.constant 0 : i32
          %dma_wait3A_204 = arith.constant 0 : i32
          %dma_wait3A_205 = tpu.memref_slice %arg3[%dma_wait3A_203, %dma_wait3A_204] : memref<2560x128xi32, #tpu.memory_space<hbm>> -> memref<4x128xi32, #tpu.memory_space<hbm>>
          tpu.wait_dma2 semaphore(%arg13 : memref<!tpu.dma_semaphore, #tpu.memory_space<semaphore_mem>>) src(%dma_wait3A_205 : memref<4x128xi32, #tpu.memory_space<hbm>>) dst(%arg7 : memref<4x128xi32, #tpu.memory_space<vmem>>)
          %dma_wait3A_206 = arith.constant 0 : i32
          %dma_wait3A_207 = arith.constant 0 : i32
          %dma_wait3A_208 = tpu.memref_slice %arg4[%dma_wait3A_206, %dma_wait3A_207] : memref<2560x128xi32, #tpu.memory_space<hbm>> -> memref<4x128xi32, #tpu.memory_space<hbm>>
          %dma_wait3A_209 = arith.constant 0 : i32
          %dma_wait3A_210 = arith.constant 0 : i32
          %dma_wait3A_211 = tpu.memref_slice %arg4[%dma_wait3A_209, %dma_wait3A_210] : memref<2560x128xi32, #tpu.memory_space<hbm>> -> memref<4x128xi32, #tpu.memory_space<hbm>>
          tpu.wait_dma2 semaphore(%arg13 : memref<!tpu.dma_semaphore, #tpu.memory_space<semaphore_mem>>) src(%dma_wait3A_211 : memref<4x128xi32, #tpu.memory_space<hbm>>) dst(%arg8 : memref<4x128xi32, #tpu.memory_space<vmem>>)
          %dma_start3A_212 = arith.constant 0 : i32
          %dma_start3A_213 = arith.constant 0 : i32
          %dma_start3A_214 = tpu.memref_slice %arg7[%dma_start3A_212, %dma_start3A_213] : memref<4x128xi32, #tpu.memory_space<vmem>> -> memref<1x128xi32, #tpu.memory_space<vmem>>
          %dma_start3A_215 = tpu.memref_squeeze %dma_start3A_214 : memref<1x128xi32, #tpu.memory_space<vmem>> -> memref<128xi32, #tpu.memory_space<vmem>>
          %dma_start3A_216 = arith.constant 0 : i32
          %dma_start3A_217 = arith.constant 0 : i32
          %dma_start3A_218 = tpu.memref_slice %arg2[%dma_start3A_216, %dma_start3A_217] : memref<10000x64xf32, #tpu.memory_space<hbm>> -> memref<10000x64xf32, #tpu.memory_space<hbm>>
          tpu.enqueue_indirect_dma source(%dma_start3A_218 : memref<10000x64xf32, #tpu.memory_space<hbm>>) target(%arg11 : memref<128x64xf32, #tpu.memory_space<vmem>>) offsets(%dma_start3A_215 : memref<128xi32, #tpu.memory_space<vmem>>) semaphore(%arg15 : memref<!tpu.dma_semaphore, #tpu.memory_space<semaphore_mem>>)
        } else {
        }
        %dma_wait3A_187 = arith.constant 0 : i32
        %dma_wait3A_188 = arith.constant 0 : i32
        %dma_wait3A_189 = tpu.memref_slice %arg2[%dma_wait3A_187, %dma_wait3A_188] : memref<10000x64xf32, #tpu.memory_space<hbm>> -> memref<128x64xf32, #tpu.memory_space<hbm>>
        %dma_wait3A_190 = arith.constant 0 : i32
        %dma_wait3A_191 = arith.constant 0 : i32
        %dma_wait3A_192 = tpu.memref_slice %arg2[%dma_wait3A_190, %dma_wait3A_191] : memref<10000x64xf32, #tpu.memory_space<hbm>> -> memref<128x64xf32, #tpu.memory_space<hbm>>
        tpu.wait_dma2 semaphore(%arg16 : memref<!tpu.dma_semaphore, #tpu.memory_space<semaphore_mem>>) src(%dma_wait3A_192 : memref<128x64xf32, #tpu.memory_space<hbm>>) dst(%arg12 : memref<128x64xf32, #tpu.memory_space<vmem>>)
        %run_scoped3A_193 = arith.constant 3 : i32
        "tpu.region"() ({
          %run_scoped3A_200 = tpu.sem_alloc : memref<!tpu.dma_semaphore, #tpu.memory_space<semaphore_mem>>
          %dma_start3A_201 = arith.constant 0 : i32
          %dma_start3A_202 = tpu.memref_slice %arg10[%run_scoped3A_193, %dma_start3A_201] : memref<4x128xi32, #tpu.memory_space<vmem>> -> memref<1x128xi32, #tpu.memory_space<vmem>>
          %dma_start3A_203 = tpu.memref_squeeze %dma_start3A_202 : memref<1x128xi32, #tpu.memory_space<vmem>> -> memref<128xi32, #tpu.memory_space<vmem>>
          %dma_start3A_204 = arith.constant 0 : i32
          %dma_start3A_205 = arith.constant 0 : i32
          %dma_start3A_206 = tpu.memref_slice %arg17[%dma_start3A_204, %dma_start3A_205] : memref<10240x64xf32, #tpu.memory_space<vmem_shared>> -> memref<10240x64xf32, #tpu.memory_space<vmem_shared>>
          tpu.enqueue_indirect_dma source(%arg12 : memref<128x64xf32, #tpu.memory_space<vmem>>) target(%dma_start3A_206 : memref<10240x64xf32, #tpu.memory_space<vmem_shared>>) offsets(%dma_start3A_203 : memref<128xi32, #tpu.memory_space<vmem>>) semaphore(%run_scoped3A_200 : memref<!tpu.dma_semaphore, #tpu.memory_space<semaphore_mem>>) {add = true}
          %dma_wait3A_207 = arith.constant 0 : i32
          %dma_wait3A_208 = tpu.memref_slice %arg10[%run_scoped3A_193, %dma_wait3A_207] : memref<4x128xi32, #tpu.memory_space<vmem>> -> memref<1x128xi32, #tpu.memory_space<vmem>>
          %dma_wait3A_209 = tpu.memref_squeeze %dma_wait3A_208 : memref<1x128xi32, #tpu.memory_space<vmem>> -> memref<128xi32, #tpu.memory_space<vmem>>
          %dma_wait3A_210 = arith.constant 0 : i32
          %dma_wait3A_211 = arith.constant 0 : i32
          %dma_wait3A_212 = tpu.memref_slice %arg17[%dma_wait3A_210, %dma_wait3A_211] : memref<10240x64xf32, #tpu.memory_space<vmem_shared>> -> memref<10240x64xf32, #tpu.memory_space<vmem_shared>>
          tpu.wait_indirect_dma semaphore(%run_scoped3A_200 : memref<!tpu.dma_semaphore, #tpu.memory_space<semaphore_mem>>) src(%arg12 : memref<128x64xf32, #tpu.memory_space<vmem>>) dst(%dma_wait3A_212 : memref<10240x64xf32, #tpu.memory_space<vmem_shared>>)
          tpu.yield
        }) : () -> ()
        %add3A_194 = arith.constant 12 : i32
        %add3A_195 = arith.addi %mul3A_63, %add3A_194 : i32
        %lt3A_196 = arith.cmpi slt, %add3A_195, %select_n3A_8 : i32
        %convert_element_type3A_197 = arith.extui %lt3A_196 : i1 to i32
        %cond3A_198 = arith.constant 0 : i32
        %cond3A_199 = arith.cmpi ne, %convert_element_type3A_197, %cond3A_198 : i32
        scf.if %cond3A_199 {
          %add3A_200 = arith.constant 12 : i32
          %add3A_201 = arith.addi %mul3A_63, %add3A_200 : i32
          %add3A_202 = arith.addi %select_n3A, %add3A_201 : i32
          %dma_start3A_203 = arith.constant 0 : i32
          %dma_start3A_204 = tpu.memref_slice %arg3[%add3A_202, %dma_start3A_203] : memref<2560x128xi32, #tpu.memory_space<hbm>> -> memref<4x128xi32, #tpu.memory_space<hbm>>
          %dma_start3A_205 = arith.constant 0 : i32
          %dma_start3A_206 = tpu.memref_slice %arg3[%add3A_202, %dma_start3A_205] : memref<2560x128xi32, #tpu.memory_space<hbm>> -> memref<4x128xi32, #tpu.memory_space<hbm>>
          tpu.enqueue_dma source(%dma_start3A_206 : memref<4x128xi32, #tpu.memory_space<hbm>>) target(%arg9 : memref<4x128xi32, #tpu.memory_space<vmem>>) target_semaphore(%arg14 : memref<!tpu.dma_semaphore, #tpu.memory_space<semaphore_mem>>)
          %add3A_207 = arith.addi %select_n3A, %add3A_201 : i32
          %dma_start3A_208 = arith.constant 0 : i32
          %dma_start3A_209 = tpu.memref_slice %arg4[%add3A_207, %dma_start3A_208] : memref<2560x128xi32, #tpu.memory_space<hbm>> -> memref<4x128xi32, #tpu.memory_space<hbm>>
          %dma_start3A_210 = arith.constant 0 : i32
          %dma_start3A_211 = tpu.memref_slice %arg4[%add3A_207, %dma_start3A_210] : memref<2560x128xi32, #tpu.memory_space<hbm>> -> memref<4x128xi32, #tpu.memory_space<hbm>>
          tpu.enqueue_dma source(%dma_start3A_211 : memref<4x128xi32, #tpu.memory_space<hbm>>) target(%arg10 : memref<4x128xi32, #tpu.memory_space<vmem>>) target_semaphore(%arg14 : memref<!tpu.dma_semaphore, #tpu.memory_space<semaphore_mem>>)
        } else {
        }
      } else {
      }
    }
    %scan3A_55 = arith.constant 19 : i32
    %barrier3A_56 = arith.constant 0 : index
    tpu.barrier barrier_id(%barrier3A_56)
    %lt3A = arith.constant 10 : i32
    %lt3A_57 = arith.cmpi slt, %arg1, %lt3A : i32
    %convert_element_type3A_58 = arith.extui %lt3A_57 : i1 to i32
    %cond3A_59 = arith.constant 0 : i32
    %cond3A_60 = arith.cmpi ne, %convert_element_type3A_58, %cond3A_59 : i32
    scf.if %cond3A_60 {
      %mul3A_61 = arith.constant 1000 : i32
      %mul3A_62 = arith.muli %arg1, %mul3A_61 : i32
      %mul3A_63 = arith.constant 1000 : i32
      %mul3A_64 = arith.muli %arg1, %mul3A_63 : i32
      "tpu.region"() ({
        %run_scoped3A = tpu.sem_alloc : memref<!tpu.dma_semaphore, #tpu.memory_space<semaphore_mem>>
        %dma_start3A = arith.constant 0 : i32
        %dma_start3A_65 = tpu.memref_slice %arg6[%arg0, %mul3A_64, %dma_start3A] : memref<2x10000x64xf32, #tpu.memory_space<hbm>> -> memref<1x1000x64xf32, #tpu.memory_space<hbm>>
        %dma_start3A_66 = tpu.memref_squeeze %dma_start3A_65 : memref<1x1000x64xf32, #tpu.memory_space<hbm>> -> memref<1000x64xf32, #tpu.memory_space<hbm>>
        %dma_start3A_67 = arith.constant 0 : i32
        %dma_start3A_68 = tpu.memref_slice %arg17[%mul3A_62, %dma_start3A_67] : memref<10240x64xf32, #tpu.memory_space<vmem_shared>> -> memref<1000x64xf32, #tpu.memory_space<vmem_shared>>
        tpu.enqueue_dma source(%dma_start3A_68 : memref<1000x64xf32, #tpu.memory_space<vmem_shared>>) target(%dma_start3A_66 : memref<1000x64xf32, #tpu.memory_space<hbm>>) target_semaphore(%run_scoped3A : memref<!tpu.dma_semaphore, #tpu.memory_space<semaphore_mem>>)
        %dma_wait3A = arith.constant 0 : i32
        %dma_wait3A_69 = tpu.memref_slice %arg6[%arg0, %mul3A_64, %dma_wait3A] : memref<2x10000x64xf32, #tpu.memory_space<hbm>> -> memref<1x1000x64xf32, #tpu.memory_space<hbm>>
        %dma_wait3A_70 = tpu.memref_squeeze %dma_wait3A_69 : memref<1x1000x64xf32, #tpu.memory_space<hbm>> -> memref<1000x64xf32, #tpu.memory_space<hbm>>
        %dma_wait3A_71 = arith.constant 0 : i32
        %dma_wait3A_72 = tpu.memref_slice %arg17[%mul3A_62, %dma_wait3A_71] : memref<10240x64xf32, #tpu.memory_space<vmem_shared>> -> memref<1000x64xf32, #tpu.memory_space<vmem_shared>>
        tpu.wait_dma2 semaphore(%run_scoped3A : memref<!tpu.dma_semaphore, #tpu.memory_space<semaphore_mem>>) src(%dma_wait3A_72 : memref<1000x64xf32, #tpu.memory_space<vmem_shared>>) dst(%dma_wait3A_70 : memref<1000x64xf32, #tpu.memory_space<hbm>>)
        tpu.yield
      }) : () -> ()
    } else {
    }
    return
  }
}

#map = affine_map<(d0, d1) -> (0, 0)>
#map1 = affine_map<(d0, d1) -> (0, 0, 0)>
module attributes {stable_mosaic.version = 14 : i64} {
  func.func @sc_aggregate(%arg0: i32, %arg1: i32, %arg2: memref<10000x128xf32, #tpu.memory_space<hbm>>, %arg3: memref<2560x128xi32, #tpu.memory_space<hbm>>, %arg4: memref<2560x128xi32, #tpu.memory_space<hbm>>, %arg5: memref<64x128xf32, #tpu.memory_space<hbm>>, %arg6: memref<2x10000x128xf32, #tpu.memory_space<hbm>>, %arg7: memref<4x128xi32, #tpu.memory_space<vmem>>, %arg8: memref<4x128xi32, #tpu.memory_space<vmem>>, %arg9: memref<4x128xi32, #tpu.memory_space<vmem>>, %arg10: memref<4x128xi32, #tpu.memory_space<vmem>>, %arg11: memref<128x128xf32, #tpu.memory_space<vmem>>, %arg12: memref<128x128xf32, #tpu.memory_space<vmem>>, %arg13: memref<!tpu.dma_semaphore, #tpu.memory_space<semaphore_mem>>, %arg14: memref<!tpu.dma_semaphore, #tpu.memory_space<semaphore_mem>>, %arg15: memref<!tpu.dma_semaphore, #tpu.memory_space<semaphore_mem>>, %arg16: memref<!tpu.dma_semaphore, #tpu.memory_space<semaphore_mem>>, %arg17: memref<10240x128xf32, #tpu.memory_space<vmem_shared>>) attributes {dimension_semantics = [#tpu.dimension_semantics<core_parallel>, #tpu.dimension_semantics<subcore_parallel>], iteration_bounds = array<i64: 2, 16>, scalar_prefetch = 0 : i64, scratch_operands = 11 : i64, tpu.core_type = #tpu.core_type<sc_vector_subcore>, window_params = [{transform_indices = #map}, {transform_indices = #map}, {transform_indices = #map}, {transform_indices = #map}, {transform_indices = #map1}]} {
    %eq3A = arith.constant 0 : i32
    %eq3A_0 = arith.cmpi eq, %arg0, %eq3A : i32
    %mul3A = arith.constant 152 : i32
    %mul3A_1 = arith.muli %arg1, %mul3A : i32
    %mul3A_2 = arith.constant 8 : i32
    %mul3A_3 = arith.muli %arg1, %mul3A_2 : i32
    %add3A = arith.constant 2432 : i32
    %add3A_4 = arith.addi %add3A, %mul3A_3 : i32
    %select_n3A = arith.select %eq3A_0, %mul3A_1, %add3A_4 : i32
    %eq3A_5 = arith.constant 0 : i32
    %eq3A_6 = arith.cmpi eq, %arg0, %eq3A_5 : i32
    %jit3A = arith.constant 152 : i32
    %jit3A_7 = arith.constant 8 : i32
    %select_n3A_8 = arith.select %eq3A_6, %jit3A, %jit3A_7 : i32
    %mul3A_9 = arith.constant 640 : i32
    %mul3A_10 = arith.muli %arg1, %mul3A_9 : i32
    %add3A_11 = arith.constant 0 : i32
    %add3A_12 = arith.addi %mul3A_10, %add3A_11 : i32
    "tpu.region"() ({
      %run_scoped3A = tpu.sem_alloc : memref<!tpu.dma_semaphore, #tpu.memory_space<semaphore_mem>>
      %dma_start3A = arith.constant 0 : i32
      %dma_start3A_61 = tpu.memref_slice %arg17[%add3A_12, %dma_start3A] : memref<10240x128xf32, #tpu.memory_space<vmem_shared>> -> memref<64x128xf32, #tpu.memory_space<vmem_shared>>
      tpu.enqueue_dma source(%arg5 : memref<64x128xf32, #tpu.memory_space<hbm>>) target(%dma_start3A_61 : memref<64x128xf32, #tpu.memory_space<vmem_shared>>) target_semaphore(%run_scoped3A : memref<!tpu.dma_semaphore, #tpu.memory_space<semaphore_mem>>)
      %dma_wait3A = arith.constant 0 : i32
      %dma_wait3A_62 = tpu.memref_slice %arg17[%add3A_12, %dma_wait3A] : memref<10240x128xf32, #tpu.memory_space<vmem_shared>> -> memref<64x128xf32, #tpu.memory_space<vmem_shared>>
      tpu.wait_dma2 semaphore(%run_scoped3A : memref<!tpu.dma_semaphore, #tpu.memory_space<semaphore_mem>>) src(%arg5 : memref<64x128xf32, #tpu.memory_space<hbm>>) dst(%dma_wait3A_62 : memref<64x128xf32, #tpu.memory_space<vmem_shared>>)
      tpu.yield
    }) : () -> ()
    %mul3A_13 = arith.constant 640 : i32
    %mul3A_14 = arith.muli %arg1, %mul3A_13 : i32
    %add3A_15 = arith.constant 64 : i32
    %add3A_16 = arith.addi %mul3A_14, %add3A_15 : i32
    "tpu.region"() ({
      %run_scoped3A = tpu.sem_alloc : memref<!tpu.dma_semaphore, #tpu.memory_space<semaphore_mem>>
      %dma_start3A = arith.constant 0 : i32
      %dma_start3A_61 = tpu.memref_slice %arg17[%add3A_16, %dma_start3A] : memref<10240x128xf32, #tpu.memory_space<vmem_shared>> -> memref<64x128xf32, #tpu.memory_space<vmem_shared>>
      tpu.enqueue_dma source(%arg5 : memref<64x128xf32, #tpu.memory_space<hbm>>) target(%dma_start3A_61 : memref<64x128xf32, #tpu.memory_space<vmem_shared>>) target_semaphore(%run_scoped3A : memref<!tpu.dma_semaphore, #tpu.memory_space<semaphore_mem>>)
      %dma_wait3A = arith.constant 0 : i32
      %dma_wait3A_62 = tpu.memref_slice %arg17[%add3A_16, %dma_wait3A] : memref<10240x128xf32, #tpu.memory_space<vmem_shared>> -> memref<64x128xf32, #tpu.memory_space<vmem_shared>>
      tpu.wait_dma2 semaphore(%run_scoped3A : memref<!tpu.dma_semaphore, #tpu.memory_space<semaphore_mem>>) src(%arg5 : memref<64x128xf32, #tpu.memory_space<hbm>>) dst(%dma_wait3A_62 : memref<64x128xf32, #tpu.memory_space<vmem_shared>>)
      tpu.yield
    }) : () -> ()
    %mul3A_17 = arith.constant 640 : i32
    %mul3A_18 = arith.muli %arg1, %mul3A_17 : i32
    %add3A_19 = arith.constant 128 : i32
    %add3A_20 = arith.addi %mul3A_18, %add3A_19 : i32
    "tpu.region"() ({
      %run_scoped3A = tpu.sem_alloc : memref<!tpu.dma_semaphore, #tpu.memory_space<semaphore_mem>>
      %dma_start3A = arith.constant 0 : i32
      %dma_start3A_61 = tpu.memref_slice %arg17[%add3A_20, %dma_start3A] : memref<10240x128xf32, #tpu.memory_space<vmem_shared>> -> memref<64x128xf32, #tpu.memory_space<vmem_shared>>
      tpu.enqueue_dma source(%arg5 : memref<64x128xf32, #tpu.memory_space<hbm>>) target(%dma_start3A_61 : memref<64x128xf32, #tpu.memory_space<vmem_shared>>) target_semaphore(%run_scoped3A : memref<!tpu.dma_semaphore, #tpu.memory_space<semaphore_mem>>)
      %dma_wait3A = arith.constant 0 : i32
      %dma_wait3A_62 = tpu.memref_slice %arg17[%add3A_20, %dma_wait3A] : memref<10240x128xf32, #tpu.memory_space<vmem_shared>> -> memref<64x128xf32, #tpu.memory_space<vmem_shared>>
      tpu.wait_dma2 semaphore(%run_scoped3A : memref<!tpu.dma_semaphore, #tpu.memory_space<semaphore_mem>>) src(%arg5 : memref<64x128xf32, #tpu.memory_space<hbm>>) dst(%dma_wait3A_62 : memref<64x128xf32, #tpu.memory_space<vmem_shared>>)
      tpu.yield
    }) : () -> ()
    %mul3A_21 = arith.constant 640 : i32
    %mul3A_22 = arith.muli %arg1, %mul3A_21 : i32
    %add3A_23 = arith.constant 192 : i32
    %add3A_24 = arith.addi %mul3A_22, %add3A_23 : i32
    "tpu.region"() ({
      %run_scoped3A = tpu.sem_alloc : memref<!tpu.dma_semaphore, #tpu.memory_space<semaphore_mem>>
      %dma_start3A = arith.constant 0 : i32
      %dma_start3A_61 = tpu.memref_slice %arg17[%add3A_24, %dma_start3A] : memref<10240x128xf32, #tpu.memory_space<vmem_shared>> -> memref<64x128xf32, #tpu.memory_space<vmem_shared>>
      tpu.enqueue_dma source(%arg5 : memref<64x128xf32, #tpu.memory_space<hbm>>) target(%dma_start3A_61 : memref<64x128xf32, #tpu.memory_space<vmem_shared>>) target_semaphore(%run_scoped3A : memref<!tpu.dma_semaphore, #tpu.memory_space<semaphore_mem>>)
      %dma_wait3A = arith.constant 0 : i32
      %dma_wait3A_62 = tpu.memref_slice %arg17[%add3A_24, %dma_wait3A] : memref<10240x128xf32, #tpu.memory_space<vmem_shared>> -> memref<64x128xf32, #tpu.memory_space<vmem_shared>>
      tpu.wait_dma2 semaphore(%run_scoped3A : memref<!tpu.dma_semaphore, #tpu.memory_space<semaphore_mem>>) src(%arg5 : memref<64x128xf32, #tpu.memory_space<hbm>>) dst(%dma_wait3A_62 : memref<64x128xf32, #tpu.memory_space<vmem_shared>>)
      tpu.yield
    }) : () -> ()
    %mul3A_25 = arith.constant 640 : i32
    %mul3A_26 = arith.muli %arg1, %mul3A_25 : i32
    %add3A_27 = arith.constant 256 : i32
    %add3A_28 = arith.addi %mul3A_26, %add3A_27 : i32
    "tpu.region"() ({
      %run_scoped3A = tpu.sem_alloc : memref<!tpu.dma_semaphore, #tpu.memory_space<semaphore_mem>>
      %dma_start3A = arith.constant 0 : i32
      %dma_start3A_61 = tpu.memref_slice %arg17[%add3A_28, %dma_start3A] : memref<10240x128xf32, #tpu.memory_space<vmem_shared>> -> memref<64x128xf32, #tpu.memory_space<vmem_shared>>
      tpu.enqueue_dma source(%arg5 : memref<64x128xf32, #tpu.memory_space<hbm>>) target(%dma_start3A_61 : memref<64x128xf32, #tpu.memory_space<vmem_shared>>) target_semaphore(%run_scoped3A : memref<!tpu.dma_semaphore, #tpu.memory_space<semaphore_mem>>)
      %dma_wait3A = arith.constant 0 : i32
      %dma_wait3A_62 = tpu.memref_slice %arg17[%add3A_28, %dma_wait3A] : memref<10240x128xf32, #tpu.memory_space<vmem_shared>> -> memref<64x128xf32, #tpu.memory_space<vmem_shared>>
      tpu.wait_dma2 semaphore(%run_scoped3A : memref<!tpu.dma_semaphore, #tpu.memory_space<semaphore_mem>>) src(%arg5 : memref<64x128xf32, #tpu.memory_space<hbm>>) dst(%dma_wait3A_62 : memref<64x128xf32, #tpu.memory_space<vmem_shared>>)
      tpu.yield
    }) : () -> ()
    %mul3A_29 = arith.constant 640 : i32
    %mul3A_30 = arith.muli %arg1, %mul3A_29 : i32
    %add3A_31 = arith.constant 320 : i32
    %add3A_32 = arith.addi %mul3A_30, %add3A_31 : i32
    "tpu.region"() ({
      %run_scoped3A = tpu.sem_alloc : memref<!tpu.dma_semaphore, #tpu.memory_space<semaphore_mem>>
      %dma_start3A = arith.constant 0 : i32
      %dma_start3A_61 = tpu.memref_slice %arg17[%add3A_32, %dma_start3A] : memref<10240x128xf32, #tpu.memory_space<vmem_shared>> -> memref<64x128xf32, #tpu.memory_space<vmem_shared>>
      tpu.enqueue_dma source(%arg5 : memref<64x128xf32, #tpu.memory_space<hbm>>) target(%dma_start3A_61 : memref<64x128xf32, #tpu.memory_space<vmem_shared>>) target_semaphore(%run_scoped3A : memref<!tpu.dma_semaphore, #tpu.memory_space<semaphore_mem>>)
      %dma_wait3A = arith.constant 0 : i32
      %dma_wait3A_62 = tpu.memref_slice %arg17[%add3A_32, %dma_wait3A] : memref<10240x128xf32, #tpu.memory_space<vmem_shared>> -> memref<64x128xf32, #tpu.memory_space<vmem_shared>>
      tpu.wait_dma2 semaphore(%run_scoped3A : memref<!tpu.dma_semaphore, #tpu.memory_space<semaphore_mem>>) src(%arg5 : memref<64x128xf32, #tpu.memory_space<hbm>>) dst(%dma_wait3A_62 : memref<64x128xf32, #tpu.memory_space<vmem_shared>>)
      tpu.yield
    }) : () -> ()
    %mul3A_33 = arith.constant 640 : i32
    %mul3A_34 = arith.muli %arg1, %mul3A_33 : i32
    %add3A_35 = arith.constant 384 : i32
    %add3A_36 = arith.addi %mul3A_34, %add3A_35 : i32
    "tpu.region"() ({
      %run_scoped3A = tpu.sem_alloc : memref<!tpu.dma_semaphore, #tpu.memory_space<semaphore_mem>>
      %dma_start3A = arith.constant 0 : i32
      %dma_start3A_61 = tpu.memref_slice %arg17[%add3A_36, %dma_start3A] : memref<10240x128xf32, #tpu.memory_space<vmem_shared>> -> memref<64x128xf32, #tpu.memory_space<vmem_shared>>
      tpu.enqueue_dma source(%arg5 : memref<64x128xf32, #tpu.memory_space<hbm>>) target(%dma_start3A_61 : memref<64x128xf32, #tpu.memory_space<vmem_shared>>) target_semaphore(%run_scoped3A : memref<!tpu.dma_semaphore, #tpu.memory_space<semaphore_mem>>)
      %dma_wait3A = arith.constant 0 : i32
      %dma_wait3A_62 = tpu.memref_slice %arg17[%add3A_36, %dma_wait3A] : memref<10240x128xf32, #tpu.memory_space<vmem_shared>> -> memref<64x128xf32, #tpu.memory_space<vmem_shared>>
      tpu.wait_dma2 semaphore(%run_scoped3A : memref<!tpu.dma_semaphore, #tpu.memory_space<semaphore_mem>>) src(%arg5 : memref<64x128xf32, #tpu.memory_space<hbm>>) dst(%dma_wait3A_62 : memref<64x128xf32, #tpu.memory_space<vmem_shared>>)
      tpu.yield
    }) : () -> ()
    %mul3A_37 = arith.constant 640 : i32
    %mul3A_38 = arith.muli %arg1, %mul3A_37 : i32
    %add3A_39 = arith.constant 448 : i32
    %add3A_40 = arith.addi %mul3A_38, %add3A_39 : i32
    "tpu.region"() ({
      %run_scoped3A = tpu.sem_alloc : memref<!tpu.dma_semaphore, #tpu.memory_space<semaphore_mem>>
      %dma_start3A = arith.constant 0 : i32
      %dma_start3A_61 = tpu.memref_slice %arg17[%add3A_40, %dma_start3A] : memref<10240x128xf32, #tpu.memory_space<vmem_shared>> -> memref<64x128xf32, #tpu.memory_space<vmem_shared>>
      tpu.enqueue_dma source(%arg5 : memref<64x128xf32, #tpu.memory_space<hbm>>) target(%dma_start3A_61 : memref<64x128xf32, #tpu.memory_space<vmem_shared>>) target_semaphore(%run_scoped3A : memref<!tpu.dma_semaphore, #tpu.memory_space<semaphore_mem>>)
      %dma_wait3A = arith.constant 0 : i32
      %dma_wait3A_62 = tpu.memref_slice %arg17[%add3A_40, %dma_wait3A] : memref<10240x128xf32, #tpu.memory_space<vmem_shared>> -> memref<64x128xf32, #tpu.memory_space<vmem_shared>>
      tpu.wait_dma2 semaphore(%run_scoped3A : memref<!tpu.dma_semaphore, #tpu.memory_space<semaphore_mem>>) src(%arg5 : memref<64x128xf32, #tpu.memory_space<hbm>>) dst(%dma_wait3A_62 : memref<64x128xf32, #tpu.memory_space<vmem_shared>>)
      tpu.yield
    }) : () -> ()
    %mul3A_41 = arith.constant 640 : i32
    %mul3A_42 = arith.muli %arg1, %mul3A_41 : i32
    %add3A_43 = arith.constant 512 : i32
    %add3A_44 = arith.addi %mul3A_42, %add3A_43 : i32
    "tpu.region"() ({
      %run_scoped3A = tpu.sem_alloc : memref<!tpu.dma_semaphore, #tpu.memory_space<semaphore_mem>>
      %dma_start3A = arith.constant 0 : i32
      %dma_start3A_61 = tpu.memref_slice %arg17[%add3A_44, %dma_start3A] : memref<10240x128xf32, #tpu.memory_space<vmem_shared>> -> memref<64x128xf32, #tpu.memory_space<vmem_shared>>
      tpu.enqueue_dma source(%arg5 : memref<64x128xf32, #tpu.memory_space<hbm>>) target(%dma_start3A_61 : memref<64x128xf32, #tpu.memory_space<vmem_shared>>) target_semaphore(%run_scoped3A : memref<!tpu.dma_semaphore, #tpu.memory_space<semaphore_mem>>)
      %dma_wait3A = arith.constant 0 : i32
      %dma_wait3A_62 = tpu.memref_slice %arg17[%add3A_44, %dma_wait3A] : memref<10240x128xf32, #tpu.memory_space<vmem_shared>> -> memref<64x128xf32, #tpu.memory_space<vmem_shared>>
      tpu.wait_dma2 semaphore(%run_scoped3A : memref<!tpu.dma_semaphore, #tpu.memory_space<semaphore_mem>>) src(%arg5 : memref<64x128xf32, #tpu.memory_space<hbm>>) dst(%dma_wait3A_62 : memref<64x128xf32, #tpu.memory_space<vmem_shared>>)
      tpu.yield
    }) : () -> ()
    %mul3A_45 = arith.constant 640 : i32
    %mul3A_46 = arith.muli %arg1, %mul3A_45 : i32
    %add3A_47 = arith.constant 576 : i32
    %add3A_48 = arith.addi %mul3A_46, %add3A_47 : i32
    "tpu.region"() ({
      %run_scoped3A = tpu.sem_alloc : memref<!tpu.dma_semaphore, #tpu.memory_space<semaphore_mem>>
      %dma_start3A = arith.constant 0 : i32
      %dma_start3A_61 = tpu.memref_slice %arg17[%add3A_48, %dma_start3A] : memref<10240x128xf32, #tpu.memory_space<vmem_shared>> -> memref<64x128xf32, #tpu.memory_space<vmem_shared>>
      tpu.enqueue_dma source(%arg5 : memref<64x128xf32, #tpu.memory_space<hbm>>) target(%dma_start3A_61 : memref<64x128xf32, #tpu.memory_space<vmem_shared>>) target_semaphore(%run_scoped3A : memref<!tpu.dma_semaphore, #tpu.memory_space<semaphore_mem>>)
      %dma_wait3A = arith.constant 0 : i32
      %dma_wait3A_62 = tpu.memref_slice %arg17[%add3A_48, %dma_wait3A] : memref<10240x128xf32, #tpu.memory_space<vmem_shared>> -> memref<64x128xf32, #tpu.memory_space<vmem_shared>>
      tpu.wait_dma2 semaphore(%run_scoped3A : memref<!tpu.dma_semaphore, #tpu.memory_space<semaphore_mem>>) src(%arg5 : memref<64x128xf32, #tpu.memory_space<hbm>>) dst(%dma_wait3A_62 : memref<64x128xf32, #tpu.memory_space<vmem_shared>>)
      tpu.yield
    }) : () -> ()
    %barrier3A = arith.constant 0 : index
    tpu.barrier barrier_id(%barrier3A)
    %gt3A = arith.constant 0 : i32
    %gt3A_49 = arith.cmpi sgt, %select_n3A_8, %gt3A : i32
    %convert_element_type3A = arith.extui %gt3A_49 : i1 to i32
    %cond3A = arith.constant 0 : i32
    %cond3A_50 = arith.cmpi ne, %convert_element_type3A, %cond3A : i32
    scf.if %cond3A_50 {
      "tpu.region"() ({
        %run_scoped3A = tpu.sem_alloc : memref<!tpu.dma_semaphore, #tpu.memory_space<semaphore_mem>>
        %dma_start3A_79 = arith.constant 0 : i32
        %dma_start3A_80 = tpu.memref_slice %arg3[%select_n3A, %dma_start3A_79] : memref<2560x128xi32, #tpu.memory_space<hbm>> -> memref<4x128xi32, #tpu.memory_space<hbm>>
        %dma_start3A_81 = arith.constant 0 : i32
        %dma_start3A_82 = tpu.memref_slice %arg3[%select_n3A, %dma_start3A_81] : memref<2560x128xi32, #tpu.memory_space<hbm>> -> memref<4x128xi32, #tpu.memory_space<hbm>>
        tpu.enqueue_dma source(%dma_start3A_82 : memref<4x128xi32, #tpu.memory_space<hbm>>) target(%arg7 : memref<4x128xi32, #tpu.memory_space<vmem>>) target_semaphore(%run_scoped3A : memref<!tpu.dma_semaphore, #tpu.memory_space<semaphore_mem>>)
        %dma_wait3A = arith.constant 0 : i32
        %dma_wait3A_83 = tpu.memref_slice %arg3[%select_n3A, %dma_wait3A] : memref<2560x128xi32, #tpu.memory_space<hbm>> -> memref<4x128xi32, #tpu.memory_space<hbm>>
        %dma_wait3A_84 = arith.constant 0 : i32
        %dma_wait3A_85 = tpu.memref_slice %arg3[%select_n3A, %dma_wait3A_84] : memref<2560x128xi32, #tpu.memory_space<hbm>> -> memref<4x128xi32, #tpu.memory_space<hbm>>
        tpu.wait_dma2 semaphore(%run_scoped3A : memref<!tpu.dma_semaphore, #tpu.memory_space<semaphore_mem>>) src(%dma_wait3A_85 : memref<4x128xi32, #tpu.memory_space<hbm>>) dst(%arg7 : memref<4x128xi32, #tpu.memory_space<vmem>>)
        tpu.yield
      }) : () -> ()
      "tpu.region"() ({
        %run_scoped3A = tpu.sem_alloc : memref<!tpu.dma_semaphore, #tpu.memory_space<semaphore_mem>>
        %dma_start3A_79 = arith.constant 0 : i32
        %dma_start3A_80 = tpu.memref_slice %arg4[%select_n3A, %dma_start3A_79] : memref<2560x128xi32, #tpu.memory_space<hbm>> -> memref<4x128xi32, #tpu.memory_space<hbm>>
        %dma_start3A_81 = arith.constant 0 : i32
        %dma_start3A_82 = tpu.memref_slice %arg4[%select_n3A, %dma_start3A_81] : memref<2560x128xi32, #tpu.memory_space<hbm>> -> memref<4x128xi32, #tpu.memory_space<hbm>>
        tpu.enqueue_dma source(%dma_start3A_82 : memref<4x128xi32, #tpu.memory_space<hbm>>) target(%arg8 : memref<4x128xi32, #tpu.memory_space<vmem>>) target_semaphore(%run_scoped3A : memref<!tpu.dma_semaphore, #tpu.memory_space<semaphore_mem>>)
        %dma_wait3A = arith.constant 0 : i32
        %dma_wait3A_83 = tpu.memref_slice %arg4[%select_n3A, %dma_wait3A] : memref<2560x128xi32, #tpu.memory_space<hbm>> -> memref<4x128xi32, #tpu.memory_space<hbm>>
        %dma_wait3A_84 = arith.constant 0 : i32
        %dma_wait3A_85 = tpu.memref_slice %arg4[%select_n3A, %dma_wait3A_84] : memref<2560x128xi32, #tpu.memory_space<hbm>> -> memref<4x128xi32, #tpu.memory_space<hbm>>
        tpu.wait_dma2 semaphore(%run_scoped3A : memref<!tpu.dma_semaphore, #tpu.memory_space<semaphore_mem>>) src(%dma_wait3A_85 : memref<4x128xi32, #tpu.memory_space<hbm>>) dst(%arg8 : memref<4x128xi32, #tpu.memory_space<vmem>>)
        tpu.yield
      }) : () -> ()
      %add3A_61 = arith.constant 4 : i32
      %add3A_62 = arith.addi %select_n3A, %add3A_61 : i32
      %dma_start3A = arith.constant 0 : i32
      %dma_start3A_63 = tpu.memref_slice %arg3[%add3A_62, %dma_start3A] : memref<2560x128xi32, #tpu.memory_space<hbm>> -> memref<4x128xi32, #tpu.memory_space<hbm>>
      %dma_start3A_64 = arith.constant 0 : i32
      %dma_start3A_65 = tpu.memref_slice %arg3[%add3A_62, %dma_start3A_64] : memref<2560x128xi32, #tpu.memory_space<hbm>> -> memref<4x128xi32, #tpu.memory_space<hbm>>
      tpu.enqueue_dma source(%dma_start3A_65 : memref<4x128xi32, #tpu.memory_space<hbm>>) target(%arg9 : memref<4x128xi32, #tpu.memory_space<vmem>>) target_semaphore(%arg14 : memref<!tpu.dma_semaphore, #tpu.memory_space<semaphore_mem>>)
      %add3A_66 = arith.constant 4 : i32
      %add3A_67 = arith.addi %select_n3A, %add3A_66 : i32
      %dma_start3A_68 = arith.constant 0 : i32
      %dma_start3A_69 = tpu.memref_slice %arg4[%add3A_67, %dma_start3A_68] : memref<2560x128xi32, #tpu.memory_space<hbm>> -> memref<4x128xi32, #tpu.memory_space<hbm>>
      %dma_start3A_70 = arith.constant 0 : i32
      %dma_start3A_71 = tpu.memref_slice %arg4[%add3A_67, %dma_start3A_70] : memref<2560x128xi32, #tpu.memory_space<hbm>> -> memref<4x128xi32, #tpu.memory_space<hbm>>
      tpu.enqueue_dma source(%dma_start3A_71 : memref<4x128xi32, #tpu.memory_space<hbm>>) target(%arg10 : memref<4x128xi32, #tpu.memory_space<vmem>>) target_semaphore(%arg14 : memref<!tpu.dma_semaphore, #tpu.memory_space<semaphore_mem>>)
      %dma_start3A_72 = arith.constant 0 : i32
      %dma_start3A_73 = arith.constant 0 : i32
      %dma_start3A_74 = tpu.memref_slice %arg7[%dma_start3A_72, %dma_start3A_73] : memref<4x128xi32, #tpu.memory_space<vmem>> -> memref<1x128xi32, #tpu.memory_space<vmem>>
      %dma_start3A_75 = tpu.memref_squeeze %dma_start3A_74 : memref<1x128xi32, #tpu.memory_space<vmem>> -> memref<128xi32, #tpu.memory_space<vmem>>
      %dma_start3A_76 = arith.constant 0 : i32
      %dma_start3A_77 = arith.constant 0 : i32
      %dma_start3A_78 = tpu.memref_slice %arg2[%dma_start3A_76, %dma_start3A_77] : memref<10000x128xf32, #tpu.memory_space<hbm>> -> memref<10000x128xf32, #tpu.memory_space<hbm>>
      tpu.enqueue_indirect_dma source(%dma_start3A_78 : memref<10000x128xf32, #tpu.memory_space<hbm>>) target(%arg11 : memref<128x128xf32, #tpu.memory_space<vmem>>) offsets(%dma_start3A_75 : memref<128xi32, #tpu.memory_space<vmem>>) semaphore(%arg15 : memref<!tpu.dma_semaphore, #tpu.memory_space<semaphore_mem>>)
    } else {
    }
    %scan3A = arith.constant 0 : i32
    %scan3A_51 = arith.constant 0 : i32
    %scan3A_52 = arith.constant 19 : i32
    %scan3A_53 = arith.addi %scan3A_51, %scan3A_52 : i32
    %scan3A_54 = arith.constant 1 : i32
    scf.for %scan3A_61 = %scan3A_51 to %scan3A_53 step %scan3A_54  : i32 {
      %mul3A_62 = arith.constant 8 : i32
      %mul3A_63 = arith.muli %mul3A_62, %scan3A_61 : i32
      %lt3A_64 = arith.cmpi slt, %mul3A_63, %select_n3A_8 : i32
      %convert_element_type3A_65 = arith.extui %lt3A_64 : i1 to i32
      %cond3A_66 = arith.constant 0 : i32
      %cond3A_67 = arith.cmpi ne, %convert_element_type3A_65, %cond3A_66 : i32
      scf.if %cond3A_67 {
        %dma_start3A = arith.constant 1 : i32
        %dma_start3A_68 = arith.constant 0 : i32
        %dma_start3A_69 = tpu.memref_slice %arg7[%dma_start3A, %dma_start3A_68] : memref<4x128xi32, #tpu.memory_space<vmem>> -> memref<1x128xi32, #tpu.memory_space<vmem>>
        %dma_start3A_70 = tpu.memref_squeeze %dma_start3A_69 : memref<1x128xi32, #tpu.memory_space<vmem>> -> memref<128xi32, #tpu.memory_space<vmem>>
        %dma_start3A_71 = arith.constant 0 : i32
        %dma_start3A_72 = arith.constant 0 : i32
        %dma_start3A_73 = tpu.memref_slice %arg2[%dma_start3A_71, %dma_start3A_72] : memref<10000x128xf32, #tpu.memory_space<hbm>> -> memref<10000x128xf32, #tpu.memory_space<hbm>>
        tpu.enqueue_indirect_dma source(%dma_start3A_73 : memref<10000x128xf32, #tpu.memory_space<hbm>>) target(%arg12 : memref<128x128xf32, #tpu.memory_space<vmem>>) offsets(%dma_start3A_70 : memref<128xi32, #tpu.memory_space<vmem>>) semaphore(%arg16 : memref<!tpu.dma_semaphore, #tpu.memory_space<semaphore_mem>>)
        %dma_wait3A = arith.constant 0 : i32
        %dma_wait3A_74 = arith.constant 0 : i32
        %dma_wait3A_75 = tpu.memref_slice %arg2[%dma_wait3A, %dma_wait3A_74] : memref<10000x128xf32, #tpu.memory_space<hbm>> -> memref<128x128xf32, #tpu.memory_space<hbm>>
        %dma_wait3A_76 = arith.constant 0 : i32
        %dma_wait3A_77 = arith.constant 0 : i32
        %dma_wait3A_78 = tpu.memref_slice %arg2[%dma_wait3A_76, %dma_wait3A_77] : memref<10000x128xf32, #tpu.memory_space<hbm>> -> memref<128x128xf32, #tpu.memory_space<hbm>>
        tpu.wait_dma2 semaphore(%arg15 : memref<!tpu.dma_semaphore, #tpu.memory_space<semaphore_mem>>) src(%dma_wait3A_78 : memref<128x128xf32, #tpu.memory_space<hbm>>) dst(%arg11 : memref<128x128xf32, #tpu.memory_space<vmem>>)
        %run_scoped3A = arith.constant 0 : i32
        "tpu.region"() ({
          %run_scoped3A_200 = tpu.sem_alloc : memref<!tpu.dma_semaphore, #tpu.memory_space<semaphore_mem>>
          %dma_start3A_201 = arith.constant 0 : i32
          %dma_start3A_202 = tpu.memref_slice %arg8[%run_scoped3A, %dma_start3A_201] : memref<4x128xi32, #tpu.memory_space<vmem>> -> memref<1x128xi32, #tpu.memory_space<vmem>>
          %dma_start3A_203 = tpu.memref_squeeze %dma_start3A_202 : memref<1x128xi32, #tpu.memory_space<vmem>> -> memref<128xi32, #tpu.memory_space<vmem>>
          %dma_start3A_204 = arith.constant 0 : i32
          %dma_start3A_205 = arith.constant 0 : i32
          %dma_start3A_206 = tpu.memref_slice %arg17[%dma_start3A_204, %dma_start3A_205] : memref<10240x128xf32, #tpu.memory_space<vmem_shared>> -> memref<10240x128xf32, #tpu.memory_space<vmem_shared>>
          tpu.enqueue_indirect_dma source(%arg11 : memref<128x128xf32, #tpu.memory_space<vmem>>) target(%dma_start3A_206 : memref<10240x128xf32, #tpu.memory_space<vmem_shared>>) offsets(%dma_start3A_203 : memref<128xi32, #tpu.memory_space<vmem>>) semaphore(%run_scoped3A_200 : memref<!tpu.dma_semaphore, #tpu.memory_space<semaphore_mem>>) {add = true}
          %dma_wait3A_207 = arith.constant 0 : i32
          %dma_wait3A_208 = tpu.memref_slice %arg8[%run_scoped3A, %dma_wait3A_207] : memref<4x128xi32, #tpu.memory_space<vmem>> -> memref<1x128xi32, #tpu.memory_space<vmem>>
          %dma_wait3A_209 = tpu.memref_squeeze %dma_wait3A_208 : memref<1x128xi32, #tpu.memory_space<vmem>> -> memref<128xi32, #tpu.memory_space<vmem>>
          %dma_wait3A_210 = arith.constant 0 : i32
          %dma_wait3A_211 = arith.constant 0 : i32
          %dma_wait3A_212 = tpu.memref_slice %arg17[%dma_wait3A_210, %dma_wait3A_211] : memref<10240x128xf32, #tpu.memory_space<vmem_shared>> -> memref<10240x128xf32, #tpu.memory_space<vmem_shared>>
          tpu.wait_indirect_dma semaphore(%run_scoped3A_200 : memref<!tpu.dma_semaphore, #tpu.memory_space<semaphore_mem>>) src(%arg11 : memref<128x128xf32, #tpu.memory_space<vmem>>) dst(%dma_wait3A_212 : memref<10240x128xf32, #tpu.memory_space<vmem_shared>>)
          tpu.yield
        }) : () -> ()
        %dma_start3A_79 = arith.constant 2 : i32
        %dma_start3A_80 = arith.constant 0 : i32
        %dma_start3A_81 = tpu.memref_slice %arg7[%dma_start3A_79, %dma_start3A_80] : memref<4x128xi32, #tpu.memory_space<vmem>> -> memref<1x128xi32, #tpu.memory_space<vmem>>
        %dma_start3A_82 = tpu.memref_squeeze %dma_start3A_81 : memref<1x128xi32, #tpu.memory_space<vmem>> -> memref<128xi32, #tpu.memory_space<vmem>>
        %dma_start3A_83 = arith.constant 0 : i32
        %dma_start3A_84 = arith.constant 0 : i32
        %dma_start3A_85 = tpu.memref_slice %arg2[%dma_start3A_83, %dma_start3A_84] : memref<10000x128xf32, #tpu.memory_space<hbm>> -> memref<10000x128xf32, #tpu.memory_space<hbm>>
        tpu.enqueue_indirect_dma source(%dma_start3A_85 : memref<10000x128xf32, #tpu.memory_space<hbm>>) target(%arg11 : memref<128x128xf32, #tpu.memory_space<vmem>>) offsets(%dma_start3A_82 : memref<128xi32, #tpu.memory_space<vmem>>) semaphore(%arg15 : memref<!tpu.dma_semaphore, #tpu.memory_space<semaphore_mem>>)
        %dma_wait3A_86 = arith.constant 0 : i32
        %dma_wait3A_87 = arith.constant 0 : i32
        %dma_wait3A_88 = tpu.memref_slice %arg2[%dma_wait3A_86, %dma_wait3A_87] : memref<10000x128xf32, #tpu.memory_space<hbm>> -> memref<128x128xf32, #tpu.memory_space<hbm>>
        %dma_wait3A_89 = arith.constant 0 : i32
        %dma_wait3A_90 = arith.constant 0 : i32
        %dma_wait3A_91 = tpu.memref_slice %arg2[%dma_wait3A_89, %dma_wait3A_90] : memref<10000x128xf32, #tpu.memory_space<hbm>> -> memref<128x128xf32, #tpu.memory_space<hbm>>
        tpu.wait_dma2 semaphore(%arg16 : memref<!tpu.dma_semaphore, #tpu.memory_space<semaphore_mem>>) src(%dma_wait3A_91 : memref<128x128xf32, #tpu.memory_space<hbm>>) dst(%arg12 : memref<128x128xf32, #tpu.memory_space<vmem>>)
        %run_scoped3A_92 = arith.constant 1 : i32
        "tpu.region"() ({
          %run_scoped3A_200 = tpu.sem_alloc : memref<!tpu.dma_semaphore, #tpu.memory_space<semaphore_mem>>
          %dma_start3A_201 = arith.constant 0 : i32
          %dma_start3A_202 = tpu.memref_slice %arg8[%run_scoped3A_92, %dma_start3A_201] : memref<4x128xi32, #tpu.memory_space<vmem>> -> memref<1x128xi32, #tpu.memory_space<vmem>>
          %dma_start3A_203 = tpu.memref_squeeze %dma_start3A_202 : memref<1x128xi32, #tpu.memory_space<vmem>> -> memref<128xi32, #tpu.memory_space<vmem>>
          %dma_start3A_204 = arith.constant 0 : i32
          %dma_start3A_205 = arith.constant 0 : i32
          %dma_start3A_206 = tpu.memref_slice %arg17[%dma_start3A_204, %dma_start3A_205] : memref<10240x128xf32, #tpu.memory_space<vmem_shared>> -> memref<10240x128xf32, #tpu.memory_space<vmem_shared>>
          tpu.enqueue_indirect_dma source(%arg12 : memref<128x128xf32, #tpu.memory_space<vmem>>) target(%dma_start3A_206 : memref<10240x128xf32, #tpu.memory_space<vmem_shared>>) offsets(%dma_start3A_203 : memref<128xi32, #tpu.memory_space<vmem>>) semaphore(%run_scoped3A_200 : memref<!tpu.dma_semaphore, #tpu.memory_space<semaphore_mem>>) {add = true}
          %dma_wait3A_207 = arith.constant 0 : i32
          %dma_wait3A_208 = tpu.memref_slice %arg8[%run_scoped3A_92, %dma_wait3A_207] : memref<4x128xi32, #tpu.memory_space<vmem>> -> memref<1x128xi32, #tpu.memory_space<vmem>>
          %dma_wait3A_209 = tpu.memref_squeeze %dma_wait3A_208 : memref<1x128xi32, #tpu.memory_space<vmem>> -> memref<128xi32, #tpu.memory_space<vmem>>
          %dma_wait3A_210 = arith.constant 0 : i32
          %dma_wait3A_211 = arith.constant 0 : i32
          %dma_wait3A_212 = tpu.memref_slice %arg17[%dma_wait3A_210, %dma_wait3A_211] : memref<10240x128xf32, #tpu.memory_space<vmem_shared>> -> memref<10240x128xf32, #tpu.memory_space<vmem_shared>>
          tpu.wait_indirect_dma semaphore(%run_scoped3A_200 : memref<!tpu.dma_semaphore, #tpu.memory_space<semaphore_mem>>) src(%arg12 : memref<128x128xf32, #tpu.memory_space<vmem>>) dst(%dma_wait3A_212 : memref<10240x128xf32, #tpu.memory_space<vmem_shared>>)
          tpu.yield
        }) : () -> ()
        %dma_start3A_93 = arith.constant 3 : i32
        %dma_start3A_94 = arith.constant 0 : i32
        %dma_start3A_95 = tpu.memref_slice %arg7[%dma_start3A_93, %dma_start3A_94] : memref<4x128xi32, #tpu.memory_space<vmem>> -> memref<1x128xi32, #tpu.memory_space<vmem>>
        %dma_start3A_96 = tpu.memref_squeeze %dma_start3A_95 : memref<1x128xi32, #tpu.memory_space<vmem>> -> memref<128xi32, #tpu.memory_space<vmem>>
        %dma_start3A_97 = arith.constant 0 : i32
        %dma_start3A_98 = arith.constant 0 : i32
        %dma_start3A_99 = tpu.memref_slice %arg2[%dma_start3A_97, %dma_start3A_98] : memref<10000x128xf32, #tpu.memory_space<hbm>> -> memref<10000x128xf32, #tpu.memory_space<hbm>>
        tpu.enqueue_indirect_dma source(%dma_start3A_99 : memref<10000x128xf32, #tpu.memory_space<hbm>>) target(%arg12 : memref<128x128xf32, #tpu.memory_space<vmem>>) offsets(%dma_start3A_96 : memref<128xi32, #tpu.memory_space<vmem>>) semaphore(%arg16 : memref<!tpu.dma_semaphore, #tpu.memory_space<semaphore_mem>>)
        %dma_wait3A_100 = arith.constant 0 : i32
        %dma_wait3A_101 = arith.constant 0 : i32
        %dma_wait3A_102 = tpu.memref_slice %arg2[%dma_wait3A_100, %dma_wait3A_101] : memref<10000x128xf32, #tpu.memory_space<hbm>> -> memref<128x128xf32, #tpu.memory_space<hbm>>
        %dma_wait3A_103 = arith.constant 0 : i32
        %dma_wait3A_104 = arith.constant 0 : i32
        %dma_wait3A_105 = tpu.memref_slice %arg2[%dma_wait3A_103, %dma_wait3A_104] : memref<10000x128xf32, #tpu.memory_space<hbm>> -> memref<128x128xf32, #tpu.memory_space<hbm>>
        tpu.wait_dma2 semaphore(%arg15 : memref<!tpu.dma_semaphore, #tpu.memory_space<semaphore_mem>>) src(%dma_wait3A_105 : memref<128x128xf32, #tpu.memory_space<hbm>>) dst(%arg11 : memref<128x128xf32, #tpu.memory_space<vmem>>)
        %run_scoped3A_106 = arith.constant 2 : i32
        "tpu.region"() ({
          %run_scoped3A_200 = tpu.sem_alloc : memref<!tpu.dma_semaphore, #tpu.memory_space<semaphore_mem>>
          %dma_start3A_201 = arith.constant 0 : i32
          %dma_start3A_202 = tpu.memref_slice %arg8[%run_scoped3A_106, %dma_start3A_201] : memref<4x128xi32, #tpu.memory_space<vmem>> -> memref<1x128xi32, #tpu.memory_space<vmem>>
          %dma_start3A_203 = tpu.memref_squeeze %dma_start3A_202 : memref<1x128xi32, #tpu.memory_space<vmem>> -> memref<128xi32, #tpu.memory_space<vmem>>
          %dma_start3A_204 = arith.constant 0 : i32
          %dma_start3A_205 = arith.constant 0 : i32
          %dma_start3A_206 = tpu.memref_slice %arg17[%dma_start3A_204, %dma_start3A_205] : memref<10240x128xf32, #tpu.memory_space<vmem_shared>> -> memref<10240x128xf32, #tpu.memory_space<vmem_shared>>
          tpu.enqueue_indirect_dma source(%arg11 : memref<128x128xf32, #tpu.memory_space<vmem>>) target(%dma_start3A_206 : memref<10240x128xf32, #tpu.memory_space<vmem_shared>>) offsets(%dma_start3A_203 : memref<128xi32, #tpu.memory_space<vmem>>) semaphore(%run_scoped3A_200 : memref<!tpu.dma_semaphore, #tpu.memory_space<semaphore_mem>>) {add = true}
          %dma_wait3A_207 = arith.constant 0 : i32
          %dma_wait3A_208 = tpu.memref_slice %arg8[%run_scoped3A_106, %dma_wait3A_207] : memref<4x128xi32, #tpu.memory_space<vmem>> -> memref<1x128xi32, #tpu.memory_space<vmem>>
          %dma_wait3A_209 = tpu.memref_squeeze %dma_wait3A_208 : memref<1x128xi32, #tpu.memory_space<vmem>> -> memref<128xi32, #tpu.memory_space<vmem>>
          %dma_wait3A_210 = arith.constant 0 : i32
          %dma_wait3A_211 = arith.constant 0 : i32
          %dma_wait3A_212 = tpu.memref_slice %arg17[%dma_wait3A_210, %dma_wait3A_211] : memref<10240x128xf32, #tpu.memory_space<vmem_shared>> -> memref<10240x128xf32, #tpu.memory_space<vmem_shared>>
          tpu.wait_indirect_dma semaphore(%run_scoped3A_200 : memref<!tpu.dma_semaphore, #tpu.memory_space<semaphore_mem>>) src(%arg11 : memref<128x128xf32, #tpu.memory_space<vmem>>) dst(%dma_wait3A_212 : memref<10240x128xf32, #tpu.memory_space<vmem_shared>>)
          tpu.yield
        }) : () -> ()
        %dma_wait3A_107 = arith.constant 0 : i32
        %dma_wait3A_108 = arith.constant 0 : i32
        %dma_wait3A_109 = tpu.memref_slice %arg3[%dma_wait3A_107, %dma_wait3A_108] : memref<2560x128xi32, #tpu.memory_space<hbm>> -> memref<4x128xi32, #tpu.memory_space<hbm>>
        %dma_wait3A_110 = arith.constant 0 : i32
        %dma_wait3A_111 = arith.constant 0 : i32
        %dma_wait3A_112 = tpu.memref_slice %arg3[%dma_wait3A_110, %dma_wait3A_111] : memref<2560x128xi32, #tpu.memory_space<hbm>> -> memref<4x128xi32, #tpu.memory_space<hbm>>
        tpu.wait_dma2 semaphore(%arg14 : memref<!tpu.dma_semaphore, #tpu.memory_space<semaphore_mem>>) src(%dma_wait3A_112 : memref<4x128xi32, #tpu.memory_space<hbm>>) dst(%arg9 : memref<4x128xi32, #tpu.memory_space<vmem>>)
        %dma_wait3A_113 = arith.constant 0 : i32
        %dma_wait3A_114 = arith.constant 0 : i32
        %dma_wait3A_115 = tpu.memref_slice %arg4[%dma_wait3A_113, %dma_wait3A_114] : memref<2560x128xi32, #tpu.memory_space<hbm>> -> memref<4x128xi32, #tpu.memory_space<hbm>>
        %dma_wait3A_116 = arith.constant 0 : i32
        %dma_wait3A_117 = arith.constant 0 : i32
        %dma_wait3A_118 = tpu.memref_slice %arg4[%dma_wait3A_116, %dma_wait3A_117] : memref<2560x128xi32, #tpu.memory_space<hbm>> -> memref<4x128xi32, #tpu.memory_space<hbm>>
        tpu.wait_dma2 semaphore(%arg14 : memref<!tpu.dma_semaphore, #tpu.memory_space<semaphore_mem>>) src(%dma_wait3A_118 : memref<4x128xi32, #tpu.memory_space<hbm>>) dst(%arg10 : memref<4x128xi32, #tpu.memory_space<vmem>>)
        %dma_start3A_119 = arith.constant 0 : i32
        %dma_start3A_120 = arith.constant 0 : i32
        %dma_start3A_121 = tpu.memref_slice %arg9[%dma_start3A_119, %dma_start3A_120] : memref<4x128xi32, #tpu.memory_space<vmem>> -> memref<1x128xi32, #tpu.memory_space<vmem>>
        %dma_start3A_122 = tpu.memref_squeeze %dma_start3A_121 : memref<1x128xi32, #tpu.memory_space<vmem>> -> memref<128xi32, #tpu.memory_space<vmem>>
        %dma_start3A_123 = arith.constant 0 : i32
        %dma_start3A_124 = arith.constant 0 : i32
        %dma_start3A_125 = tpu.memref_slice %arg2[%dma_start3A_123, %dma_start3A_124] : memref<10000x128xf32, #tpu.memory_space<hbm>> -> memref<10000x128xf32, #tpu.memory_space<hbm>>
        tpu.enqueue_indirect_dma source(%dma_start3A_125 : memref<10000x128xf32, #tpu.memory_space<hbm>>) target(%arg11 : memref<128x128xf32, #tpu.memory_space<vmem>>) offsets(%dma_start3A_122 : memref<128xi32, #tpu.memory_space<vmem>>) semaphore(%arg15 : memref<!tpu.dma_semaphore, #tpu.memory_space<semaphore_mem>>)
        %dma_wait3A_126 = arith.constant 0 : i32
        %dma_wait3A_127 = arith.constant 0 : i32
        %dma_wait3A_128 = tpu.memref_slice %arg2[%dma_wait3A_126, %dma_wait3A_127] : memref<10000x128xf32, #tpu.memory_space<hbm>> -> memref<128x128xf32, #tpu.memory_space<hbm>>
        %dma_wait3A_129 = arith.constant 0 : i32
        %dma_wait3A_130 = arith.constant 0 : i32
        %dma_wait3A_131 = tpu.memref_slice %arg2[%dma_wait3A_129, %dma_wait3A_130] : memref<10000x128xf32, #tpu.memory_space<hbm>> -> memref<128x128xf32, #tpu.memory_space<hbm>>
        tpu.wait_dma2 semaphore(%arg16 : memref<!tpu.dma_semaphore, #tpu.memory_space<semaphore_mem>>) src(%dma_wait3A_131 : memref<128x128xf32, #tpu.memory_space<hbm>>) dst(%arg12 : memref<128x128xf32, #tpu.memory_space<vmem>>)
        %run_scoped3A_132 = arith.constant 3 : i32
        "tpu.region"() ({
          %run_scoped3A_200 = tpu.sem_alloc : memref<!tpu.dma_semaphore, #tpu.memory_space<semaphore_mem>>
          %dma_start3A_201 = arith.constant 0 : i32
          %dma_start3A_202 = tpu.memref_slice %arg8[%run_scoped3A_132, %dma_start3A_201] : memref<4x128xi32, #tpu.memory_space<vmem>> -> memref<1x128xi32, #tpu.memory_space<vmem>>
          %dma_start3A_203 = tpu.memref_squeeze %dma_start3A_202 : memref<1x128xi32, #tpu.memory_space<vmem>> -> memref<128xi32, #tpu.memory_space<vmem>>
          %dma_start3A_204 = arith.constant 0 : i32
          %dma_start3A_205 = arith.constant 0 : i32
          %dma_start3A_206 = tpu.memref_slice %arg17[%dma_start3A_204, %dma_start3A_205] : memref<10240x128xf32, #tpu.memory_space<vmem_shared>> -> memref<10240x128xf32, #tpu.memory_space<vmem_shared>>
          tpu.enqueue_indirect_dma source(%arg12 : memref<128x128xf32, #tpu.memory_space<vmem>>) target(%dma_start3A_206 : memref<10240x128xf32, #tpu.memory_space<vmem_shared>>) offsets(%dma_start3A_203 : memref<128xi32, #tpu.memory_space<vmem>>) semaphore(%run_scoped3A_200 : memref<!tpu.dma_semaphore, #tpu.memory_space<semaphore_mem>>) {add = true}
          %dma_wait3A_207 = arith.constant 0 : i32
          %dma_wait3A_208 = tpu.memref_slice %arg8[%run_scoped3A_132, %dma_wait3A_207] : memref<4x128xi32, #tpu.memory_space<vmem>> -> memref<1x128xi32, #tpu.memory_space<vmem>>
          %dma_wait3A_209 = tpu.memref_squeeze %dma_wait3A_208 : memref<1x128xi32, #tpu.memory_space<vmem>> -> memref<128xi32, #tpu.memory_space<vmem>>
          %dma_wait3A_210 = arith.constant 0 : i32
          %dma_wait3A_211 = arith.constant 0 : i32
          %dma_wait3A_212 = tpu.memref_slice %arg17[%dma_wait3A_210, %dma_wait3A_211] : memref<10240x128xf32, #tpu.memory_space<vmem_shared>> -> memref<10240x128xf32, #tpu.memory_space<vmem_shared>>
          tpu.wait_indirect_dma semaphore(%run_scoped3A_200 : memref<!tpu.dma_semaphore, #tpu.memory_space<semaphore_mem>>) src(%arg12 : memref<128x128xf32, #tpu.memory_space<vmem>>) dst(%dma_wait3A_212 : memref<10240x128xf32, #tpu.memory_space<vmem_shared>>)
          tpu.yield
        }) : () -> ()
        %add3A_133 = arith.constant 8 : i32
        %add3A_134 = arith.addi %mul3A_63, %add3A_133 : i32
        %lt3A_135 = arith.cmpi slt, %add3A_134, %select_n3A_8 : i32
        %convert_element_type3A_136 = arith.extui %lt3A_135 : i1 to i32
        %cond3A_137 = arith.constant 0 : i32
        %cond3A_138 = arith.cmpi ne, %convert_element_type3A_136, %cond3A_137 : i32
        scf.if %cond3A_138 {
          %add3A_200 = arith.constant 8 : i32
          %add3A_201 = arith.addi %mul3A_63, %add3A_200 : i32
          %add3A_202 = arith.addi %select_n3A, %add3A_201 : i32
          %dma_start3A_203 = arith.constant 0 : i32
          %dma_start3A_204 = tpu.memref_slice %arg3[%add3A_202, %dma_start3A_203] : memref<2560x128xi32, #tpu.memory_space<hbm>> -> memref<4x128xi32, #tpu.memory_space<hbm>>
          %dma_start3A_205 = arith.constant 0 : i32
          %dma_start3A_206 = tpu.memref_slice %arg3[%add3A_202, %dma_start3A_205] : memref<2560x128xi32, #tpu.memory_space<hbm>> -> memref<4x128xi32, #tpu.memory_space<hbm>>
          tpu.enqueue_dma source(%dma_start3A_206 : memref<4x128xi32, #tpu.memory_space<hbm>>) target(%arg7 : memref<4x128xi32, #tpu.memory_space<vmem>>) target_semaphore(%arg13 : memref<!tpu.dma_semaphore, #tpu.memory_space<semaphore_mem>>)
          %add3A_207 = arith.addi %select_n3A, %add3A_201 : i32
          %dma_start3A_208 = arith.constant 0 : i32
          %dma_start3A_209 = tpu.memref_slice %arg4[%add3A_207, %dma_start3A_208] : memref<2560x128xi32, #tpu.memory_space<hbm>> -> memref<4x128xi32, #tpu.memory_space<hbm>>
          %dma_start3A_210 = arith.constant 0 : i32
          %dma_start3A_211 = tpu.memref_slice %arg4[%add3A_207, %dma_start3A_210] : memref<2560x128xi32, #tpu.memory_space<hbm>> -> memref<4x128xi32, #tpu.memory_space<hbm>>
          tpu.enqueue_dma source(%dma_start3A_211 : memref<4x128xi32, #tpu.memory_space<hbm>>) target(%arg8 : memref<4x128xi32, #tpu.memory_space<vmem>>) target_semaphore(%arg13 : memref<!tpu.dma_semaphore, #tpu.memory_space<semaphore_mem>>)
        } else {
        }
        %dma_start3A_139 = arith.constant 1 : i32
        %dma_start3A_140 = arith.constant 0 : i32
        %dma_start3A_141 = tpu.memref_slice %arg9[%dma_start3A_139, %dma_start3A_140] : memref<4x128xi32, #tpu.memory_space<vmem>> -> memref<1x128xi32, #tpu.memory_space<vmem>>
        %dma_start3A_142 = tpu.memref_squeeze %dma_start3A_141 : memref<1x128xi32, #tpu.memory_space<vmem>> -> memref<128xi32, #tpu.memory_space<vmem>>
        %dma_start3A_143 = arith.constant 0 : i32
        %dma_start3A_144 = arith.constant 0 : i32
        %dma_start3A_145 = tpu.memref_slice %arg2[%dma_start3A_143, %dma_start3A_144] : memref<10000x128xf32, #tpu.memory_space<hbm>> -> memref<10000x128xf32, #tpu.memory_space<hbm>>
        tpu.enqueue_indirect_dma source(%dma_start3A_145 : memref<10000x128xf32, #tpu.memory_space<hbm>>) target(%arg12 : memref<128x128xf32, #tpu.memory_space<vmem>>) offsets(%dma_start3A_142 : memref<128xi32, #tpu.memory_space<vmem>>) semaphore(%arg16 : memref<!tpu.dma_semaphore, #tpu.memory_space<semaphore_mem>>)
        %dma_wait3A_146 = arith.constant 0 : i32
        %dma_wait3A_147 = arith.constant 0 : i32
        %dma_wait3A_148 = tpu.memref_slice %arg2[%dma_wait3A_146, %dma_wait3A_147] : memref<10000x128xf32, #tpu.memory_space<hbm>> -> memref<128x128xf32, #tpu.memory_space<hbm>>
        %dma_wait3A_149 = arith.constant 0 : i32
        %dma_wait3A_150 = arith.constant 0 : i32
        %dma_wait3A_151 = tpu.memref_slice %arg2[%dma_wait3A_149, %dma_wait3A_150] : memref<10000x128xf32, #tpu.memory_space<hbm>> -> memref<128x128xf32, #tpu.memory_space<hbm>>
        tpu.wait_dma2 semaphore(%arg15 : memref<!tpu.dma_semaphore, #tpu.memory_space<semaphore_mem>>) src(%dma_wait3A_151 : memref<128x128xf32, #tpu.memory_space<hbm>>) dst(%arg11 : memref<128x128xf32, #tpu.memory_space<vmem>>)
        %run_scoped3A_152 = arith.constant 0 : i32
        "tpu.region"() ({
          %run_scoped3A_200 = tpu.sem_alloc : memref<!tpu.dma_semaphore, #tpu.memory_space<semaphore_mem>>
          %dma_start3A_201 = arith.constant 0 : i32
          %dma_start3A_202 = tpu.memref_slice %arg10[%run_scoped3A_152, %dma_start3A_201] : memref<4x128xi32, #tpu.memory_space<vmem>> -> memref<1x128xi32, #tpu.memory_space<vmem>>
          %dma_start3A_203 = tpu.memref_squeeze %dma_start3A_202 : memref<1x128xi32, #tpu.memory_space<vmem>> -> memref<128xi32, #tpu.memory_space<vmem>>
          %dma_start3A_204 = arith.constant 0 : i32
          %dma_start3A_205 = arith.constant 0 : i32
          %dma_start3A_206 = tpu.memref_slice %arg17[%dma_start3A_204, %dma_start3A_205] : memref<10240x128xf32, #tpu.memory_space<vmem_shared>> -> memref<10240x128xf32, #tpu.memory_space<vmem_shared>>
          tpu.enqueue_indirect_dma source(%arg11 : memref<128x128xf32, #tpu.memory_space<vmem>>) target(%dma_start3A_206 : memref<10240x128xf32, #tpu.memory_space<vmem_shared>>) offsets(%dma_start3A_203 : memref<128xi32, #tpu.memory_space<vmem>>) semaphore(%run_scoped3A_200 : memref<!tpu.dma_semaphore, #tpu.memory_space<semaphore_mem>>) {add = true}
          %dma_wait3A_207 = arith.constant 0 : i32
          %dma_wait3A_208 = tpu.memref_slice %arg10[%run_scoped3A_152, %dma_wait3A_207] : memref<4x128xi32, #tpu.memory_space<vmem>> -> memref<1x128xi32, #tpu.memory_space<vmem>>
          %dma_wait3A_209 = tpu.memref_squeeze %dma_wait3A_208 : memref<1x128xi32, #tpu.memory_space<vmem>> -> memref<128xi32, #tpu.memory_space<vmem>>
          %dma_wait3A_210 = arith.constant 0 : i32
          %dma_wait3A_211 = arith.constant 0 : i32
          %dma_wait3A_212 = tpu.memref_slice %arg17[%dma_wait3A_210, %dma_wait3A_211] : memref<10240x128xf32, #tpu.memory_space<vmem_shared>> -> memref<10240x128xf32, #tpu.memory_space<vmem_shared>>
          tpu.wait_indirect_dma semaphore(%run_scoped3A_200 : memref<!tpu.dma_semaphore, #tpu.memory_space<semaphore_mem>>) src(%arg11 : memref<128x128xf32, #tpu.memory_space<vmem>>) dst(%dma_wait3A_212 : memref<10240x128xf32, #tpu.memory_space<vmem_shared>>)
          tpu.yield
        }) : () -> ()
        %dma_start3A_153 = arith.constant 2 : i32
        %dma_start3A_154 = arith.constant 0 : i32
        %dma_start3A_155 = tpu.memref_slice %arg9[%dma_start3A_153, %dma_start3A_154] : memref<4x128xi32, #tpu.memory_space<vmem>> -> memref<1x128xi32, #tpu.memory_space<vmem>>
        %dma_start3A_156 = tpu.memref_squeeze %dma_start3A_155 : memref<1x128xi32, #tpu.memory_space<vmem>> -> memref<128xi32, #tpu.memory_space<vmem>>
        %dma_start3A_157 = arith.constant 0 : i32
        %dma_start3A_158 = arith.constant 0 : i32
        %dma_start3A_159 = tpu.memref_slice %arg2[%dma_start3A_157, %dma_start3A_158] : memref<10000x128xf32, #tpu.memory_space<hbm>> -> memref<10000x128xf32, #tpu.memory_space<hbm>>
        tpu.enqueue_indirect_dma source(%dma_start3A_159 : memref<10000x128xf32, #tpu.memory_space<hbm>>) target(%arg11 : memref<128x128xf32, #tpu.memory_space<vmem>>) offsets(%dma_start3A_156 : memref<128xi32, #tpu.memory_space<vmem>>) semaphore(%arg15 : memref<!tpu.dma_semaphore, #tpu.memory_space<semaphore_mem>>)
        %dma_wait3A_160 = arith.constant 0 : i32
        %dma_wait3A_161 = arith.constant 0 : i32
        %dma_wait3A_162 = tpu.memref_slice %arg2[%dma_wait3A_160, %dma_wait3A_161] : memref<10000x128xf32, #tpu.memory_space<hbm>> -> memref<128x128xf32, #tpu.memory_space<hbm>>
        %dma_wait3A_163 = arith.constant 0 : i32
        %dma_wait3A_164 = arith.constant 0 : i32
        %dma_wait3A_165 = tpu.memref_slice %arg2[%dma_wait3A_163, %dma_wait3A_164] : memref<10000x128xf32, #tpu.memory_space<hbm>> -> memref<128x128xf32, #tpu.memory_space<hbm>>
        tpu.wait_dma2 semaphore(%arg16 : memref<!tpu.dma_semaphore, #tpu.memory_space<semaphore_mem>>) src(%dma_wait3A_165 : memref<128x128xf32, #tpu.memory_space<hbm>>) dst(%arg12 : memref<128x128xf32, #tpu.memory_space<vmem>>)
        %run_scoped3A_166 = arith.constant 1 : i32
        "tpu.region"() ({
          %run_scoped3A_200 = tpu.sem_alloc : memref<!tpu.dma_semaphore, #tpu.memory_space<semaphore_mem>>
          %dma_start3A_201 = arith.constant 0 : i32
          %dma_start3A_202 = tpu.memref_slice %arg10[%run_scoped3A_166, %dma_start3A_201] : memref<4x128xi32, #tpu.memory_space<vmem>> -> memref<1x128xi32, #tpu.memory_space<vmem>>
          %dma_start3A_203 = tpu.memref_squeeze %dma_start3A_202 : memref<1x128xi32, #tpu.memory_space<vmem>> -> memref<128xi32, #tpu.memory_space<vmem>>
          %dma_start3A_204 = arith.constant 0 : i32
          %dma_start3A_205 = arith.constant 0 : i32
          %dma_start3A_206 = tpu.memref_slice %arg17[%dma_start3A_204, %dma_start3A_205] : memref<10240x128xf32, #tpu.memory_space<vmem_shared>> -> memref<10240x128xf32, #tpu.memory_space<vmem_shared>>
          tpu.enqueue_indirect_dma source(%arg12 : memref<128x128xf32, #tpu.memory_space<vmem>>) target(%dma_start3A_206 : memref<10240x128xf32, #tpu.memory_space<vmem_shared>>) offsets(%dma_start3A_203 : memref<128xi32, #tpu.memory_space<vmem>>) semaphore(%run_scoped3A_200 : memref<!tpu.dma_semaphore, #tpu.memory_space<semaphore_mem>>) {add = true}
          %dma_wait3A_207 = arith.constant 0 : i32
          %dma_wait3A_208 = tpu.memref_slice %arg10[%run_scoped3A_166, %dma_wait3A_207] : memref<4x128xi32, #tpu.memory_space<vmem>> -> memref<1x128xi32, #tpu.memory_space<vmem>>
          %dma_wait3A_209 = tpu.memref_squeeze %dma_wait3A_208 : memref<1x128xi32, #tpu.memory_space<vmem>> -> memref<128xi32, #tpu.memory_space<vmem>>
          %dma_wait3A_210 = arith.constant 0 : i32
          %dma_wait3A_211 = arith.constant 0 : i32
          %dma_wait3A_212 = tpu.memref_slice %arg17[%dma_wait3A_210, %dma_wait3A_211] : memref<10240x128xf32, #tpu.memory_space<vmem_shared>> -> memref<10240x128xf32, #tpu.memory_space<vmem_shared>>
          tpu.wait_indirect_dma semaphore(%run_scoped3A_200 : memref<!tpu.dma_semaphore, #tpu.memory_space<semaphore_mem>>) src(%arg12 : memref<128x128xf32, #tpu.memory_space<vmem>>) dst(%dma_wait3A_212 : memref<10240x128xf32, #tpu.memory_space<vmem_shared>>)
          tpu.yield
        }) : () -> ()
        %dma_start3A_167 = arith.constant 3 : i32
        %dma_start3A_168 = arith.constant 0 : i32
        %dma_start3A_169 = tpu.memref_slice %arg9[%dma_start3A_167, %dma_start3A_168] : memref<4x128xi32, #tpu.memory_space<vmem>> -> memref<1x128xi32, #tpu.memory_space<vmem>>
        %dma_start3A_170 = tpu.memref_squeeze %dma_start3A_169 : memref<1x128xi32, #tpu.memory_space<vmem>> -> memref<128xi32, #tpu.memory_space<vmem>>
        %dma_start3A_171 = arith.constant 0 : i32
        %dma_start3A_172 = arith.constant 0 : i32
        %dma_start3A_173 = tpu.memref_slice %arg2[%dma_start3A_171, %dma_start3A_172] : memref<10000x128xf32, #tpu.memory_space<hbm>> -> memref<10000x128xf32, #tpu.memory_space<hbm>>
        tpu.enqueue_indirect_dma source(%dma_start3A_173 : memref<10000x128xf32, #tpu.memory_space<hbm>>) target(%arg12 : memref<128x128xf32, #tpu.memory_space<vmem>>) offsets(%dma_start3A_170 : memref<128xi32, #tpu.memory_space<vmem>>) semaphore(%arg16 : memref<!tpu.dma_semaphore, #tpu.memory_space<semaphore_mem>>)
        %dma_wait3A_174 = arith.constant 0 : i32
        %dma_wait3A_175 = arith.constant 0 : i32
        %dma_wait3A_176 = tpu.memref_slice %arg2[%dma_wait3A_174, %dma_wait3A_175] : memref<10000x128xf32, #tpu.memory_space<hbm>> -> memref<128x128xf32, #tpu.memory_space<hbm>>
        %dma_wait3A_177 = arith.constant 0 : i32
        %dma_wait3A_178 = arith.constant 0 : i32
        %dma_wait3A_179 = tpu.memref_slice %arg2[%dma_wait3A_177, %dma_wait3A_178] : memref<10000x128xf32, #tpu.memory_space<hbm>> -> memref<128x128xf32, #tpu.memory_space<hbm>>
        tpu.wait_dma2 semaphore(%arg15 : memref<!tpu.dma_semaphore, #tpu.memory_space<semaphore_mem>>) src(%dma_wait3A_179 : memref<128x128xf32, #tpu.memory_space<hbm>>) dst(%arg11 : memref<128x128xf32, #tpu.memory_space<vmem>>)
        %run_scoped3A_180 = arith.constant 2 : i32
        "tpu.region"() ({
          %run_scoped3A_200 = tpu.sem_alloc : memref<!tpu.dma_semaphore, #tpu.memory_space<semaphore_mem>>
          %dma_start3A_201 = arith.constant 0 : i32
          %dma_start3A_202 = tpu.memref_slice %arg10[%run_scoped3A_180, %dma_start3A_201] : memref<4x128xi32, #tpu.memory_space<vmem>> -> memref<1x128xi32, #tpu.memory_space<vmem>>
          %dma_start3A_203 = tpu.memref_squeeze %dma_start3A_202 : memref<1x128xi32, #tpu.memory_space<vmem>> -> memref<128xi32, #tpu.memory_space<vmem>>
          %dma_start3A_204 = arith.constant 0 : i32
          %dma_start3A_205 = arith.constant 0 : i32
          %dma_start3A_206 = tpu.memref_slice %arg17[%dma_start3A_204, %dma_start3A_205] : memref<10240x128xf32, #tpu.memory_space<vmem_shared>> -> memref<10240x128xf32, #tpu.memory_space<vmem_shared>>
          tpu.enqueue_indirect_dma source(%arg11 : memref<128x128xf32, #tpu.memory_space<vmem>>) target(%dma_start3A_206 : memref<10240x128xf32, #tpu.memory_space<vmem_shared>>) offsets(%dma_start3A_203 : memref<128xi32, #tpu.memory_space<vmem>>) semaphore(%run_scoped3A_200 : memref<!tpu.dma_semaphore, #tpu.memory_space<semaphore_mem>>) {add = true}
          %dma_wait3A_207 = arith.constant 0 : i32
          %dma_wait3A_208 = tpu.memref_slice %arg10[%run_scoped3A_180, %dma_wait3A_207] : memref<4x128xi32, #tpu.memory_space<vmem>> -> memref<1x128xi32, #tpu.memory_space<vmem>>
          %dma_wait3A_209 = tpu.memref_squeeze %dma_wait3A_208 : memref<1x128xi32, #tpu.memory_space<vmem>> -> memref<128xi32, #tpu.memory_space<vmem>>
          %dma_wait3A_210 = arith.constant 0 : i32
          %dma_wait3A_211 = arith.constant 0 : i32
          %dma_wait3A_212 = tpu.memref_slice %arg17[%dma_wait3A_210, %dma_wait3A_211] : memref<10240x128xf32, #tpu.memory_space<vmem_shared>> -> memref<10240x128xf32, #tpu.memory_space<vmem_shared>>
          tpu.wait_indirect_dma semaphore(%run_scoped3A_200 : memref<!tpu.dma_semaphore, #tpu.memory_space<semaphore_mem>>) src(%arg11 : memref<128x128xf32, #tpu.memory_space<vmem>>) dst(%dma_wait3A_212 : memref<10240x128xf32, #tpu.memory_space<vmem_shared>>)
          tpu.yield
        }) : () -> ()
        %add3A_181 = arith.constant 8 : i32
        %add3A_182 = arith.addi %mul3A_63, %add3A_181 : i32
        %lt3A_183 = arith.cmpi slt, %add3A_182, %select_n3A_8 : i32
        %convert_element_type3A_184 = arith.extui %lt3A_183 : i1 to i32
        %cond3A_185 = arith.constant 0 : i32
        %cond3A_186 = arith.cmpi ne, %convert_element_type3A_184, %cond3A_185 : i32
        scf.if %cond3A_186 {
          %dma_wait3A_200 = arith.constant 0 : i32
          %dma_wait3A_201 = arith.constant 0 : i32
          %dma_wait3A_202 = tpu.memref_slice %arg3[%dma_wait3A_200, %dma_wait3A_201] : memref<2560x128xi32, #tpu.memory_space<hbm>> -> memref<4x128xi32, #tpu.memory_space<hbm>>
          %dma_wait3A_203 = arith.constant 0 : i32
          %dma_wait3A_204 = arith.constant 0 : i32
          %dma_wait3A_205 = tpu.memref_slice %arg3[%dma_wait3A_203, %dma_wait3A_204] : memref<2560x128xi32, #tpu.memory_space<hbm>> -> memref<4x128xi32, #tpu.memory_space<hbm>>
          tpu.wait_dma2 semaphore(%arg13 : memref<!tpu.dma_semaphore, #tpu.memory_space<semaphore_mem>>) src(%dma_wait3A_205 : memref<4x128xi32, #tpu.memory_space<hbm>>) dst(%arg7 : memref<4x128xi32, #tpu.memory_space<vmem>>)
          %dma_wait3A_206 = arith.constant 0 : i32
          %dma_wait3A_207 = arith.constant 0 : i32
          %dma_wait3A_208 = tpu.memref_slice %arg4[%dma_wait3A_206, %dma_wait3A_207] : memref<2560x128xi32, #tpu.memory_space<hbm>> -> memref<4x128xi32, #tpu.memory_space<hbm>>
          %dma_wait3A_209 = arith.constant 0 : i32
          %dma_wait3A_210 = arith.constant 0 : i32
          %dma_wait3A_211 = tpu.memref_slice %arg4[%dma_wait3A_209, %dma_wait3A_210] : memref<2560x128xi32, #tpu.memory_space<hbm>> -> memref<4x128xi32, #tpu.memory_space<hbm>>
          tpu.wait_dma2 semaphore(%arg13 : memref<!tpu.dma_semaphore, #tpu.memory_space<semaphore_mem>>) src(%dma_wait3A_211 : memref<4x128xi32, #tpu.memory_space<hbm>>) dst(%arg8 : memref<4x128xi32, #tpu.memory_space<vmem>>)
          %dma_start3A_212 = arith.constant 0 : i32
          %dma_start3A_213 = arith.constant 0 : i32
          %dma_start3A_214 = tpu.memref_slice %arg7[%dma_start3A_212, %dma_start3A_213] : memref<4x128xi32, #tpu.memory_space<vmem>> -> memref<1x128xi32, #tpu.memory_space<vmem>>
          %dma_start3A_215 = tpu.memref_squeeze %dma_start3A_214 : memref<1x128xi32, #tpu.memory_space<vmem>> -> memref<128xi32, #tpu.memory_space<vmem>>
          %dma_start3A_216 = arith.constant 0 : i32
          %dma_start3A_217 = arith.constant 0 : i32
          %dma_start3A_218 = tpu.memref_slice %arg2[%dma_start3A_216, %dma_start3A_217] : memref<10000x128xf32, #tpu.memory_space<hbm>> -> memref<10000x128xf32, #tpu.memory_space<hbm>>
          tpu.enqueue_indirect_dma source(%dma_start3A_218 : memref<10000x128xf32, #tpu.memory_space<hbm>>) target(%arg11 : memref<128x128xf32, #tpu.memory_space<vmem>>) offsets(%dma_start3A_215 : memref<128xi32, #tpu.memory_space<vmem>>) semaphore(%arg15 : memref<!tpu.dma_semaphore, #tpu.memory_space<semaphore_mem>>)
        } else {
        }
        %dma_wait3A_187 = arith.constant 0 : i32
        %dma_wait3A_188 = arith.constant 0 : i32
        %dma_wait3A_189 = tpu.memref_slice %arg2[%dma_wait3A_187, %dma_wait3A_188] : memref<10000x128xf32, #tpu.memory_space<hbm>> -> memref<128x128xf32, #tpu.memory_space<hbm>>
        %dma_wait3A_190 = arith.constant 0 : i32
        %dma_wait3A_191 = arith.constant 0 : i32
        %dma_wait3A_192 = tpu.memref_slice %arg2[%dma_wait3A_190, %dma_wait3A_191] : memref<10000x128xf32, #tpu.memory_space<hbm>> -> memref<128x128xf32, #tpu.memory_space<hbm>>
        tpu.wait_dma2 semaphore(%arg16 : memref<!tpu.dma_semaphore, #tpu.memory_space<semaphore_mem>>) src(%dma_wait3A_192 : memref<128x128xf32, #tpu.memory_space<hbm>>) dst(%arg12 : memref<128x128xf32, #tpu.memory_space<vmem>>)
        %run_scoped3A_193 = arith.constant 3 : i32
        "tpu.region"() ({
          %run_scoped3A_200 = tpu.sem_alloc : memref<!tpu.dma_semaphore, #tpu.memory_space<semaphore_mem>>
          %dma_start3A_201 = arith.constant 0 : i32
          %dma_start3A_202 = tpu.memref_slice %arg10[%run_scoped3A_193, %dma_start3A_201] : memref<4x128xi32, #tpu.memory_space<vmem>> -> memref<1x128xi32, #tpu.memory_space<vmem>>
          %dma_start3A_203 = tpu.memref_squeeze %dma_start3A_202 : memref<1x128xi32, #tpu.memory_space<vmem>> -> memref<128xi32, #tpu.memory_space<vmem>>
          %dma_start3A_204 = arith.constant 0 : i32
          %dma_start3A_205 = arith.constant 0 : i32
          %dma_start3A_206 = tpu.memref_slice %arg17[%dma_start3A_204, %dma_start3A_205] : memref<10240x128xf32, #tpu.memory_space<vmem_shared>> -> memref<10240x128xf32, #tpu.memory_space<vmem_shared>>
          tpu.enqueue_indirect_dma source(%arg12 : memref<128x128xf32, #tpu.memory_space<vmem>>) target(%dma_start3A_206 : memref<10240x128xf32, #tpu.memory_space<vmem_shared>>) offsets(%dma_start3A_203 : memref<128xi32, #tpu.memory_space<vmem>>) semaphore(%run_scoped3A_200 : memref<!tpu.dma_semaphore, #tpu.memory_space<semaphore_mem>>) {add = true}
          %dma_wait3A_207 = arith.constant 0 : i32
          %dma_wait3A_208 = tpu.memref_slice %arg10[%run_scoped3A_193, %dma_wait3A_207] : memref<4x128xi32, #tpu.memory_space<vmem>> -> memref<1x128xi32, #tpu.memory_space<vmem>>
          %dma_wait3A_209 = tpu.memref_squeeze %dma_wait3A_208 : memref<1x128xi32, #tpu.memory_space<vmem>> -> memref<128xi32, #tpu.memory_space<vmem>>
          %dma_wait3A_210 = arith.constant 0 : i32
          %dma_wait3A_211 = arith.constant 0 : i32
          %dma_wait3A_212 = tpu.memref_slice %arg17[%dma_wait3A_210, %dma_wait3A_211] : memref<10240x128xf32, #tpu.memory_space<vmem_shared>> -> memref<10240x128xf32, #tpu.memory_space<vmem_shared>>
          tpu.wait_indirect_dma semaphore(%run_scoped3A_200 : memref<!tpu.dma_semaphore, #tpu.memory_space<semaphore_mem>>) src(%arg12 : memref<128x128xf32, #tpu.memory_space<vmem>>) dst(%dma_wait3A_212 : memref<10240x128xf32, #tpu.memory_space<vmem_shared>>)
          tpu.yield
        }) : () -> ()
        %add3A_194 = arith.constant 12 : i32
        %add3A_195 = arith.addi %mul3A_63, %add3A_194 : i32
        %lt3A_196 = arith.cmpi slt, %add3A_195, %select_n3A_8 : i32
        %convert_element_type3A_197 = arith.extui %lt3A_196 : i1 to i32
        %cond3A_198 = arith.constant 0 : i32
        %cond3A_199 = arith.cmpi ne, %convert_element_type3A_197, %cond3A_198 : i32
        scf.if %cond3A_199 {
          %add3A_200 = arith.constant 12 : i32
          %add3A_201 = arith.addi %mul3A_63, %add3A_200 : i32
          %add3A_202 = arith.addi %select_n3A, %add3A_201 : i32
          %dma_start3A_203 = arith.constant 0 : i32
          %dma_start3A_204 = tpu.memref_slice %arg3[%add3A_202, %dma_start3A_203] : memref<2560x128xi32, #tpu.memory_space<hbm>> -> memref<4x128xi32, #tpu.memory_space<hbm>>
          %dma_start3A_205 = arith.constant 0 : i32
          %dma_start3A_206 = tpu.memref_slice %arg3[%add3A_202, %dma_start3A_205] : memref<2560x128xi32, #tpu.memory_space<hbm>> -> memref<4x128xi32, #tpu.memory_space<hbm>>
          tpu.enqueue_dma source(%dma_start3A_206 : memref<4x128xi32, #tpu.memory_space<hbm>>) target(%arg9 : memref<4x128xi32, #tpu.memory_space<vmem>>) target_semaphore(%arg14 : memref<!tpu.dma_semaphore, #tpu.memory_space<semaphore_mem>>)
          %add3A_207 = arith.addi %select_n3A, %add3A_201 : i32
          %dma_start3A_208 = arith.constant 0 : i32
          %dma_start3A_209 = tpu.memref_slice %arg4[%add3A_207, %dma_start3A_208] : memref<2560x128xi32, #tpu.memory_space<hbm>> -> memref<4x128xi32, #tpu.memory_space<hbm>>
          %dma_start3A_210 = arith.constant 0 : i32
          %dma_start3A_211 = tpu.memref_slice %arg4[%add3A_207, %dma_start3A_210] : memref<2560x128xi32, #tpu.memory_space<hbm>> -> memref<4x128xi32, #tpu.memory_space<hbm>>
          tpu.enqueue_dma source(%dma_start3A_211 : memref<4x128xi32, #tpu.memory_space<hbm>>) target(%arg10 : memref<4x128xi32, #tpu.memory_space<vmem>>) target_semaphore(%arg14 : memref<!tpu.dma_semaphore, #tpu.memory_space<semaphore_mem>>)
        } else {
        }
      } else {
      }
    }
    %scan3A_55 = arith.constant 19 : i32
    %barrier3A_56 = arith.constant 0 : index
    tpu.barrier barrier_id(%barrier3A_56)
    %lt3A = arith.constant 10 : i32
    %lt3A_57 = arith.cmpi slt, %arg1, %lt3A : i32
    %convert_element_type3A_58 = arith.extui %lt3A_57 : i1 to i32
    %cond3A_59 = arith.constant 0 : i32
    %cond3A_60 = arith.cmpi ne, %convert_element_type3A_58, %cond3A_59 : i32
    scf.if %cond3A_60 {
      %mul3A_61 = arith.constant 1000 : i32
      %mul3A_62 = arith.muli %arg1, %mul3A_61 : i32
      %mul3A_63 = arith.constant 1000 : i32
      %mul3A_64 = arith.muli %arg1, %mul3A_63 : i32
      "tpu.region"() ({
        %run_scoped3A = tpu.sem_alloc : memref<!tpu.dma_semaphore, #tpu.memory_space<semaphore_mem>>
        %dma_start3A = arith.constant 0 : i32
        %dma_start3A_65 = tpu.memref_slice %arg6[%arg0, %mul3A_64, %dma_start3A] : memref<2x10000x128xf32, #tpu.memory_space<hbm>> -> memref<1x1000x128xf32, #tpu.memory_space<hbm>>
        %dma_start3A_66 = tpu.memref_squeeze %dma_start3A_65 : memref<1x1000x128xf32, #tpu.memory_space<hbm>> -> memref<1000x128xf32, #tpu.memory_space<hbm>>
        %dma_start3A_67 = arith.constant 0 : i32
        %dma_start3A_68 = tpu.memref_slice %arg17[%mul3A_62, %dma_start3A_67] : memref<10240x128xf32, #tpu.memory_space<vmem_shared>> -> memref<1000x128xf32, #tpu.memory_space<vmem_shared>>
        tpu.enqueue_dma source(%dma_start3A_68 : memref<1000x128xf32, #tpu.memory_space<vmem_shared>>) target(%dma_start3A_66 : memref<1000x128xf32, #tpu.memory_space<hbm>>) target_semaphore(%run_scoped3A : memref<!tpu.dma_semaphore, #tpu.memory_space<semaphore_mem>>)
        %dma_wait3A = arith.constant 0 : i32
        %dma_wait3A_69 = tpu.memref_slice %arg6[%arg0, %mul3A_64, %dma_wait3A] : memref<2x10000x128xf32, #tpu.memory_space<hbm>> -> memref<1x1000x128xf32, #tpu.memory_space<hbm>>
        %dma_wait3A_70 = tpu.memref_squeeze %dma_wait3A_69 : memref<1x1000x128xf32, #tpu.memory_space<hbm>> -> memref<1000x128xf32, #tpu.memory_space<hbm>>
        %dma_wait3A_71 = arith.constant 0 : i32
        %dma_wait3A_72 = tpu.memref_slice %arg17[%mul3A_62, %dma_wait3A_71] : memref<10240x128xf32, #tpu.memory_space<vmem_shared>> -> memref<1000x128xf32, #tpu.memory_space<vmem_shared>>
        tpu.wait_dma2 semaphore(%run_scoped3A : memref<!tpu.dma_semaphore, #tpu.memory_space<semaphore_mem>>) src(%dma_wait3A_72 : memref<1000x128xf32, #tpu.memory_space<vmem_shared>>) dst(%dma_wait3A_70 : memref<1000x128xf32, #tpu.memory_space<hbm>>)
        tpu.yield
      }) : () -> ()
    } else {
    }
    return
  }
}

module attributes {stable_mosaic.version = 14 : i64} {
  func.func @_mm_body(%arg0: i32, %arg1: memref<1000x128xf32, #tpu.memory_space<vmem>>, %arg2: memref<128x128xf32, #tpu.memory_space<vmem>>, %arg3: memref<1000x128xf32, #tpu.memory_space<vmem>>) attributes {dimension_semantics = [#tpu.dimension_semantics<arbitrary>], iteration_bounds = array<i64: 10>, scalar_prefetch = 0 : i64, scratch_operands = 0 : i64, tpu.core_type = #tpu.core_type<tc>, window_params = [{transform_indices = @transform_0, window_bounds = array<i64: 1000, 128>}, {pipeline_mode = #tpu.pipeline_mode<synchronous>, transform_indices = @transform_1, window_bounds = array<i64: 128, 128>}, {transform_indices = @transform_2, window_bounds = array<i64: 1000, 128>}]} {
    %get3A = arith.constant 0 : index
    %get3A_0 = arith.constant 0 : index
    %get3A_1 = vector.load %arg1[%get3A, %get3A_0] : memref<1000x128xf32, #tpu.memory_space<vmem>>, vector<1000x128xf32>
    %get3A_2 = arith.constant 0 : index
    %get3A_3 = arith.constant 0 : index
    %get3A_4 = vector.load %arg2[%get3A_2, %get3A_3] : memref<128x128xf32, #tpu.memory_space<vmem>>, vector<128x128xf32>
    %dot_general3A = arith.constant dense<0.000000e+00> : vector<1000x128xf32>
    %dot_general3A_5 = tpu.matmul %get3A_1, %get3A_4, %dot_general3A {dimension_numbers = #tpu.dot_dimension_numbers<[1], [0], [0], [1], [0, 0, 1, 1], [], []>, transpose_lhs_hint = false} : vector<1000x128xf32>, vector<128x128xf32>, vector<1000x128xf32> -> vector<1000x128xf32>
    %swap3A = arith.constant 0 : index
    %swap3A_6 = arith.constant 0 : index
    %swap3A_7 = vector.load %arg3[%swap3A, %swap3A_6] : memref<1000x128xf32, #tpu.memory_space<vmem>>, vector<1000x128xf32>
    tpu.vector_store %arg3[%swap3A, %swap3A_6], %dot_general3A_5 {strides = array<i32>} : memref<1000x128xf32, #tpu.memory_space<vmem>>, vector<1000x128xf32>,
    return
  }
  func.func @transform_0(%arg0: i32) -> (i32, i32) {
    %c0_i32 = arith.constant 0 : i32
    %c0_i32_0 = arith.constant 0 : i32
    return %arg0, %c0_i32 : i32, i32
  }
  func.func @transform_1(%arg0: i32) -> (i32, i32) {
    %c0_i32 = arith.constant 0 : i32
    %c0_i32_0 = arith.constant 0 : i32
    %c0_i32_1 = arith.constant 0 : i32
    return %c0_i32, %c0_i32_0 : i32, i32
  }
  func.func @transform_2(%arg0: i32) -> (i32, i32) {
    %c0_i32 = arith.constant 0 : i32
    %c0_i32_0 = arith.constant 0 : i32
    return %arg0, %c0_i32 : i32, i32
  }
}

module attributes {stable_mosaic.version = 14 : i64} {
  func.func @_fuse_body(%arg0: i32, %arg1: memref<2x1000x128xf32, #tpu.memory_space<vmem>>, %arg2: memref<1x128xf32, #tpu.memory_space<vmem>>, %arg3: memref<128x128xf32, #tpu.memory_space<vmem>>, %arg4: memref<1000x128xf32, #tpu.memory_space<vmem>>) attributes {dimension_semantics = [#tpu.dimension_semantics<arbitrary>], iteration_bounds = array<i64: 10>, scalar_prefetch = 0 : i64, scratch_operands = 0 : i64, tpu.core_type = #tpu.core_type<tc>, window_params = [{transform_indices = @transform_0, window_bounds = array<i64: 2, 1000, 128>}, {pipeline_mode = #tpu.pipeline_mode<synchronous>, transform_indices = @transform_1, window_bounds = array<i64: 1, 128>}, {pipeline_mode = #tpu.pipeline_mode<synchronous>, transform_indices = @transform_2, window_bounds = array<i64: 128, 128>}, {transform_indices = @transform_3, window_bounds = array<i64: 1000, 128>}]} {
    %get3A = arith.constant 0 : index
    %get3A_0 = arith.constant 0 : index
    %get3A_1 = arith.constant 0 : index
    %get3A_2 = vector.load %arg1[%get3A, %get3A_0, %get3A_1] : memref<2x1000x128xf32, #tpu.memory_space<vmem>>, vector<1x1000x128xf32>
    %get3A_3 = vector.shape_cast %get3A_2 : vector<1x1000x128xf32> to vector<1000x128xf32>
    %get3A_4 = arith.constant 1 : index
    %get3A_5 = arith.constant 0 : index
    %get3A_6 = arith.constant 0 : index
    %get3A_7 = vector.load %arg1[%get3A_4, %get3A_5, %get3A_6] : memref<2x1000x128xf32, #tpu.memory_space<vmem>>, vector<1x1000x128xf32>
    %get3A_8 = vector.shape_cast %get3A_7 : vector<1x1000x128xf32> to vector<1000x128xf32>
    %add3A = arith.addf %get3A_3, %get3A_8 : vector<1000x128xf32>
    %get3A_9 = arith.constant 0 : index
    %get3A_10 = arith.constant 0 : index
    %get3A_11 = vector.load %arg2[%get3A_9, %get3A_10] : memref<1x128xf32, #tpu.memory_space<vmem>>, vector<1x128xf32>
    %add3A_12 = vector.broadcast %get3A_11 : vector<1x128xf32> to vector<1000x128xf32>
    %add3A_13 = arith.addf %add3A, %add3A_12 : vector<1000x128xf32>
    %max3A = arith.constant 0.000000e+00 : f32
    %max3A_14 = vector.broadcast %max3A : f32 to vector<1000x128xf32>
    %max3A_15 = arith.maximumf %add3A_13, %max3A_14 : vector<1000x128xf32>
    %get3A_16 = arith.constant 0 : index
    %get3A_17 = arith.constant 0 : index
    %get3A_18 = vector.load %arg3[%get3A_16, %get3A_17] : memref<128x128xf32, #tpu.memory_space<vmem>>, vector<128x128xf32>
    %dot_general3A = arith.constant dense<0.000000e+00> : vector<1000x128xf32>
    %dot_general3A_19 = tpu.matmul %max3A_15, %get3A_18, %dot_general3A {dimension_numbers = #tpu.dot_dimension_numbers<[1], [0], [0], [1], [0, 0, 1, 1], [], []>, transpose_lhs_hint = false} : vector<1000x128xf32>, vector<128x128xf32>, vector<1000x128xf32> -> vector<1000x128xf32>
    %swap3A = arith.constant 0 : index
    %swap3A_20 = arith.constant 0 : index
    %swap3A_21 = vector.load %arg4[%swap3A, %swap3A_20] : memref<1000x128xf32, #tpu.memory_space<vmem>>, vector<1000x128xf32>
    tpu.vector_store %arg4[%swap3A, %swap3A_20], %dot_general3A_19 {strides = array<i32>} : memref<1000x128xf32, #tpu.memory_space<vmem>>, vector<1000x128xf32>,
    return
  }
  func.func @transform_0(%arg0: i32) -> (i32, i32, i32) {
    %c0_i32 = arith.constant 0 : i32
    %c0_i32_0 = arith.constant 0 : i32
    %c0_i32_1 = arith.constant 0 : i32
    return %c0_i32, %arg0, %c0_i32_0 : i32, i32, i32
  }
  func.func @transform_1(%arg0: i32) -> (i32, i32) {
    %c0_i32 = arith.constant 0 : i32
    %c0_i32_0 = arith.constant 0 : i32
    %c0_i32_1 = arith.constant 0 : i32
    return %c0_i32, %c0_i32_0 : i32, i32
  }
  func.func @transform_2(%arg0: i32) -> (i32, i32) {
    %c0_i32 = arith.constant 0 : i32
    %c0_i32_0 = arith.constant 0 : i32
    %c0_i32_1 = arith.constant 0 : i32
    return %c0_i32, %c0_i32_0 : i32, i32
  }
  func.func @transform_3(%arg0: i32) -> (i32, i32) {
    %c0_i32 = arith.constant 0 : i32
    %c0_i32_0 = arith.constant 0 : i32
    return %arg0, %c0_i32 : i32, i32
  }
}

module attributes {stable_mosaic.version = 14 : i64} {
  func.func @_fuse_body(%arg0: i32, %arg1: memref<2x1000x128xf32, #tpu.memory_space<vmem>>, %arg2: memref<1x128xf32, #tpu.memory_space<vmem>>, %arg3: memref<128x64xf32, #tpu.memory_space<vmem>>, %arg4: memref<1000x64xf32, #tpu.memory_space<vmem>>) attributes {dimension_semantics = [#tpu.dimension_semantics<arbitrary>], iteration_bounds = array<i64: 10>, scalar_prefetch = 0 : i64, scratch_operands = 0 : i64, tpu.core_type = #tpu.core_type<tc>, window_params = [{transform_indices = @transform_0, window_bounds = array<i64: 2, 1000, 128>}, {pipeline_mode = #tpu.pipeline_mode<synchronous>, transform_indices = @transform_1, window_bounds = array<i64: 1, 128>}, {pipeline_mode = #tpu.pipeline_mode<synchronous>, transform_indices = @transform_2, window_bounds = array<i64: 128, 64>}, {transform_indices = @transform_3, window_bounds = array<i64: 1000, 64>}]} {
    %get3A = arith.constant 0 : index
    %get3A_0 = arith.constant 0 : index
    %get3A_1 = arith.constant 0 : index
    %get3A_2 = vector.load %arg1[%get3A, %get3A_0, %get3A_1] : memref<2x1000x128xf32, #tpu.memory_space<vmem>>, vector<1x1000x128xf32>
    %get3A_3 = vector.shape_cast %get3A_2 : vector<1x1000x128xf32> to vector<1000x128xf32>
    %get3A_4 = arith.constant 1 : index
    %get3A_5 = arith.constant 0 : index
    %get3A_6 = arith.constant 0 : index
    %get3A_7 = vector.load %arg1[%get3A_4, %get3A_5, %get3A_6] : memref<2x1000x128xf32, #tpu.memory_space<vmem>>, vector<1x1000x128xf32>
    %get3A_8 = vector.shape_cast %get3A_7 : vector<1x1000x128xf32> to vector<1000x128xf32>
    %add3A = arith.addf %get3A_3, %get3A_8 : vector<1000x128xf32>
    %get3A_9 = arith.constant 0 : index
    %get3A_10 = arith.constant 0 : index
    %get3A_11 = vector.load %arg2[%get3A_9, %get3A_10] : memref<1x128xf32, #tpu.memory_space<vmem>>, vector<1x128xf32>
    %add3A_12 = vector.broadcast %get3A_11 : vector<1x128xf32> to vector<1000x128xf32>
    %add3A_13 = arith.addf %add3A, %add3A_12 : vector<1000x128xf32>
    %max3A = arith.constant 0.000000e+00 : f32
    %max3A_14 = vector.broadcast %max3A : f32 to vector<1000x128xf32>
    %max3A_15 = arith.maximumf %add3A_13, %max3A_14 : vector<1000x128xf32>
    %get3A_16 = arith.constant 0 : index
    %get3A_17 = arith.constant 0 : index
    %get3A_18 = vector.load %arg3[%get3A_16, %get3A_17] : memref<128x64xf32, #tpu.memory_space<vmem>>, vector<128x64xf32>
    %dot_general3A = arith.constant dense<0.000000e+00> : vector<1000x64xf32>
    %dot_general3A_19 = tpu.matmul %max3A_15, %get3A_18, %dot_general3A {dimension_numbers = #tpu.dot_dimension_numbers<[1], [0], [0], [1], [0, 0, 1, 1], [], []>, transpose_lhs_hint = false} : vector<1000x128xf32>, vector<128x64xf32>, vector<1000x64xf32> -> vector<1000x64xf32>
    %swap3A = arith.constant 0 : index
    %swap3A_20 = arith.constant 0 : index
    %swap3A_21 = vector.load %arg4[%swap3A, %swap3A_20] : memref<1000x64xf32, #tpu.memory_space<vmem>>, vector<1000x64xf32>
    tpu.vector_store %arg4[%swap3A, %swap3A_20], %dot_general3A_19 {strides = array<i32>} : memref<1000x64xf32, #tpu.memory_space<vmem>>, vector<1000x64xf32>,
    return
  }
  func.func @transform_0(%arg0: i32) -> (i32, i32, i32) {
    %c0_i32 = arith.constant 0 : i32
    %c0_i32_0 = arith.constant 0 : i32
    %c0_i32_1 = arith.constant 0 : i32
    return %c0_i32, %arg0, %c0_i32_0 : i32, i32, i32
  }
  func.func @transform_1(%arg0: i32) -> (i32, i32) {
    %c0_i32 = arith.constant 0 : i32
    %c0_i32_0 = arith.constant 0 : i32
    %c0_i32_1 = arith.constant 0 : i32
    return %c0_i32, %c0_i32_0 : i32, i32
  }
  func.func @transform_2(%arg0: i32) -> (i32, i32) {
    %c0_i32 = arith.constant 0 : i32
    %c0_i32_0 = arith.constant 0 : i32
    %c0_i32_1 = arith.constant 0 : i32
    return %c0_i32, %c0_i32_0 : i32, i32
  }
  func.func @transform_3(%arg0: i32) -> (i32, i32) {
    %c0_i32 = arith.constant 0 : i32
    %c0_i32_0 = arith.constant 0 : i32
    return %arg0, %c0_i32 : i32, i32
  }
}

module attributes {stable_mosaic.version = 14 : i64} {
  func.func @_bias_body(%arg0: i32, %arg1: memref<2x1000x64xf32, #tpu.memory_space<vmem>>, %arg2: memref<1x64xf32, #tpu.memory_space<vmem>>, %arg3: memref<1000x64xf32, #tpu.memory_space<vmem>>) attributes {dimension_semantics = [#tpu.dimension_semantics<arbitrary>], iteration_bounds = array<i64: 10>, scalar_prefetch = 0 : i64, scratch_operands = 0 : i64, tpu.core_type = #tpu.core_type<tc>, window_params = [{transform_indices = @transform_0, window_bounds = array<i64: 2, 1000, 64>}, {pipeline_mode = #tpu.pipeline_mode<synchronous>, transform_indices = @transform_1, window_bounds = array<i64: 1, 64>}, {transform_indices = @transform_2, window_bounds = array<i64: 1000, 64>}]} {
    %get3A = arith.constant 0 : index
    %get3A_0 = arith.constant 0 : index
    %get3A_1 = arith.constant 0 : index
    %get3A_2 = vector.load %arg1[%get3A, %get3A_0, %get3A_1] : memref<2x1000x64xf32, #tpu.memory_space<vmem>>, vector<1x1000x64xf32>
    %get3A_3 = vector.shape_cast %get3A_2 : vector<1x1000x64xf32> to vector<1000x64xf32>
    %get3A_4 = arith.constant 1 : index
    %get3A_5 = arith.constant 0 : index
    %get3A_6 = arith.constant 0 : index
    %get3A_7 = vector.load %arg1[%get3A_4, %get3A_5, %get3A_6] : memref<2x1000x64xf32, #tpu.memory_space<vmem>>, vector<1x1000x64xf32>
    %get3A_8 = vector.shape_cast %get3A_7 : vector<1x1000x64xf32> to vector<1000x64xf32>
    %add3A = arith.addf %get3A_3, %get3A_8 : vector<1000x64xf32>
    %get3A_9 = arith.constant 0 : index
    %get3A_10 = arith.constant 0 : index
    %get3A_11 = vector.load %arg2[%get3A_9, %get3A_10] : memref<1x64xf32, #tpu.memory_space<vmem>>, vector<1x64xf32>
    %add3A_12 = vector.broadcast %get3A_11 : vector<1x64xf32> to vector<1000x64xf32>
    %add3A_13 = arith.addf %add3A, %add3A_12 : vector<1000x64xf32>
    %swap3A = arith.constant 0 : index
    %swap3A_14 = arith.constant 0 : index
    %swap3A_15 = vector.load %arg3[%swap3A, %swap3A_14] : memref<1000x64xf32, #tpu.memory_space<vmem>>, vector<1000x64xf32>
    tpu.vector_store %arg3[%swap3A, %swap3A_14], %add3A_13 {strides = array<i32>} : memref<1000x64xf32, #tpu.memory_space<vmem>>, vector<1000x64xf32>,
    return
  }
  func.func @transform_0(%arg0: i32) -> (i32, i32, i32) {
    %c0_i32 = arith.constant 0 : i32
    %c0_i32_0 = arith.constant 0 : i32
    %c0_i32_1 = arith.constant 0 : i32
    return %c0_i32, %arg0, %c0_i32_0 : i32, i32, i32
  }
  func.func @transform_1(%arg0: i32) -> (i32, i32) {
    %c0_i32 = arith.constant 0 : i32
    %c0_i32_0 = arith.constant 0 : i32
    %c0_i32_1 = arith.constant 0 : i32
    return %c0_i32, %c0_i32_0 : i32, i32
  }
  func.func @transform_2(%arg0: i32) -> (i32, i32) {
    %c0_i32 = arith.constant 0 : i32
    %c0_i32_0 = arith.constant 0 : i32
    return %arg0, %c0_i32 : i32, i32
  }
}

</mosaic_0001>

<sc_bundles>
// kernel: kernel.12.cloned.1.call-start
scs
__scs_entry_jumppad:
0x0: {  	(pc) =	sbr.rel $0x88, $3  }
0x1: {  	(tag) =	ssettag $0x0;
	lr =	simm.s32 $0x1  }
0x2: {  	[smem:$0x3F99] =	sst lr;
	_ =	strace $0xD0000000  }
0x3: {  	_ = 	snop  }
0x4: {  	_ = 	snop  }
0x5: {  	_ = 	snop  }
0x6: {  	_ = 	snop  }
0x7: {  	_ = 	snop  }
__scs_overlays_trampoline_lowered:
0x8: {  	[smem:$0x3FA8] =	sst s0  }
0x9: {  	[smem:$0x3FA9] =	sst s1  }
0xa: {  	[smem:$0x3FAA] =	sst s2  }
0xb: {  	[smem:$0x3FAB] =	sst s3  }
0xc: {  	[smem:$0x3FAC] =	sst s4  }
0xd: {  	[smem:$0x3FAD] =	sst s5  }
0xe: {  	[smem:$0x3FAE] =	sst s6  }
0xf: {  	[smem:$0x3FAF] =	sst s7  }
0x10: {  	[smem:$0x3FB0] =	sst s8  }
0x11: {  	[smem:$0x3FB1] =	sst s9;
	s0 =	simm.s32 @!p0 $0x0  }
0x12: {  	s1 =	sld [smem:$0x3F97];
	s0 =	simm.s32 @p0 $0x1  }
0x13: {  	[smem:$0x3FB2] =	sst s0;
	s0 =	simm.s32 @!p1 $0x0  }
0x14: {  	s2 =	sld [smem:$0x3F96];
	s0 =	simm.s32 @p1 $0x1  }
0x15: {  	[smem:$0x3FB3] =	sst s0;
	s0 =	simm.s32 @!p2 $0x0  }
0x16: {  	s3 =	sld [smem:$0x3FDB];
	s0 =	simm.s32 @p2 $0x1  }
0x17: {  	s4 =	simm.s32 $0x1BF5;
	[smem:$0x3FB5] =	sst s0  }
0x18: {  	s0 =	sld [smem:$0x3F98];
	_ =	swait.ge [sflag:s4], $0x0  }
0x19: {  	s7 =	sld [smem:$0x3F99]  }
0x1a: {  	s8 =	sadd.s32 $0xFFFFE003, lr  }
0x1b: {  	s9 =	sadd.s32 $0xFFFFFEF7, lr;
	s5 =	simm.s32 $0xFFFFFFFF;
	p2 =	slt.u32 s8, $0xFFFFF086  }
0x1c: {  	p1 =	slt.u32 s9, $0xF7A;
	s5 =	simm.s32 @!p2 $0x0  }
0x1d: {  	s5 =	simm.s32 @p1 $0x1;
	p0 =	seq.s32 s7, s2  }
0x1e: {  	s7 =	smul.u32 @!p0 $0xF7A, s2;
	p2 =	seq.s32 @!p0 s5, $0x0  }
0x1f: {  	s9 =	smul.u32 $0xF7A, s1;
	s8 =	simm.s32 @!p0 $0x1BF5;
	p2 =	por !p2, p0  }
0x20: {  	[sflag:s8] =	ssyncset.s32 @!p0 $0xFFFFF086;
	s6 =	sadd.s32 @!p0 s3, s7;
	s7 =	simm.s32 @!p0 $0x108  }
0x21: {  	s3 =	sadd.s32 s3, s9;
	s6 =	sadd.s32 @!p0 $0x88, s6;
	s7 =	simm.s32 @p2 $0x1082  }
0x22: {  	[simem:s7], [sflag:s8] =	dma.local @!p0 [hbm:s6], $0xF7A  }
0x23: {  	s9 =	sor.u32 $0xD0000000, s2;
	s6 =	simm.s32 $0x108;
	_ =	swait.ge @!p0 [sflag:s8], $0x0  }
0x24: {  	s3 =	sadd.s32 $0x88, s3;
	s6 =	simm.s32 @!p1 $0x1082;
	[sflag:s4] =	ssyncset.s32 $0xFFFFF086  }
0x25: {  	[simem:s6], [sflag:s4] =	dma.local [hbm:s3], $0xF7A  }
0x26: {  	[smem:$0x3F99] =	sst s1;
	(tag) =	ssettag s2;
	_ =	strace s9  }
0x27: {  	s1 =	sld [smem:$0x3FA9]  }
0x28: {  	s2 =	sld [smem:$0x3FAA]  }
0x29: {  	s4 =	sld [smem:$0x3FAC]  }
0x2a: {  	p0 =	seq.s32 s5, $0x0;
	s5 =	sld [smem:$0x3FAD]  }
0x2b: {  	s6 =	sld [smem:$0x3FAE]  }
0x2c: {  	s7 =	sld [smem:$0x3FAF]  }
0x2d: {  	s3 =	simm.s32 $0x108;
	s8 =	sld [smem:$0x3FB0]  }
0x2e: {  	s3 =	simm.s32 @!p0 $0x1082;
	s9 =	sld [smem:$0x3FB1]  }
0x2f: {  	lr =	sadd.s32 s0, s3;
	s0 =	sld [smem:$0x3FA8]  }
0x30: {  	s3 =	sld [smem:$0x3FAB]  }
0x31: {  	[smem:$0x3FB4] =	sst s10  }
0x32: {  	s10 =	sld [smem:$0x3FB2];
	_ =	sdelay $0x3  }
0x33: {  	p0 =	seq.s32 s10, $0x1;
	s10 =	sld [smem:$0x3FB4];
	_ =	sdelay $0x3  }
0x34: {  	[smem:$0x3FB4] =	sst s10  }
0x35: {  	s10 =	sld [smem:$0x3FB3];
	_ =	sdelay $0x3  }
0x36: {  	p1 =	seq.s32 s10, $0x1;
	s10 =	sld [smem:$0x3FB4];
	_ =	sdelay $0x3  }
0x37: {  	[smem:$0x3FB4] =	sst s10  }
0x38: {  	s10 =	sld [smem:$0x3FB5]  }
0x39: {  	_ = 	snop;
	(pc) =	sbr.ind lr, $3  }
0x3a: {  	_ = 	snop  }
0x3b: {  	_ = 	snop  }
0x3c: {  	p2 =	seq.s32 s10, $0x1;
	s10 =	sld [smem:$0x3FB4]  }
0x3d: {  	_ =	shalt  }
0x3e: {  	_ =	shalt  }
0x3f: {  	_ =	shalt  }
0x40: {  	_ =	shalt  }
0x41: {  	_ =	shalt  }
0x42: {  	_ =	shalt  }
0x43: {  	_ =	shalt  }
0x44: {  	_ =	shalt  }
0x45: {  	_ =	shalt  }
0x46: {  	_ =	shalt  }
0x47: {  	_ =	shalt  }
0x48: {  	_ =	shalt  }
0x49: {  	_ =	shalt  }
0x4a: {  	_ =	shalt  }
0x4b: {  	_ =	shalt  }
0x4c: {  	_ =	shalt  }
0x4d: {  	_ =	shalt  }
0x4e: {  	_ =	shalt  }
0x4f: {  	_ =	shalt  }
0x50: {  	_ =	shalt  }
0x51: {  	_ =	shalt  }
0x52: {  	_ =	shalt  }
0x53: {  	_ =	shalt  }
0x54: {  	_ =	shalt  }
0x55: {  	_ =	shalt  }
0x56: {  	_ =	shalt  }
0x57: {  	_ =	shalt  }
0x58: {  	_ =	shalt  }
0x59: {  	_ =	shalt  }
0x5a: {  	_ =	shalt  }
0x5b: {  	_ =	shalt  }
0x5c: {  	_ =	shalt  }
0x5d: {  	_ =	shalt  }
0x5e: {  	_ =	shalt  }
0x5f: {  	_ =	shalt  }
0x60: {  	_ =	shalt  }
0x61: {  	_ =	shalt  }
0x62: {  	_ =	shalt  }
0x63: {  	_ =	shalt  }
0x64: {  	_ =	shalt  }
0x65: {  	_ =	shalt  }
0x66: {  	_ =	shalt  }
0x67: {  	_ =	shalt  }
0x68: {  	_ =	shalt  }
0x69: {  	_ =	shalt  }
0x6a: {  	_ =	shalt  }
0x6b: {  	_ =	shalt  }
0x6c: {  	_ =	shalt  }
0x6d: {  	_ =	shalt  }
0x6e: {  	_ =	shalt  }
0x6f: {  	_ =	shalt  }
0x70: {  	_ =	shalt  }
0x71: {  	_ =	shalt  }
0x72: {  	_ =	shalt  }
0x73: {  	_ =	shalt  }
0x74: {  	_ =	shalt  }
0x75: {  	_ =	shalt  }
0x76: {  	_ =	shalt  }
0x77: {  	_ =	shalt  }
0x78: {  	_ =	shalt  }
0x79: {  	_ =	shalt  }
0x7a: {  	_ =	shalt  }
0x7b: {  	_ =	shalt  }
0x7c: {  	_ =	shalt  }
0x7d: {  	_ =	shalt  }
0x7e: {  	_ =	shalt  }
0x7f: {  	_ =	shalt  }
0x80: {  	_ =	shalt  }
0x81: {  	_ =	shalt  }
0x82: {  	_ =	shalt  }
0x83: {  	_ =	shalt  }
0x84: {  	_ =	shalt  }
0x85: {  	_ =	shalt  }
0x86: {  	_ =	shalt  }
0x87: {  	_ =	shalt  }
.Lfunc_end0:
.L_simem_size_0:
called_computation.1_lowered:
.L_overlay_start_0:
0x88: {  	s2 =	sld [smem:$0x3FD9]  }
0x89: {  	s3 =	sld [smem:$0x3FFE];
	_ =	sdelay $0x1  }
0x8a: {  	s1 =	srdreg.scid  }
0x8b: {  	s0 =	sand.u32 $0x1, s1  }
0x8c: {  	s16 =	sshll.u32 s0, $0xA;
	s2 =	sadd.s32 s3, s2  }
0x8d: {  	s2 =	sadd.s32 s2, s16  }
0x8e: {  	[smem:$0x3FC0] =	sst s2  }
0x8f: {  	_ = 	snop  }
0x90: {  	(tm) =	ssettm $0x1  }
0x91: {  	s17 =	sld [smem:$0x3FFB];
	_ =	sdelay $0x3  }
0x92: {  	_ =	strace s17  }
0x93: {  	s2 =	sld [smem:$0x3FFC];
	_ =	sdelay $0x3  }
0x94: {  	_ =	strace s2  }
0x95: {  	s2 =	sld [smem:$0x3FFD];
	_ =	sdelay $0x3  }
0x96: {  	_ =	strace s2  }
0x97: {  	_ =	strace $0x8FFFFFFF  }
0x98: {  	s18 =	sld [smem:$0x3FDB];
	_ =	sdelay $0x1  }
0x99: {  	s19 =	simm.s32 $_scs_section_size  }
0x9a: {  	s4 =	simm.s32 $_size__tile_overlayer_lowered;
	s5 =	simm.s32 $_tile_overlayer_lowered  }
0x9b: {  	s22 =	simm.s32 $0x1BFF;
	s21 =	sshll.u32 s5, $0x1;
	s2 =	sadd.s32 s19, s18  }
0x9c: {  	s6 =	simm.s32 $0x0;
	s20 =	sshll.u32 s4, $0x1;
	s4 =	sadd.s32 s21, s2  }
0x9d: {  	[timem:s6], [sflag:s22] =	dma.local [hbm:s4], s20  }
0x9e: {  	_ =	swait.ge [sflag:s22], s20  }
0x9f: {  	s3 =	ssub.s32 $0x0, s20;
	[sflag:s22] =	ssyncset.done $0x0  }
0xa0: {  	[sflag:s22] =	ssyncadd.s32 s3;
	_ =	sdelay $0x1  }
0xa1: {  	s23 =	simm.s32 $0x1B8B  }
0xa2: {  	_ =	swait.ge [sflag:s23], $0x1  }
0xa3: {  	[sflag:s23] =	ssyncset.done $0x0  }
0xa4: {  	s25 =	simm.s32 $0x1B8E;
	s24 =	sld [smem:$0x3FFE];
	[sflag:s23] =	ssyncadd.s32 $0xFFFFFFFF  }
0xa5: {  	s26 =	simm.s32 $execute0_lowered;
	[smem:$0x3FD2] =	sst s25  }
0xa6: {  	s4 =	sshll.u32 s26, $0x1;
	_ =	strace $0x80000049;
	[dreg:$0x1] =	wrdreg $0xFFFFFFFF  }
0xa7: {  	s28 =	simm.s32 $_size_execute0_lowered;
	s2 =	sadd.s32 s2, s4;
	[dreg:$0x0] =	wrdreg $0x0  }
0xa8: {  	s4 =	sshll.u32 s28, $0x1;
	[dreg:$0x2] =	wrdreg s2  }
0xa9: {  	[dreg:$0x3] =	wrdreg s4  }
0xaa: {  	[dreg:$0x4] =	wrdreg $0xC0  }
0xab: {  	_ =	task [dreg:s6], $0x5FFFF  }
0xac: {  	[dreg:$0x1] =	wrdreg $0xFFFFFFFF  }
0xad: {  	[dreg:$0x0] =	wrdreg $0x60  }
0xae: {  	[dreg:$0x2] =	wrdreg s24  }
0xaf: {  	[dreg:$0x3] =	wrdreg $0x88000  }
0xb0: {  	[dreg:$0x4] =	wrdreg $0x9  }
0xb1: {  	_ =	task.clear_ibuf [dreg:s6], $0x5FFFF;
	_ =	strace $0x90000049  }
0xb2: {  	s29 =	simm.s32 $0x9;
	_ =	strace $0x8000004B  }
0xb3: {  	_ =	swait.ge [sflag:s29], $0x1  }
0xb4: {  	[sflag:s29] =	ssyncadd.s32 $0xFFFFFFFF  }
0xb5: {  	_ =	strace $0x9000004B  }
0xb6: {  	_ =	sfence  }
0xb7: {  	s30 =	sld [smem:$0x0];
	_ =	sdelay $0x2  }
0xb8: {  	s31 =	sshll.u32 s1, $0xD;
	s1 =	sshrl.u32 s1, $0x2  }
0xb9: {  	s3 =	sand.u32 $0x4000, s31;
	s1 =	sadd.s32 s1, s30  }
0xba: {  	s0 =	sor.u32 s3, s0;
	s1 =	sshll.u32 s1, $0x11  }
0xbb: {  	s0 =	sor.u32 s1, s0  }
0xbc: {  	s0 =	sadd.s32 $0x8F2B, s0  }
0xbd: {  	[sflag:s0] =	ssyncadd.remote.s32 $0x1  }
0xbe: {  	_ =	sfence.sel $0xFFFF  }
0xbf: {  	[dreg:$0x0] =	wrdreg $0xFFFFFFFF;
	(pc) =	sbr.abs _section_cstart, $3  }
0xc0: {  	[dreg:$0x1] =	wrdreg $0xFFFFFFFF  }
0xc1: {  	_ =	task.clear_ibuf [dreg:s6], $0x2FFFF;
	_ =	strace $0x9FFFFFFF  }
0xc2: {  	(tm) =	ssettm $0x7FFFFFFF  }
0xc3: {  	_ =	shalt  }
tec
execute0_lowered:
.L_overlay_start_1:
0x0: {  	(tag) =	ssettag $0x1  }
0x1: {  	s0 =	rddreg [dreg:$0x0]  }
0x2: {  	s1 =	rddreg [dreg:$0x1]  }
0x3: {  	s2 =	srdreg.scid;
	s4 =	simm.s32 $0x0;
	s22 =	stileid.u32  }
0x4: {  	s28 =	simm.s32 $0x400;
	s29 =	simm.s32 $0x600;
	s30 =	simm.s32 $0x80  }
0x5: {  	s31 =	simm.s32 $0x800;
	s2 =	sand.u32 $0x1, s2;
	s5 =	smul.u32 $0x1F400, s22  }
0x6: {  	[smem:$0x7FF] =	sst s4;
	s4 =	sadd.s32 $0x20200, s0;
	s6 =	smul.u32 $0x98, s22  }
0x7: {  	s7 =	sadd.s32 $0xC200, s0;
	s11 =	sadd.s32 $0x2200, s0;
	s10 =	smul.u32 $0x50000, s22  }
0x8: {  	s20 =	sadd.s32 $0x47400, s0;
	s9 =	sshll.u32 s22, $0x3;
	s15 =	smul.u32 $0x7D000, s22  }
0x9: {  	s25 =	sshll.u32 s22, $0x6;
	s3 =	smul.u32 $0x138800, s2;
	_ =	strace $0x8000004A  }
0xa: {  	s21 =	ssub.s32 $0x2, s2;
	p0 =	seq.s32 s2, $0x0;
	s2 =	sor.u32 $0x980, s9  }
0xb: {  	[dreg:$0x3] =	wrdreg s20;
	s8 =	sshrl.u32 s21, $0x1;
	s2 =	smov.u32 @p0 s6  }
0xc: {  	s6 =	simm.s32 $0x98;
	s23 =	sshrl.u32 s10, $0x2;
	s3 =	sadd.s32 s5, s3  }
0xd: {  	s6 =	simm.s32 @!p0 $0x8;
	s24 =	sadd.s32 s23, s1;
	s2 =	sshll.u32 s2, $0x4  }
0xe: {  	p0 =	sgt.u32 s22, $0x9;
	s22 =	simm.s32 $0x580;
	s3 =	sshrl.u32 s3, $0x3  }
0xf: {  	s12 =	sadd.s32 $0x2000, s24;
	s13 =	sadd.s32 $0x4000, s24;
	s14 =	sadd.s32 $0x6000, s24  }
0x10: {  	s16 =	sadd.s32 $0x8000, s24;
	s17 =	sadd.s32 $0xA000, s24;
	s18 =	sadd.s32 $0xC000, s24  }
0x11: {  	s19 =	sadd.s32 $0xE000, s24;
	s20 =	sadd.s32 $0x10000, s24;
	[dreg:$0x4] =	wrdreg s24  }
0x12: {  	s9 =	sadd.s32 s7, s2;
	s10 =	sadd.s32 s11, s2;
	s2 =	sor.u32 $0x40, s2  }
0x13: {  	s0 =	sadd.s32 s3, s0;
	s3 =	ssub.s32 s21, s8;
	s26 =	sadd.s32 s7, s2  }
0x14: {  	s8 =	sor.u32 $0x1C05, s25;
	s2 =	sadd.s32 s11, s2;
	[dreg:$0x5] =	wrdreg s26  }
0x15: {  	s21 =	sadd.s32 $0x12000, s24;
	s12 =	sshrl.u32 s12, $0x3;
	[dreg:$0x6] =	wrdreg s2  }
0x16: {  	s7 =	sshrl.u32 s15, $0x2;
	s13 =	sshrl.u32 s13, $0x3;
	[dreg:$0x9] =	wrdreg s12  }
0x17: {  	s15 =	simm.s32 $0x5;
	s14 =	sshrl.u32 s14, $0x3;
	[dreg:$0xa] =	wrdreg s13  }
0x18: {  	s16 =	sshrl.u32 s16, $0x3;
	s17 =	sshrl.u32 s17, $0x3;
	[dreg:$0xb] =	wrdreg s14  }
0x19: {  	s23 =	sshrl.u32 s18, $0x3;
	s24 =	sshrl.u32 s19, $0x3;
	[dreg:$0xc] =	wrdreg s16  }
0x1a: {  	s25 =	sshrl.u32 s20, $0x3;
	s18 =	simm.s32 $0x380;
	[dreg:$0xd] =	wrdreg s17  }
0x1b: {  	s19 =	simm.s32 $0x480;
	s20 =	simm.s32 $0x500;
	[dreg:$0xe] =	wrdreg s23  }
0x1c: {  	s0 =	sadd.s32 $0x47800, s0;
	s11 =	smax.u32 s3, $0x1;
	[dreg:$0xf] =	wrdreg s24  }
0x1d: {  	[dreg:$0x10] =	wrdreg s25;
	s26 =	sshrl.u32 s21, $0x3;
	s2 =	simm.s32 $0x3  }
0x1e: {  	s12 =	simm.s32 $0x4;
	s13 =	simm.s32 $0x280;
	s14 =	simm.s32 $0x180  }
.Ltmp0:
0x1f: {  	s16 =	simm.s32 $0x300;
	s17 =	simm.s32 $0x2;
	(pc) =	sbr.rel .LBB2_1-.Ltmp0, $4  }
0x20: {  	s21 =	simm.s32 $0x680;
	s23 =	simm.s32 $0x700;
	[dreg:$0x7] =	wrdreg s0  }
0x21: {  	s24 =	simm.s32 $0x780;
	s0 =	sadd.s32 s7, s1;
	[dreg:$0x8] =	wrdreg s11  }
0x22: {  	[dreg:$0x11] =	wrdreg s26;
	s26 =	simm.s32 $0x200;
	s0 =	sshrl.u32 @!p0 s0, $0x3  }
0x23: {  	s7 =	simm.s32 $0x0;
	[dreg:$0x12] =	wrdreg s0;
	s0 =	simm.s32 $0x4800  }
.LBB2_5:
0x24: {  	[bflag:$0x0] =	sbarrier.arrive $0xFFFF  }
0x25: {  	s3 =	rddreg [dreg:$0x7]  }
0x26: {  	s5 =	rddreg [dreg:$0x12]  }
0x27: {  	[hbm:s3], [sflag:s8] =	dma.local @!p0 [spmem:s5], $0x3E80  }
0x28: {  	s3 =	simm.s32 @!p0 $0x5  }
0x29: {  	_ =	swait.ge @!p0 [sflag:s3], $0x3E80  }
0x2a: {  	s7 =	rddreg [dreg:$0x13]  }
0x2b: {  	s25 =	rddreg [dreg:$0x8];
	s7 =	sadd.s32 $0x1, s7  }
0x2c: {  	p1 =	sne.s32 s7, s25  }
.Ltmp1:
0x2d: {  	_ = 	snop;
	(pc) =	sbr.rel @!p1 .LBB2_6-.Ltmp1, $3  }
0x2e: {  	_ =	sdelay $0x1  }
0x2f: {  	[sflag:s3] =	ssyncset.done @!p0 $0x0  }
0x30: {  	[sflag:s3] =	ssyncadd.s32 @!p0 $0xFFFFC180  }
.LBB2_1:
0x31: {  	[dreg:$0x13] =	wrdreg s7  }
0x32: {  	s3 =	rddreg [dreg:$0x4]  }
0x33: {  	s5 =	rddreg [dreg:$0x3];
	s3 =	sshrl.u32 s3, $0x3  }
0x34: {  	[spmem:s3], [sflag:s8] =	dma.local [hbm:s5], $0x400  }
0x35: {  	_ =	swait.ge [sflag:s15], $0x400  }
0x36: {  	[sflag:s15] =	ssyncset.done $0x0  }
0x37: {  	s7 =	rddreg [dreg:$0x9];
	[sflag:s15] =	ssyncadd.s32 $0xFFFFFC00  }
0x38: {  	[spmem:s7], [sflag:s8] =	dma.local [hbm:s5], $0x400  }
0x39: {  	_ =	swait.ge [sflag:s15], $0x400  }
0x3a: {  	[sflag:s15] =	ssyncset.done $0x0  }
0x3b: {  	s11 =	rddreg [dreg:$0xa];
	[sflag:s15] =	ssyncadd.s32 $0xFFFFFC00  }
0x3c: {  	[spmem:s11], [sflag:s8] =	dma.local [hbm:s5], $0x400  }
0x3d: {  	_ =	swait.ge [sflag:s15], $0x400  }
0x3e: {  	[sflag:s15] =	ssyncset.done $0x0  }
0x3f: {  	s25 =	rddreg [dreg:$0xb];
	[sflag:s15] =	ssyncadd.s32 $0xFFFFFC00  }
0x40: {  	[spmem:s25], [sflag:s8] =	dma.local [hbm:s5], $0x400  }
0x41: {  	_ =	swait.ge [sflag:s15], $0x400  }
0x42: {  	[sflag:s15] =	ssyncset.done $0x0  }
0x43: {  	s7 =	rddreg [dreg:$0xc];
	[sflag:s15] =	ssyncadd.s32 $0xFFFFFC00  }
0x44: {  	[spmem:s7], [sflag:s8] =	dma.local [hbm:s5], $0x400  }
0x45: {  	_ =	swait.ge [sflag:s15], $0x400  }
0x46: {  	[sflag:s15] =	ssyncset.done $0x0  }
0x47: {  	s11 =	rddreg [dreg:$0xd];
	[sflag:s15] =	ssyncadd.s32 $0xFFFFFC00  }
0x48: {  	[spmem:s11], [sflag:s8] =	dma.local [hbm:s5], $0x400  }
0x49: {  	_ =	swait.ge [sflag:s15], $0x400  }
0x4a: {  	[sflag:s15] =	ssyncset.done $0x0  }
0x4b: {  	s25 =	rddreg [dreg:$0xe];
	[sflag:s15] =	ssyncadd.s32 $0xFFFFFC00  }
0x4c: {  	[spmem:s25], [sflag:s8] =	dma.local [hbm:s5], $0x400  }
0x4d: {  	_ =	swait.ge [sflag:s15], $0x400  }
0x4e: {  	[sflag:s15] =	ssyncset.done $0x0  }
0x4f: {  	s7 =	rddreg [dreg:$0xf];
	[sflag:s15] =	ssyncadd.s32 $0xFFFFFC00  }
0x50: {  	[spmem:s7], [sflag:s8] =	dma.local [hbm:s5], $0x400  }
0x51: {  	_ =	swait.ge [sflag:s15], $0x400  }
0x52: {  	[sflag:s15] =	ssyncset.done $0x0  }
0x53: {  	s11 =	rddreg [dreg:$0x10];
	[sflag:s15] =	ssyncadd.s32 $0xFFFFFC00  }
0x54: {  	[spmem:s11], [sflag:s8] =	dma.local [hbm:s5], $0x400  }
0x55: {  	_ =	swait.ge [sflag:s15], $0x400  }
0x56: {  	[sflag:s15] =	ssyncset.done $0x0  }
0x57: {  	s25 =	rddreg [dreg:$0x11];
	[sflag:s15] =	ssyncadd.s32 $0xFFFFFC00  }
0x58: {  	[spmem:s25], [sflag:s8] =	dma.local [hbm:s5], $0x400  }
0x59: {  	_ =	swait.ge [sflag:s15], $0x400  }
0x5a: {  	[sflag:s15] =	ssyncset.done $0x0  }
0x5b: {  	[sflag:s15] =	ssyncadd.s32 $0xFFFFFC00  }
0x5c: {  	s7 =	simm.s32 $0x0;
	[bflag:$0x0] =	sbarrier.arrive $0xFFFF  }
0x5d: {  	[tilespmem:s7], [sflag:$0x5] =	stream.linear.gather [hbm4b:s9+s7], $0x200, $0x38;
	[tilespmem:$0x1C800] =	vst v63  }
0x5e: {  	_ =	swait.ge [sflag:s15], $0x200  }
0x5f: {  	[sflag:s15] =	ssyncset.done $0x0  }
0x60: {  	[sflag:s15] =	ssyncadd.s32 $0xFFFFFE00  }
0x61: {  	[tilespmem:s26], [sflag:$0x5] =	stream.linear.gather [hbm4b:s10+s7], $0x200, $0x38;
	[tilespmem:$0x1C800] =	vst v63  }
0x62: {  	_ =	swait.ge [sflag:s15], $0x200  }
0x63: {  	[sflag:s15] =	ssyncset.done $0x0  }
0x64: {  	s11 =	rddreg [dreg:$0x5];
	[sflag:s15] =	ssyncadd.s32 $0xFFFFFE00  }
0x65: {  	[tilespmem:s28], [sflag:$0x2] =	stream.linear.gather [hbm4b:s11+s7], $0x200, $0x38;
	[tilespmem:$0x1C800] =	vst v63  }
.Ltmp2:
0x66: {  	s25 =	rddreg [dreg:$0x6];
	(pc) =	sbr.rel .LBB2_2-.Ltmp2, $4  }
0x67: {  	[tilespmem:s29], [sflag:$0x2] =	stream.linear.gather [hbm4b:s25+s7], $0x200, $0x38;
	[tilespmem:$0x1C800] =	vst v63  }
0x68: {  	_ = 	snop  }
0x69: {  	[tilespmem:s31], [sflag:$0x3] =	stream.indirect.gather [hbm4b:s4+s30], $0x80, s7, s30, $0xb8;
	[tilespmem:$0x1C800] =	vst v63  }
0x6a: {  	s3 =	simm.s32 $0x0;
	s7 =	simm.s32 $0x0  }
.LBB2_4:
0x6b: {  	s3 =	sadd.s32 $0x80, s3  }
0x6c: {  	p1 =	sne.s32 s3, $0x980  }
.Ltmp3:
0x6d: {  	_ = 	snop;
	(pc) =	sbr.rel @!p1 .LBB2_5-.Ltmp3, $2  }
0x6e: {  	_ =	sdelay $0x2  }
0x6f: {  	s7 =	sadd.s32 $0x8, s7  }
.LBB2_2:
0x70: {  	p1 =	sge.u32 s7, s6  }
.Ltmp4:
0x71: {  	_ = 	snop;
	(pc) =	sbr.rel @p1 .LBB2_4-.Ltmp4, $1  }
0x72: {  	_ =	sdelay $0x3  }
0x73: {  	[tilespmem:s0], [sflag:$0x4] =	stream.indirect.gather [hbm4b:s4+s30], $0x80, s30, s30, $0xb8;
	[tilespmem:$0x1C800] =	vst v63  }
0x74: {  	_ =	swait.ge [sflag:s2], $0x4000  }
0x75: {  	[sflag:s2] =	ssyncset.done $0x0  }
0x76: {  	[sflag:s2] =	ssyncadd.s32 $0xFFFFC000  }
0x77: {  	[spmem:s1] =	stream.indirect.scatter.add.f32 [tilespmem:s31], [sflag:$0x5], $0x80, s26, s30, $0xb8;
	[tilespmem:$0x1C800] =	vst v63  }
0x78: {  	_ =	swait.ge [sflag:s15], $0x4000  }
0x79: {  	[sflag:s15] =	ssyncset.done $0x0  }
0x7a: {  	s5 =	simm.s32 $0x100;
	[sflag:s15] =	ssyncadd.s32 $0xFFFFC000  }
0x7b: {  	[tilespmem:s31], [sflag:$0x3] =	stream.indirect.gather [hbm4b:s4+s30], $0x80, s5, s30, $0xb8;
	[tilespmem:$0x1C800] =	vst v63  }
0x7c: {  	_ =	swait.ge [sflag:s12], $0x4000  }
0x7d: {  	[sflag:s12] =	ssyncset.done $0x0  }
0x7e: {  	[sflag:s12] =	ssyncadd.s32 $0xFFFFC000  }
0x7f: {  	[spmem:s1] =	stream.indirect.scatter.add.f32 [tilespmem:s0], [sflag:$0x5], $0x80, s13, s30, $0xb8;
	[tilespmem:$0x1C800] =	vst v63  }
0x80: {  	_ =	swait.ge [sflag:s15], $0x4000  }
0x81: {  	[sflag:s15] =	ssyncset.done $0x0  }
0x82: {  	[sflag:s15] =	ssyncadd.s32 $0xFFFFC000  }
0x83: {  	[tilespmem:s0], [sflag:$0x4] =	stream.indirect.gather [hbm4b:s4+s30], $0x80, s14, s30, $0xb8;
	[tilespmem:$0x1C800] =	vst v63  }
0x84: {  	_ =	swait.ge [sflag:s2], $0x4000  }
0x85: {  	[sflag:s2] =	ssyncset.done $0x0  }
0x86: {  	[sflag:s2] =	ssyncadd.s32 $0xFFFFC000  }
0x87: {  	[spmem:s1] =	stream.indirect.scatter.add.f32 [tilespmem:s31], [sflag:$0x5], $0x80, s16, s30, $0xb8;
	[tilespmem:$0x1C800] =	vst v63  }
0x88: {  	_ =	swait.ge [sflag:s15], $0x4000  }
0x89: {  	[sflag:s15] =	ssyncset.done $0x0  }
0x8a: {  	[sflag:s15] =	ssyncadd.s32 $0xFFFFC000  }
0x8b: {  	_ =	swait.ge [sflag:s17], $0x200  }
0x8c: {  	[sflag:s17] =	ssyncset.done $0x0  }
0x8d: {  	[sflag:s17] =	ssyncadd.s32 $0xFFFFFE00  }
0x8e: {  	_ =	swait.ge [sflag:s17], $0x200  }
0x8f: {  	[sflag:s17] =	ssyncset.done $0x0  }
0x90: {  	[sflag:s17] =	ssyncadd.s32 $0xFFFFFE00  }
0x91: {  	[tilespmem:s31], [sflag:$0x3] =	stream.indirect.gather [hbm4b:s4+s30], $0x80, s28, s30, $0xb8;
	[tilespmem:$0x1C800] =	vst v63  }
0x92: {  	_ =	swait.ge [sflag:s12], $0x4000  }
0x93: {  	[sflag:s12] =	ssyncset.done $0x0  }
0x94: {  	s25 =	sadd.s32 $0x8, s7;
	[sflag:s12] =	ssyncadd.s32 $0xFFFFC000  }
0x95: {  	[spmem:s1] =	stream.indirect.scatter.add.f32 [tilespmem:s0], [sflag:$0x5], $0x80, s18, s30, $0xb8;
	[tilespmem:$0x1C800] =	vst v63  }
0x96: {  	p1 =	sge.u32 s25, s6;
	_ =	swait.ge [sflag:s15], $0x4000  }
0x97: {  	s25 =	sadd.s32 @!p1 s3, s9;
	[sflag:s15] =	ssyncset.done $0x0  }
0x98: {  	s25 =	sadd.s32 @!p1 $0x80, s25;
	s5 =	simm.s32 @!p1 $0x0;
	[sflag:s15] =	ssyncadd.s32 $0xFFFFC000  }
0x99: {  	[tilespmem:s5], [sflag:$0x1] =	stream.linear.gather @!p1 [hbm4b:s25+s5], $0x200, $0x38;
	[tilespmem:$0x1C800] =	vst v63  }
0x9a: {  	s25 =	sadd.s32 @!p1 s3, s10  }
0x9b: {  	s11 =	simm.s32 @!p1 $0x200;
	s25 =	sadd.s32 @!p1 $0x80, s25  }
0x9c: {  	[tilespmem:s11], [sflag:$0x1] =	stream.linear.gather @!p1 [hbm4b:s25+s5], $0x200, $0x38;
	[tilespmem:$0x1C800] =	vst v63  }
0x9d: {  	_ = 	snop  }
0x9e: {  	[tilespmem:s0], [sflag:$0x4] =	stream.indirect.gather [hbm4b:s4+s30], $0x80, s19, s30, $0xb8;
	[tilespmem:$0x1C800] =	vst v63  }
0x9f: {  	_ =	swait.ge [sflag:s2], $0x4000  }
0xa0: {  	[sflag:s2] =	ssyncset.done $0x0  }
0xa1: {  	[sflag:s2] =	ssyncadd.s32 $0xFFFFC000  }
0xa2: {  	[spmem:s1] =	stream.indirect.scatter.add.f32 [tilespmem:s31], [sflag:$0x5], $0x80, s29, s30, $0xb8;
	[tilespmem:$0x1C800] =	vst v63  }
0xa3: {  	_ =	swait.ge [sflag:s15], $0x4000  }
0xa4: {  	[sflag:s15] =	ssyncset.done $0x0  }
0xa5: {  	[sflag:s15] =	ssyncadd.s32 $0xFFFFC000  }
0xa6: {  	[tilespmem:s31], [sflag:$0x3] =	stream.indirect.gather [hbm4b:s4+s30], $0x80, s20, s30, $0xb8;
	[tilespmem:$0x1C800] =	vst v63  }
0xa7: {  	_ =	swait.ge [sflag:s12], $0x4000  }
0xa8: {  	[sflag:s12] =	ssyncset.done $0x0  }
0xa9: {  	[sflag:s12] =	ssyncadd.s32 $0xFFFFC000  }
0xaa: {  	[spmem:s1] =	stream.indirect.scatter.add.f32 [tilespmem:s0], [sflag:$0x5], $0x80, s21, s30, $0xb8;
	[tilespmem:$0x1C800] =	vst v63  }
0xab: {  	_ =	swait.ge [sflag:s15], $0x4000  }
0xac: {  	[sflag:s15] =	ssyncset.done $0x0  }
0xad: {  	[sflag:s15] =	ssyncadd.s32 $0xFFFFC000  }
0xae: {  	[tilespmem:s0], [sflag:$0x4] =	stream.indirect.gather [hbm4b:s4+s30], $0x80, s22, s30, $0xb8;
	[tilespmem:$0x1C800] =	vst v63  }
0xaf: {  	_ =	swait.ge [sflag:s2], $0x4000  }
0xb0: {  	[sflag:s2] =	ssyncset.done $0x0  }
0xb1: {  	[sflag:s2] =	ssyncadd.s32 $0xFFFFC000  }
0xb2: {  	[spmem:s1] =	stream.indirect.scatter.add.f32 [tilespmem:s31], [sflag:$0x5], $0x80, s23, s30, $0xb8;
	[tilespmem:$0x1C800] =	vst v63  }
0xb3: {  	_ =	swait.ge [sflag:s15], $0x4000  }
0xb4: {  	[sflag:s15] =	ssyncset.done $0x0  }
0xb5: {  	s11 =	simm.s32 @!p1 $0x1;
	[sflag:s15] =	ssyncadd.s32 $0xFFFFC000  }
0xb6: {  	_ =	swait.ge @!p1 [sflag:s11], $0x200  }
0xb7: {  	[sflag:s11] =	ssyncset.done @!p1 $0x0  }
0xb8: {  	[sflag:s11] =	ssyncadd.s32 @!p1 $0xFFFFFE00  }
0xb9: {  	_ =	swait.ge @!p1 [sflag:s11], $0x200  }
0xba: {  	[sflag:s11] =	ssyncset.done @!p1 $0x0  }
0xbb: {  	s25 =	simm.s32 @!p1 $0x800;
	[sflag:s11] =	ssyncadd.s32 @!p1 $0xFFFFFE00;
	s11 =	simm.s32 @!p1 $0x80  }
0xbc: {  	[tilespmem:s25], [sflag:$0x3] =	stream.indirect.gather @!p1 [hbm4b:s4+s11], $0x80, s5, s11, $0xb8;
	[tilespmem:$0x1C800] =	vst v63  }
0xbd: {  	_ =	swait.ge [sflag:s12], $0x4000  }
0xbe: {  	s25 =	sadd.s32 $0xC, s7;
	[sflag:s12] =	ssyncset.done $0x0  }
0xbf: {  	p1 =	sge.u32 s25, s6;
	[sflag:s12] =	ssyncadd.s32 $0xFFFFC000  }
0xc0: {  	[spmem:s1] =	stream.indirect.scatter.add.f32 [tilespmem:s0], [sflag:$0x5], $0x80, s24, s30, $0xb8;
	[tilespmem:$0x1C800] =	vst v63  }
0xc1: {  	s5 =	sadd.s32 @!p1 s3, s9;
	_ =	swait.ge [sflag:s15], $0x4000  }
0xc2: {  	s11 =	simm.s32 @!p1 $0x0;
	s25 =	simm.s32 @!p1 $0x400;
	[sflag:s15] =	ssyncset.done $0x0  }
.Ltmp5:
0xc3: {  	s5 =	sadd.s32 @!p1 $0xC0, s5;
	[sflag:s15] =	ssyncadd.s32 $0xFFFFC000;
	(pc) =	sbr.rel .LBB2_4-.Ltmp5, $4  }
0xc4: {  	[tilespmem:s25], [sflag:$0x2] =	stream.linear.gather @!p1 [hbm4b:s5+s11], $0x200, $0x38;
	[tilespmem:$0x1C800] =	vst v63  }
0xc5: {  	s5 =	sadd.s32 @!p1 s3, s10  }
0xc6: {  	s25 =	simm.s32 @!p1 $0x600;
	s5 =	sadd.s32 @!p1 $0xC0, s5  }
0xc7: {  	[tilespmem:s25], [sflag:$0x2] =	stream.linear.gather @!p1 [hbm4b:s5+s11], $0x200, $0x38;
	[tilespmem:$0x1C800] =	vst v63  }
.LBB2_6:
0xc8: {  	_ =	sfence.sel $0x180000  }
0xc9: {  	[bflag:$0x0] =	sbarrier.arrive $0xFFFF  }
0xca: {  	_ =	strace $0x9000004A  }
0xcb: {  	s0 =	stileid.u32;
	[bflag:$0x2] =	sbarrier.arrive $0xFFFF  }
0xcc: {  	p0 =	sne.s32 s0, $0x0;
	s0 =	rddreg [dreg:$0x2]  }
0xcd: {  	s0 =	sadd.s32 @!p0 $0x100000, s0  }
0xce: {  	[sflag:s0] =	ssyncadd.tile.s32 @!p0 $0x1;
	_ =	shalt  }
.Lfunc_end2:
_tile_overlayer_lowered:
.L_overlay_start_2:
0xcf: {  	(tag) =	ssettag $0x2  }
0xd0: {  	s0 =	rddreg [dreg:$0x0];
	s2 =	stileid.u32  }
0xd1: {  	s1 =	rddreg [dreg:$0x1];
	p0 =	sne.s32 s2, $0x0  }
0xd2: {  	s3 =	rddreg [dreg:$0x2];
	[bflag:$0x3] =	sbarrier.arrive $0xFFFF;
	s2 =	simm.s32 @!p0 $0x1C05  }
0xd3: {  	[timem:s3], [sflag:s2] =	dma.local @!p0 [hbm:s0], s1  }
0xd4: {  	s0 =	simm.s32 @!p0 $0x5  }
0xd5: {  	_ =	swait.ge @!p0 [sflag:s0], s1  }
0xd6: {  	s1 =	ssub.s32 @!p0 $0x0, s1;
	[sflag:s0] =	ssyncset.done @!p0 $0x0  }
0xd7: {  	[sflag:s0] =	ssyncadd.s32 @!p0 s1  }
0xd8: {  	[bflag:$0x3] =	sbarrier.arrive $0xFFFF  }
0xd9: {  	_ =	shalt  }

// kernel: kernel.15.cloned.1.call-start
scs
__scs_entry_jumppad:
0x0: {  	(pc) =	sbr.rel $0x88, $3  }
0x1: {  	(tag) =	ssettag $0x0;
	lr =	simm.s32 $0x1  }
0x2: {  	[smem:$0x3F99] =	sst lr;
	_ =	strace $0xD0000000  }
0x3: {  	_ = 	snop  }
0x4: {  	_ = 	snop  }
0x5: {  	_ = 	snop  }
0x6: {  	_ = 	snop  }
0x7: {  	_ = 	snop  }
__scs_overlays_trampoline_lowered:
0x8: {  	[smem:$0x3FA8] =	sst s0  }
0x9: {  	[smem:$0x3FA9] =	sst s1  }
0xa: {  	[smem:$0x3FAA] =	sst s2  }
0xb: {  	[smem:$0x3FAB] =	sst s3  }
0xc: {  	[smem:$0x3FAC] =	sst s4  }
0xd: {  	[smem:$0x3FAD] =	sst s5  }
0xe: {  	[smem:$0x3FAE] =	sst s6  }
0xf: {  	[smem:$0x3FAF] =	sst s7  }
0x10: {  	[smem:$0x3FB0] =	sst s8  }
0x11: {  	[smem:$0x3FB1] =	sst s9;
	s0 =	simm.s32 @!p0 $0x0  }
0x12: {  	s1 =	sld [smem:$0x3F97];
	s0 =	simm.s32 @p0 $0x1  }
0x13: {  	[smem:$0x3FB2] =	sst s0;
	s0 =	simm.s32 @!p1 $0x0  }
0x14: {  	s2 =	sld [smem:$0x3F96];
	s0 =	simm.s32 @p1 $0x1  }
0x15: {  	[smem:$0x3FB3] =	sst s0;
	s0 =	simm.s32 @!p2 $0x0  }
0x16: {  	s3 =	sld [smem:$0x3FDB];
	s0 =	simm.s32 @p2 $0x1  }
0x17: {  	s4 =	simm.s32 $0x1BF5;
	[smem:$0x3FB5] =	sst s0  }
0x18: {  	s0 =	sld [smem:$0x3F98];
	_ =	swait.ge [sflag:s4], $0x0  }
0x19: {  	s7 =	sld [smem:$0x3F99]  }
0x1a: {  	s8 =	sadd.s32 $0xFFFFE003, lr  }
0x1b: {  	s9 =	sadd.s32 $0xFFFFFEF7, lr;
	s5 =	simm.s32 $0xFFFFFFFF;
	p2 =	slt.u32 s8, $0xFFFFF086  }
0x1c: {  	p1 =	slt.u32 s9, $0xF7A;
	s5 =	simm.s32 @!p2 $0x0  }
0x1d: {  	s5 =	simm.s32 @p1 $0x1;
	p0 =	seq.s32 s7, s2  }
0x1e: {  	s7 =	smul.u32 @!p0 $0xF7A, s2;
	p2 =	seq.s32 @!p0 s5, $0x0  }
0x1f: {  	s9 =	smul.u32 $0xF7A, s1;
	s8 =	simm.s32 @!p0 $0x1BF5;
	p2 =	por !p2, p0  }
0x20: {  	[sflag:s8] =	ssyncset.s32 @!p0 $0xFFFFF086;
	s6 =	sadd.s32 @!p0 s3, s7;
	s7 =	simm.s32 @!p0 $0x108  }
0x21: {  	s3 =	sadd.s32 s3, s9;
	s6 =	sadd.s32 @!p0 $0x88, s6;
	s7 =	simm.s32 @p2 $0x1082  }
0x22: {  	[simem:s7], [sflag:s8] =	dma.local @!p0 [hbm:s6], $0xF7A  }
0x23: {  	s9 =	sor.u32 $0xD0000000, s2;
	s6 =	simm.s32 $0x108;
	_ =	swait.ge @!p0 [sflag:s8], $0x0  }
0x24: {  	s3 =	sadd.s32 $0x88, s3;
	s6 =	simm.s32 @!p1 $0x1082;
	[sflag:s4] =	ssyncset.s32 $0xFFFFF086  }
0x25: {  	[simem:s6], [sflag:s4] =	dma.local [hbm:s3], $0xF7A  }
0x26: {  	[smem:$0x3F99] =	sst s1;
	(tag) =	ssettag s2;
	_ =	strace s9  }
0x27: {  	s1 =	sld [smem:$0x3FA9]  }
0x28: {  	s2 =	sld [smem:$0x3FAA]  }
0x29: {  	s4 =	sld [smem:$0x3FAC]  }
0x2a: {  	p0 =	seq.s32 s5, $0x0;
	s5 =	sld [smem:$0x3FAD]  }
0x2b: {  	s6 =	sld [smem:$0x3FAE]  }
0x2c: {  	s7 =	sld [smem:$0x3FAF]  }
0x2d: {  	s3 =	simm.s32 $0x108;
	s8 =	sld [smem:$0x3FB0]  }
0x2e: {  	s3 =	simm.s32 @!p0 $0x1082;
	s9 =	sld [smem:$0x3FB1]  }
0x2f: {  	lr =	sadd.s32 s0, s3;
	s0 =	sld [smem:$0x3FA8]  }
0x30: {  	s3 =	sld [smem:$0x3FAB]  }
0x31: {  	[smem:$0x3FB4] =	sst s10  }
0x32: {  	s10 =	sld [smem:$0x3FB2];
	_ =	sdelay $0x3  }
0x33: {  	p0 =	seq.s32 s10, $0x1;
	s10 =	sld [smem:$0x3FB4];
	_ =	sdelay $0x3  }
0x34: {  	[smem:$0x3FB4] =	sst s10  }
0x35: {  	s10 =	sld [smem:$0x3FB3];
	_ =	sdelay $0x3  }
0x36: {  	p1 =	seq.s32 s10, $0x1;
	s10 =	sld [smem:$0x3FB4];
	_ =	sdelay $0x3  }
0x37: {  	[smem:$0x3FB4] =	sst s10  }
0x38: {  	s10 =	sld [smem:$0x3FB5]  }
0x39: {  	_ = 	snop;
	(pc) =	sbr.ind lr, $3  }
0x3a: {  	_ = 	snop  }
0x3b: {  	_ = 	snop  }
0x3c: {  	p2 =	seq.s32 s10, $0x1;
	s10 =	sld [smem:$0x3FB4]  }
0x3d: {  	_ =	shalt  }
0x3e: {  	_ =	shalt  }
0x3f: {  	_ =	shalt  }
0x40: {  	_ =	shalt  }
0x41: {  	_ =	shalt  }
0x42: {  	_ =	shalt  }
0x43: {  	_ =	shalt  }
0x44: {  	_ =	shalt  }
0x45: {  	_ =	shalt  }
0x46: {  	_ =	shalt  }
0x47: {  	_ =	shalt  }
0x48: {  	_ =	shalt  }
0x49: {  	_ =	shalt  }
0x4a: {  	_ =	shalt  }
0x4b: {  	_ =	shalt  }
0x4c: {  	_ =	shalt  }
0x4d: {  	_ =	shalt  }
0x4e: {  	_ =	shalt  }
0x4f: {  	_ =	shalt  }
0x50: {  	_ =	shalt  }
0x51: {  	_ =	shalt  }
0x52: {  	_ =	shalt  }
0x53: {  	_ =	shalt  }
0x54: {  	_ =	shalt  }
0x55: {  	_ =	shalt  }
0x56: {  	_ =	shalt  }
0x57: {  	_ =	shalt  }
0x58: {  	_ =	shalt  }
0x59: {  	_ =	shalt  }
0x5a: {  	_ =	shalt  }
0x5b: {  	_ =	shalt  }
0x5c: {  	_ =	shalt  }
0x5d: {  	_ =	shalt  }
0x5e: {  	_ =	shalt  }
0x5f: {  	_ =	shalt  }
0x60: {  	_ =	shalt  }
0x61: {  	_ =	shalt  }
0x62: {  	_ =	shalt  }
0x63: {  	_ =	shalt  }
0x64: {  	_ =	shalt  }
0x65: {  	_ =	shalt  }
0x66: {  	_ =	shalt  }
0x67: {  	_ =	shalt  }
0x68: {  	_ =	shalt  }
0x69: {  	_ =	shalt  }
0x6a: {  	_ =	shalt  }
0x6b: {  	_ =	shalt  }
0x6c: {  	_ =	shalt  }
0x6d: {  	_ =	shalt  }
0x6e: {  	_ =	shalt  }
0x6f: {  	_ =	shalt  }
0x70: {  	_ =	shalt  }
0x71: {  	_ =	shalt  }
0x72: {  	_ =	shalt  }
0x73: {  	_ =	shalt  }
0x74: {  	_ =	shalt  }
0x75: {  	_ =	shalt  }
0x76: {  	_ =	shalt  }
0x77: {  	_ =	shalt  }
0x78: {  	_ =	shalt  }
0x79: {  	_ =	shalt  }
0x7a: {  	_ =	shalt  }
0x7b: {  	_ =	shalt  }
0x7c: {  	_ =	shalt  }
0x7d: {  	_ =	shalt  }
0x7e: {  	_ =	shalt  }
0x7f: {  	_ =	shalt  }
0x80: {  	_ =	shalt  }
0x81: {  	_ =	shalt  }
0x82: {  	_ =	shalt  }
0x83: {  	_ =	shalt  }
0x84: {  	_ =	shalt  }
0x85: {  	_ =	shalt  }
0x86: {  	_ =	shalt  }
0x87: {  	_ =	shalt  }
.Lfunc_end0:
.L_simem_size_0:
called_computation.2_lowered:
.L_overlay_start_0:
0x88: {  	s2 =	sld [smem:$0x3FD9]  }
0x89: {  	s3 =	sld [smem:$0x3FFE];
	_ =	sdelay $0x1  }
0x8a: {  	s1 =	srdreg.scid  }
0x8b: {  	s0 =	sand.u32 $0x1, s1  }
0x8c: {  	s17 =	sshll.u32 s0, $0xA;
	s2 =	sadd.s32 s3, s2  }
0x8d: {  	s2 =	sadd.s32 s2, s17  }
0x8e: {  	[smem:$0x3FC0] =	sst s2  }
0x8f: {  	_ = 	snop  }
0x90: {  	s2 =	sld [smem:$0x3FD0];
	(tm) =	ssettm $0x1  }
0x91: {  	s18 =	sld [smem:$0x3FFB];
	_ =	sdelay $0x3  }
0x92: {  	_ =	strace s18  }
0x93: {  	s3 =	sld [smem:$0x3FFC];
	_ =	sdelay $0x3  }
0x94: {  	_ =	strace s3  }
0x95: {  	s3 =	sld [smem:$0x3FFD];
	_ =	sdelay $0x3  }
0x96: {  	_ =	strace s3  }
0x97: {  	_ =	strace $0x8FFFFFFF  }
0x98: {  	s19 =	sld [smem:$0x3FDB];
	_ =	sdelay $0x1  }
0x99: {  	s4 =	simm.s32 $_scs_section_size  }
0x9a: {  	s5 =	simm.s32 $_size__tile_overlayer_lowered;
	s6 =	simm.s32 $_tile_overlayer_lowered  }
0x9b: {  	s22 =	simm.s32 $0x1BFF;
	s21 =	sshll.u32 s6, $0x1;
	s3 =	sadd.s32 s4, s19  }
0x9c: {  	s7 =	simm.s32 $0x0;
	s20 =	sshll.u32 s5, $0x1;
	s5 =	sadd.s32 s21, s3  }
0x9d: {  	[timem:s7], [sflag:s22] =	dma.local [hbm:s5], s20  }
0x9e: {  	_ =	swait.ge [sflag:s22], s20  }
0x9f: {  	s4 =	ssub.s32 $0x0, s20;
	[sflag:s22] =	ssyncset.done $0x0  }
0xa0: {  	[sflag:s22] =	ssyncadd.s32 s4;
	_ =	sdelay $0x1  }
0xa1: {  	s23 =	simm.s32 $0x1B8B  }
0xa2: {  	_ =	swait.ge [sflag:s23], $0x1  }
0xa3: {  	[sflag:s23] =	ssyncset.done $0x0  }
0xa4: {  	s25 =	simm.s32 $0x1B8E;
	s24 =	sld [smem:$0x3FFE];
	[sflag:s23] =	ssyncadd.s32 $0xFFFFFFFF  }
0xa5: {  	s26 =	simm.s32 $execute0_lowered;
	[smem:$0x3FD2] =	sst s25  }
0xa6: {  	s5 =	sshll.u32 s26, $0x1;
	_ =	strace $0x8000004C;
	[dreg:$0x1] =	wrdreg $0xFFFFFFFF  }
0xa7: {  	s28 =	simm.s32 $_size_execute0_lowered;
	s3 =	sadd.s32 s3, s5;
	[dreg:$0x0] =	wrdreg $0x0  }
0xa8: {  	s5 =	sshll.u32 s28, $0x1;
	[dreg:$0x2] =	wrdreg s3  }
0xa9: {  	[dreg:$0x3] =	wrdreg s5  }
0xaa: {  	[dreg:$0x4] =	wrdreg $0xC0  }
0xab: {  	_ =	task [dreg:s7], $0x5FFFF  }
0xac: {  	[dreg:$0x1] =	wrdreg $0xFFFFFFFF  }
0xad: {  	[dreg:$0x0] =	wrdreg $0x60  }
0xae: {  	[dreg:$0x2] =	wrdreg s24  }
0xaf: {  	[dreg:$0x3] =	wrdreg s2  }
0xb0: {  	[dreg:$0x4] =	wrdreg $0x48000  }
0xb1: {  	[dreg:$0x5] =	wrdreg $0x9  }
0xb2: {  	_ =	task.clear_ibuf [dreg:s7], $0x6FFFF;
	_ =	strace $0x9000004C  }
0xb3: {  	s29 =	simm.s32 $0x9;
	_ =	strace $0x8000004E  }
0xb4: {  	_ =	swait.ge [sflag:s29], $0x1  }
0xb5: {  	[sflag:s29] =	ssyncadd.s32 $0xFFFFFFFF  }
0xb6: {  	_ =	strace $0x9000004E  }
0xb7: {  	_ =	sfence  }
0xb8: {  	s30 =	sld [smem:$0x0];
	_ =	sdelay $0x2  }
0xb9: {  	s31 =	sshll.u32 s1, $0xD;
	s1 =	sshrl.u32 s1, $0x2  }
0xba: {  	s3 =	sand.u32 $0x4000, s31;
	s1 =	sadd.s32 s1, s30  }
0xbb: {  	s0 =	sor.u32 s3, s0;
	s1 =	sshll.u32 s1, $0x11  }
0xbc: {  	s0 =	sor.u32 s1, s0  }
0xbd: {  	s0 =	sadd.s32 $0x8F2B, s0  }
0xbe: {  	[sflag:s0] =	ssyncadd.remote.s32 $0x1  }
0xbf: {  	_ =	sfence.sel $0xFFFF  }
0xc0: {  	[dreg:$0x0] =	wrdreg $0xFFFFFFFF;
	(pc) =	sbr.abs _section_cstart, $3  }
0xc1: {  	[dreg:$0x1] =	wrdreg $0xFFFFFFFF  }
0xc2: {  	_ =	task.clear_ibuf [dreg:s7], $0x2FFFF;
	_ =	strace $0x9FFFFFFF  }
0xc3: {  	(tm) =	ssettm $0x7FFFFFFF  }
tec
execute0_lowered:
.L_overlay_start_1:
0x0: {  	(tag) =	ssettag $0x1  }
0x1: {  	s0 =	rddreg [dreg:$0x0]  }
0x2: {  	s2 =	rddreg [dreg:$0x1]  }
0x3: {  	s1 =	rddreg [dreg:$0x2]  }
0x4: {  	s3 =	srdreg.scid;
	s4 =	simm.s32 $0x0;
	s23 =	stileid.u32  }
0x5: {  	s28 =	simm.s32 $0x400;
	s29 =	simm.s32 $0x600;
	s30 =	simm.s32 $0x80  }
0x6: {  	s31 =	simm.s32 $0x800;
	s3 =	sand.u32 $0x1, s3;
	s7 =	smul.u32 $0xFA00, s23  }
0x7: {  	[smem:$0x7FF] =	sst s4;
	s4 =	sadd.s32 $0x2200, s0;
	s10 =	smul.u32 $0x98, s23  }
0x8: {  	s11 =	sadd.s32 $0x16200, s0;
	s20 =	sadd.s32 $0x15C00, s0;
	s21 =	smul.u32 $0x28000, s23  }
0x9: {  	s12 =	sshll.u32 s23, $0x3;
	s24 =	sshll.u32 s23, $0x6;
	s5 =	smul.u32 $0x9C400, s3  }
0xa: {  	_ =	strace $0x8000004D;
	[dreg:$0x4] =	wrdreg s20;
	s8 =	ssub.s32 $0x2, s3  }
0xb: {  	p0 =	seq.s32 s3, $0x0;
	s3 =	sor.u32 $0x980, s12;
	s12 =	simm.s32 $0x4  }
0xc: {  	s9 =	sshrl.u32 s8, $0x1;
	s3 =	smov.u32 @p0 s10;
	s22 =	sshrl.u32 s21, $0x2  }
0xd: {  	s6 =	sadd.s32 s7, s5;
	s13 =	ssub.s32 s8, s9;
	s25 =	sadd.s32 s22, s1  }
0xe: {  	s8 =	sor.u32 $0x1C05, s24;
	s3 =	sshll.u32 s3, $0x4;
	s6 =	sshrl.u32 s6, $0x3  }
0xf: {  	s26 =	sadd.s32 $0x1000, s25;
	s14 =	sadd.s32 $0x2000, s25;
	s16 =	sadd.s32 $0x3000, s25  }
0x10: {  	s17 =	sadd.s32 $0x4000, s25;
	s18 =	sadd.s32 $0x5000, s25;
	s19 =	sadd.s32 $0x6000, s25  }
0x11: {  	s20 =	sadd.s32 $0x7000, s25;
	s21 =	sadd.s32 $0x8000, s25;
	s15 =	sor.u32 $0x40, s3  }
0x12: {  	[dreg:$0x5] =	wrdreg s25;
	s22 =	sadd.s32 $0x9000, s25;
	s5 =	sadd.s32 s11, s15  }
0x13: {  	s10 =	sadd.s32 s2, s3;
	s2 =	sadd.s32 s2, s15;
	[dreg:$0x6] =	wrdreg s5  }
0x14: {  	s9 =	sadd.s32 s11, s3;
	s11 =	smax.u32 s13, $0x1;
	[dreg:$0x7] =	wrdreg s2  }
0x15: {  	s0 =	sadd.s32 s6, s0;
	s13 =	sshrl.u32 s26, $0x3;
	[dreg:$0x9] =	wrdreg s11  }
0x16: {  	s6 =	simm.s32 $0x98;
	s14 =	sshrl.u32 s14, $0x3;
	[dreg:$0xa] =	wrdreg s13  }
0x17: {  	s15 =	simm.s32 $0x5;
	s16 =	sshrl.u32 s16, $0x3;
	[dreg:$0xb] =	wrdreg s14  }
0x18: {  	s17 =	sshrl.u32 s17, $0x3;
	s18 =	sshrl.u32 s18, $0x3;
	[dreg:$0xc] =	wrdreg s16  }
0x19: {  	s19 =	sshrl.u32 s19, $0x3;
	s24 =	sshrl.u32 s20, $0x3;
	[dreg:$0xd] =	wrdreg s17  }
0x1a: {  	s25 =	sshrl.u32 s21, $0x3;
	s26 =	sshrl.u32 s22, $0x3;
	[dreg:$0xe] =	wrdreg s18  }
0x1b: {  	s20 =	simm.s32 $0x500;
	s21 =	simm.s32 $0x680;
	[dreg:$0xf] =	wrdreg s19  }
0x1c: {  	s22 =	simm.s32 $0x580;
	s6 =	simm.s32 @!p0 $0x8;
	[dreg:$0x10] =	wrdreg s24  }
0x1d: {  	s0 =	sadd.s32 $0x20200, s0;
	p0 =	sgt.u32 s23, $0x9;
	[dreg:$0x11] =	wrdreg s25  }
0x1e: {  	[dreg:$0x12] =	wrdreg s26;
	s26 =	simm.s32 $0x200;
	s2 =	simm.s32 $0x3  }
.Ltmp0:
0x1f: {  	s13 =	simm.s32 $0x280;
	s14 =	simm.s32 $0x180;
	(pc) =	sbr.rel .LBB2_1-.Ltmp0, $4  }
0x20: {  	s16 =	simm.s32 $0x300;
	s17 =	simm.s32 $0x2;
	s18 =	simm.s32 $0x380  }
0x21: {  	s19 =	simm.s32 $0x480;
	[dreg:$0x8] =	wrdreg s0;
	s0 =	sadd.s32 s7, s1  }
0x22: {  	s23 =	simm.s32 $0x700;
	s24 =	simm.s32 $0x780;
	s0 =	sshrl.u32 @!p0 s0, $0x3  }
0x23: {  	s7 =	simm.s32 $0x0;
	[dreg:$0x13] =	wrdreg s0;
	s0 =	simm.s32 $0x2800  }
.LBB2_5:
0x24: {  	[bflag:$0x0] =	sbarrier.arrive $0xFFFF  }
0x25: {  	s3 =	rddreg [dreg:$0x8]  }
0x26: {  	s5 =	rddreg [dreg:$0x13]  }
0x27: {  	[hbm:s3], [sflag:s8] =	dma.local @!p0 [spmem:s5], $0x1F40  }
0x28: {  	s3 =	simm.s32 @!p0 $0x5  }
0x29: {  	_ =	swait.ge @!p0 [sflag:s3], $0x1F40  }
0x2a: {  	s7 =	rddreg [dreg:$0x14]  }
0x2b: {  	s25 =	rddreg [dreg:$0x9];
	s7 =	sadd.s32 $0x1, s7  }
0x2c: {  	p1 =	sne.s32 s7, s25  }
.Ltmp1:
0x2d: {  	_ = 	snop;
	(pc) =	sbr.rel @!p1 .LBB2_6-.Ltmp1, $3  }
0x2e: {  	_ =	sdelay $0x1  }
0x2f: {  	[sflag:s3] =	ssyncset.done @!p0 $0x0  }
0x30: {  	[sflag:s3] =	ssyncadd.s32 @!p0 $0xFFFFE0C0  }
.LBB2_1:
0x31: {  	[dreg:$0x14] =	wrdreg s7  }
0x32: {  	s3 =	rddreg [dreg:$0x5]  }
0x33: {  	s5 =	rddreg [dreg:$0x4];
	s3 =	sshrl.u32 s3, $0x3  }
0x34: {  	[spmem:s3], [sflag:s8] =	dma.local [hbm:s5], $0x200  }
0x35: {  	_ =	swait.ge [sflag:s15], $0x200  }
0x36: {  	[sflag:s15] =	ssyncset.done $0x0  }
0x37: {  	s7 =	rddreg [dreg:$0xa];
	[sflag:s15] =	ssyncadd.s32 $0xFFFFFE00  }
0x38: {  	[spmem:s7], [sflag:s8] =	dma.local [hbm:s5], $0x200  }
0x39: {  	_ =	swait.ge [sflag:s15], $0x200  }
0x3a: {  	[sflag:s15] =	ssyncset.done $0x0  }
0x3b: {  	s11 =	rddreg [dreg:$0xb];
	[sflag:s15] =	ssyncadd.s32 $0xFFFFFE00  }
0x3c: {  	[spmem:s11], [sflag:s8] =	dma.local [hbm:s5], $0x200  }
0x3d: {  	_ =	swait.ge [sflag:s15], $0x200  }
0x3e: {  	[sflag:s15] =	ssyncset.done $0x0  }
0x3f: {  	s25 =	rddreg [dreg:$0xc];
	[sflag:s15] =	ssyncadd.s32 $0xFFFFFE00  }
0x40: {  	[spmem:s25], [sflag:s8] =	dma.local [hbm:s5], $0x200  }
0x41: {  	_ =	swait.ge [sflag:s15], $0x200  }
0x42: {  	[sflag:s15] =	ssyncset.done $0x0  }
0x43: {  	s7 =	rddreg [dreg:$0xd];
	[sflag:s15] =	ssyncadd.s32 $0xFFFFFE00  }
0x44: {  	[spmem:s7], [sflag:s8] =	dma.local [hbm:s5], $0x200  }
0x45: {  	_ =	swait.ge [sflag:s15], $0x200  }
0x46: {  	[sflag:s15] =	ssyncset.done $0x0  }
0x47: {  	s11 =	rddreg [dreg:$0xe];
	[sflag:s15] =	ssyncadd.s32 $0xFFFFFE00  }
0x48: {  	[spmem:s11], [sflag:s8] =	dma.local [hbm:s5], $0x200  }
0x49: {  	_ =	swait.ge [sflag:s15], $0x200  }
0x4a: {  	[sflag:s15] =	ssyncset.done $0x0  }
0x4b: {  	s25 =	rddreg [dreg:$0xf];
	[sflag:s15] =	ssyncadd.s32 $0xFFFFFE00  }
0x4c: {  	[spmem:s25], [sflag:s8] =	dma.local [hbm:s5], $0x200  }
0x4d: {  	_ =	swait.ge [sflag:s15], $0x200  }
0x4e: {  	[sflag:s15] =	ssyncset.done $0x0  }
0x4f: {  	s7 =	rddreg [dreg:$0x10];
	[sflag:s15] =	ssyncadd.s32 $0xFFFFFE00  }
0x50: {  	[spmem:s7], [sflag:s8] =	dma.local [hbm:s5], $0x200  }
0x51: {  	_ =	swait.ge [sflag:s15], $0x200  }
0x52: {  	[sflag:s15] =	ssyncset.done $0x0  }
0x53: {  	s11 =	rddreg [dreg:$0x11];
	[sflag:s15] =	ssyncadd.s32 $0xFFFFFE00  }
0x54: {  	[spmem:s11], [sflag:s8] =	dma.local [hbm:s5], $0x200  }
0x55: {  	_ =	swait.ge [sflag:s15], $0x200  }
0x56: {  	[sflag:s15] =	ssyncset.done $0x0  }
0x57: {  	s25 =	rddreg [dreg:$0x12];
	[sflag:s15] =	ssyncadd.s32 $0xFFFFFE00  }
0x58: {  	[spmem:s25], [sflag:s8] =	dma.local [hbm:s5], $0x200  }
0x59: {  	_ =	swait.ge [sflag:s15], $0x200  }
0x5a: {  	[sflag:s15] =	ssyncset.done $0x0  }
0x5b: {  	[sflag:s15] =	ssyncadd.s32 $0xFFFFFE00  }
0x5c: {  	s7 =	simm.s32 $0x0;
	[bflag:$0x0] =	sbarrier.arrive $0xFFFF  }
0x5d: {  	[tilespmem:s7], [sflag:$0x5] =	stream.linear.gather [hbm4b:s9+s7], $0x200, $0x38;
	[tilespmem:$0xE800] =	vst v63  }
0x5e: {  	_ =	swait.ge [sflag:s15], $0x200  }
0x5f: {  	[sflag:s15] =	ssyncset.done $0x0  }
0x60: {  	[sflag:s15] =	ssyncadd.s32 $0xFFFFFE00  }
0x61: {  	[tilespmem:s26], [sflag:$0x5] =	stream.linear.gather [hbm4b:s10+s7], $0x200, $0x38;
	[tilespmem:$0xE800] =	vst v63  }
0x62: {  	_ =	swait.ge [sflag:s15], $0x200  }
0x63: {  	[sflag:s15] =	ssyncset.done $0x0  }
0x64: {  	s11 =	rddreg [dreg:$0x6];
	[sflag:s15] =	ssyncadd.s32 $0xFFFFFE00  }
0x65: {  	[tilespmem:s28], [sflag:$0x2] =	stream.linear.gather [hbm4b:s11+s7], $0x200, $0x38;
	[tilespmem:$0xE800] =	vst v63  }
.Ltmp2:
0x66: {  	s25 =	rddreg [dreg:$0x7];
	(pc) =	sbr.rel .LBB2_2-.Ltmp2, $4  }
0x67: {  	[tilespmem:s29], [sflag:$0x2] =	stream.linear.gather [hbm4b:s25+s7], $0x200, $0x38;
	[tilespmem:$0xE800] =	vst v63  }
0x68: {  	_ = 	snop  }
0x69: {  	[tilespmem:s31], [sflag:$0x3] =	stream.indirect.gather [hbm4b:s4+s30], $0x40, s7, s30, $0xb8;
	[tilespmem:$0xE800] =	vst v63  }
0x6a: {  	s3 =	simm.s32 $0x0;
	s7 =	simm.s32 $0x0  }
.LBB2_4:
0x6b: {  	s3 =	sadd.s32 $0x80, s3  }
0x6c: {  	p1 =	sne.s32 s3, $0x980  }
.Ltmp3:
0x6d: {  	_ = 	snop;
	(pc) =	sbr.rel @!p1 .LBB2_5-.Ltmp3, $2  }
0x6e: {  	_ =	sdelay $0x2  }
0x6f: {  	s7 =	sadd.s32 $0x8, s7  }
.LBB2_2:
0x70: {  	p1 =	sge.u32 s7, s6  }
.Ltmp4:
0x71: {  	_ = 	snop;
	(pc) =	sbr.rel @p1 .LBB2_4-.Ltmp4, $1  }
0x72: {  	_ =	sdelay $0x3  }
0x73: {  	[tilespmem:s0], [sflag:$0x4] =	stream.indirect.gather [hbm4b:s4+s30], $0x40, s30, s30, $0xb8;
	[tilespmem:$0xE800] =	vst v63  }
0x74: {  	_ =	swait.ge [sflag:s2], $0x2000  }
0x75: {  	[sflag:s2] =	ssyncset.done $0x0  }
0x76: {  	[sflag:s2] =	ssyncadd.s32 $0xFFFFE000  }
0x77: {  	[spmem:s1] =	stream.indirect.scatter.add.f32 [tilespmem:s31], [sflag:$0x5], $0x40, s26, s30, $0xb8;
	[tilespmem:$0xE800] =	vst v63  }
0x78: {  	_ =	swait.ge [sflag:s15], $0x2000  }
0x79: {  	[sflag:s15] =	ssyncset.done $0x0  }
0x7a: {  	s5 =	simm.s32 $0x100;
	[sflag:s15] =	ssyncadd.s32 $0xFFFFE000  }
0x7b: {  	[tilespmem:s31], [sflag:$0x3] =	stream.indirect.gather [hbm4b:s4+s30], $0x40, s5, s30, $0xb8;
	[tilespmem:$0xE800] =	vst v63  }
0x7c: {  	_ =	swait.ge [sflag:s12], $0x2000  }
0x7d: {  	[sflag:s12] =	ssyncset.done $0x0  }
0x7e: {  	[sflag:s12] =	ssyncadd.s32 $0xFFFFE000  }
0x7f: {  	[spmem:s1] =	stream.indirect.scatter.add.f32 [tilespmem:s0], [sflag:$0x5], $0x40, s13, s30, $0xb8;
	[tilespmem:$0xE800] =	vst v63  }
0x80: {  	_ =	swait.ge [sflag:s15], $0x2000  }
0x81: {  	[sflag:s15] =	ssyncset.done $0x0  }
0x82: {  	[sflag:s15] =	ssyncadd.s32 $0xFFFFE000  }
0x83: {  	[tilespmem:s0], [sflag:$0x4] =	stream.indirect.gather [hbm4b:s4+s30], $0x40, s14, s30, $0xb8;
	[tilespmem:$0xE800] =	vst v63  }
0x84: {  	_ =	swait.ge [sflag:s2], $0x2000  }
0x85: {  	[sflag:s2] =	ssyncset.done $0x0  }
0x86: {  	[sflag:s2] =	ssyncadd.s32 $0xFFFFE000  }
0x87: {  	[spmem:s1] =	stream.indirect.scatter.add.f32 [tilespmem:s31], [sflag:$0x5], $0x40, s16, s30, $0xb8;
	[tilespmem:$0xE800] =	vst v63  }
0x88: {  	_ =	swait.ge [sflag:s15], $0x2000  }
0x89: {  	[sflag:s15] =	ssyncset.done $0x0  }
0x8a: {  	[sflag:s15] =	ssyncadd.s32 $0xFFFFE000  }
0x8b: {  	_ =	swait.ge [sflag:s17], $0x200  }
0x8c: {  	[sflag:s17] =	ssyncset.done $0x0  }
0x8d: {  	[sflag:s17] =	ssyncadd.s32 $0xFFFFFE00  }
0x8e: {  	_ =	swait.ge [sflag:s17], $0x200  }
0x8f: {  	[sflag:s17] =	ssyncset.done $0x0  }
0x90: {  	[sflag:s17] =	ssyncadd.s32 $0xFFFFFE00  }
0x91: {  	[tilespmem:s31], [sflag:$0x3] =	stream.indirect.gather [hbm4b:s4+s30], $0x40, s28, s30, $0xb8;
	[tilespmem:$0xE800] =	vst v63  }
0x92: {  	_ =	swait.ge [sflag:s12], $0x2000  }
0x93: {  	[sflag:s12] =	ssyncset.done $0x0  }
0x94: {  	s25 =	sadd.s32 $0x8, s7;
	[sflag:s12] =	ssyncadd.s32 $0xFFFFE000  }
0x95: {  	[spmem:s1] =	stream.indirect.scatter.add.f32 [tilespmem:s0], [sflag:$0x5], $0x40, s18, s30, $0xb8;
	[tilespmem:$0xE800] =	vst v63  }
0x96: {  	p1 =	sge.u32 s25, s6;
	_ =	swait.ge [sflag:s15], $0x2000  }
0x97: {  	s25 =	sadd.s32 @!p1 s3, s9;
	[sflag:s15] =	ssyncset.done $0x0  }
0x98: {  	s25 =	sadd.s32 @!p1 $0x80, s25;
	s5 =	simm.s32 @!p1 $0x0;
	[sflag:s15] =	ssyncadd.s32 $0xFFFFE000  }
0x99: {  	[tilespmem:s5], [sflag:$0x1] =	stream.linear.gather @!p1 [hbm4b:s25+s5], $0x200, $0x38;
	[tilespmem:$0xE800] =	vst v63  }
0x9a: {  	s25 =	sadd.s32 @!p1 s3, s10  }
0x9b: {  	s11 =	simm.s32 @!p1 $0x200;
	s25 =	sadd.s32 @!p1 $0x80, s25  }
0x9c: {  	[tilespmem:s11], [sflag:$0x1] =	stream.linear.gather @!p1 [hbm4b:s25+s5], $0x200, $0x38;
	[tilespmem:$0xE800] =	vst v63  }
0x9d: {  	_ = 	snop  }
0x9e: {  	[tilespmem:s0], [sflag:$0x4] =	stream.indirect.gather [hbm4b:s4+s30], $0x40, s19, s30, $0xb8;
	[tilespmem:$0xE800] =	vst v63  }
0x9f: {  	_ =	swait.ge [sflag:s2], $0x2000  }
0xa0: {  	[sflag:s2] =	ssyncset.done $0x0  }
0xa1: {  	[sflag:s2] =	ssyncadd.s32 $0xFFFFE000  }
0xa2: {  	[spmem:s1] =	stream.indirect.scatter.add.f32 [tilespmem:s31], [sflag:$0x5], $0x40, s29, s30, $0xb8;
	[tilespmem:$0xE800] =	vst v63  }
0xa3: {  	_ =	swait.ge [sflag:s15], $0x2000  }
0xa4: {  	[sflag:s15] =	ssyncset.done $0x0  }
0xa5: {  	[sflag:s15] =	ssyncadd.s32 $0xFFFFE000  }
0xa6: {  	[tilespmem:s31], [sflag:$0x3] =	stream.indirect.gather [hbm4b:s4+s30], $0x40, s20, s30, $0xb8;
	[tilespmem:$0xE800] =	vst v63  }
0xa7: {  	_ =	swait.ge [sflag:s12], $0x2000  }
0xa8: {  	[sflag:s12] =	ssyncset.done $0x0  }
0xa9: {  	[sflag:s12] =	ssyncadd.s32 $0xFFFFE000  }
0xaa: {  	[spmem:s1] =	stream.indirect.scatter.add.f32 [tilespmem:s0], [sflag:$0x5], $0x40, s21, s30, $0xb8;
	[tilespmem:$0xE800] =	vst v63  }
0xab: {  	_ =	swait.ge [sflag:s15], $0x2000  }
0xac: {  	[sflag:s15] =	ssyncset.done $0x0  }
0xad: {  	[sflag:s15] =	ssyncadd.s32 $0xFFFFE000  }
0xae: {  	[tilespmem:s0], [sflag:$0x4] =	stream.indirect.gather [hbm4b:s4+s30], $0x40, s22, s30, $0xb8;
	[tilespmem:$0xE800] =	vst v63  }
0xaf: {  	_ =	swait.ge [sflag:s2], $0x2000  }
0xb0: {  	[sflag:s2] =	ssyncset.done $0x0  }
0xb1: {  	[sflag:s2] =	ssyncadd.s32 $0xFFFFE000  }
0xb2: {  	[spmem:s1] =	stream.indirect.scatter.add.f32 [tilespmem:s31], [sflag:$0x5], $0x40, s23, s30, $0xb8;
	[tilespmem:$0xE800] =	vst v63  }
0xb3: {  	_ =	swait.ge [sflag:s15], $0x2000  }
0xb4: {  	[sflag:s15] =	ssyncset.done $0x0  }
0xb5: {  	s11 =	simm.s32 @!p1 $0x1;
	[sflag:s15] =	ssyncadd.s32 $0xFFFFE000  }
0xb6: {  	_ =	swait.ge @!p1 [sflag:s11], $0x200  }
0xb7: {  	[sflag:s11] =	ssyncset.done @!p1 $0x0  }
0xb8: {  	[sflag:s11] =	ssyncadd.s32 @!p1 $0xFFFFFE00  }
0xb9: {  	_ =	swait.ge @!p1 [sflag:s11], $0x200  }
0xba: {  	[sflag:s11] =	ssyncset.done @!p1 $0x0  }
0xbb: {  	s25 =	simm.s32 @!p1 $0x800;
	[sflag:s11] =	ssyncadd.s32 @!p1 $0xFFFFFE00;
	s11 =	simm.s32 @!p1 $0x80  }
0xbc: {  	[tilespmem:s25], [sflag:$0x3] =	stream.indirect.gather @!p1 [hbm4b:s4+s11], $0x40, s5, s11, $0xb8;
	[tilespmem:$0xE800] =	vst v63  }
0xbd: {  	_ =	swait.ge [sflag:s12], $0x2000  }
0xbe: {  	s25 =	sadd.s32 $0xC, s7;
	[sflag:s12] =	ssyncset.done $0x0  }
0xbf: {  	p1 =	sge.u32 s25, s6;
	[sflag:s12] =	ssyncadd.s32 $0xFFFFE000  }
0xc0: {  	[spmem:s1] =	stream.indirect.scatter.add.f32 [tilespmem:s0], [sflag:$0x5], $0x40, s24, s30, $0xb8;
	[tilespmem:$0xE800] =	vst v63  }
0xc1: {  	s5 =	sadd.s32 @!p1 s3, s9;
	_ =	swait.ge [sflag:s15], $0x2000  }
0xc2: {  	s11 =	simm.s32 @!p1 $0x0;
	s25 =	simm.s32 @!p1 $0x400;
	[sflag:s15] =	ssyncset.done $0x0  }
.Ltmp5:
0xc3: {  	s5 =	sadd.s32 @!p1 $0xC0, s5;
	[sflag:s15] =	ssyncadd.s32 $0xFFFFE000;
	(pc) =	sbr.rel .LBB2_4-.Ltmp5, $4  }
0xc4: {  	[tilespmem:s25], [sflag:$0x2] =	stream.linear.gather @!p1 [hbm4b:s5+s11], $0x200, $0x38;
	[tilespmem:$0xE800] =	vst v63  }
0xc5: {  	s5 =	sadd.s32 @!p1 s3, s10  }
0xc6: {  	s25 =	simm.s32 @!p1 $0x600;
	s5 =	sadd.s32 @!p1 $0xC0, s5  }
0xc7: {  	[tilespmem:s25], [sflag:$0x2] =	stream.linear.gather @!p1 [hbm4b:s5+s11], $0x200, $0x38;
	[tilespmem:$0xE800] =	vst v63  }
.LBB2_6:
0xc8: {  	_ =	sfence.sel $0x180000  }
0xc9: {  	[bflag:$0x0] =	sbarrier.arrive $0xFFFF  }
0xca: {  	_ =	strace $0x9000004D  }
0xcb: {  	s0 =	stileid.u32;
	[bflag:$0x2] =	sbarrier.arrive $0xFFFF  }
0xcc: {  	p0 =	sne.s32 s0, $0x0;
	s0 =	rddreg [dreg:$0x3]  }
0xcd: {  	s0 =	sadd.s32 @!p0 $0x100000, s0  }
0xce: {  	[sflag:s0] =	ssyncadd.tile.s32 @!p0 $0x1;
	_ =	shalt  }
.Lfunc_end2:
_tile_overlayer_lowered:
.L_overlay_start_2:
0xcf: {  	(tag) =	ssettag $0x2  }
0xd0: {  	s0 =	rddreg [dreg:$0x0];
	s2 =	stileid.u32  }
0xd1: {  	s1 =	rddreg [dreg:$0x1];
	p0 =	sne.s32 s2, $0x0  }
0xd2: {  	s3 =	rddreg [dreg:$0x2];
	[bflag:$0x3] =	sbarrier.arrive $0xFFFF;
	s2 =	simm.s32 @!p0 $0x1C05  }
0xd3: {  	[timem:s3], [sflag:s2] =	dma.local @!p0 [hbm:s0], s1  }
0xd4: {  	s0 =	simm.s32 @!p0 $0x5  }
0xd5: {  	_ =	swait.ge @!p0 [sflag:s0], s1  }
0xd6: {  	s1 =	ssub.s32 @!p0 $0x0, s1;
	[sflag:s0] =	ssyncset.done @!p0 $0x0  }
0xd7: {  	[sflag:s0] =	ssyncadd.s32 @!p0 s1  }
0xd8: {  	[bflag:$0x3] =	sbarrier.arrive $0xFFFF  }
0xd9: {  	_ =	shalt  }

// kernel: kernel.9.cloned.1.call-start
scs
__scs_entry_jumppad:
0x0: {  	(pc) =	sbr.rel $0x88, $3  }
0x1: {  	(tag) =	ssettag $0x0;
	lr =	simm.s32 $0x1  }
0x2: {  	[smem:$0x3F99] =	sst lr;
	_ =	strace $0xD0000000  }
0x3: {  	_ = 	snop  }
0x4: {  	_ = 	snop  }
0x5: {  	_ = 	snop  }
0x6: {  	_ = 	snop  }
0x7: {  	_ = 	snop  }
__scs_overlays_trampoline_lowered:
0x8: {  	[smem:$0x3FA8] =	sst s0  }
0x9: {  	[smem:$0x3FA9] =	sst s1  }
0xa: {  	[smem:$0x3FAA] =	sst s2  }
0xb: {  	[smem:$0x3FAB] =	sst s3  }
0xc: {  	[smem:$0x3FAC] =	sst s4  }
0xd: {  	[smem:$0x3FAD] =	sst s5  }
0xe: {  	[smem:$0x3FAE] =	sst s6  }
0xf: {  	[smem:$0x3FAF] =	sst s7  }
0x10: {  	[smem:$0x3FB0] =	sst s8  }
0x11: {  	[smem:$0x3FB1] =	sst s9;
	s0 =	simm.s32 @!p0 $0x0  }
0x12: {  	s1 =	sld [smem:$0x3F97];
	s0 =	simm.s32 @p0 $0x1  }
0x13: {  	[smem:$0x3FB2] =	sst s0;
	s0 =	simm.s32 @!p1 $0x0  }
0x14: {  	s2 =	sld [smem:$0x3F96];
	s0 =	simm.s32 @p1 $0x1  }
0x15: {  	[smem:$0x3FB3] =	sst s0;
	s0 =	simm.s32 @!p2 $0x0  }
0x16: {  	s3 =	sld [smem:$0x3FDB];
	s0 =	simm.s32 @p2 $0x1  }
0x17: {  	s4 =	simm.s32 $0x1BF5;
	[smem:$0x3FB5] =	sst s0  }
0x18: {  	s0 =	sld [smem:$0x3F98];
	_ =	swait.ge [sflag:s4], $0x0  }
0x19: {  	s7 =	sld [smem:$0x3F99]  }
0x1a: {  	s8 =	sadd.s32 $0xFFFFE003, lr  }
0x1b: {  	s9 =	sadd.s32 $0xFFFFFEF7, lr;
	s5 =	simm.s32 $0xFFFFFFFF;
	p2 =	slt.u32 s8, $0xFFFFF086  }
0x1c: {  	p1 =	slt.u32 s9, $0xF7A;
	s5 =	simm.s32 @!p2 $0x0  }
0x1d: {  	s5 =	simm.s32 @p1 $0x1;
	p0 =	seq.s32 s7, s2  }
0x1e: {  	s7 =	smul.u32 @!p0 $0xF7A, s2;
	p2 =	seq.s32 @!p0 s5, $0x0  }
0x1f: {  	s9 =	smul.u32 $0xF7A, s1;
	s8 =	simm.s32 @!p0 $0x1BF5;
	p2 =	por !p2, p0  }
0x20: {  	[sflag:s8] =	ssyncset.s32 @!p0 $0xFFFFF086;
	s6 =	sadd.s32 @!p0 s3, s7;
	s7 =	simm.s32 @!p0 $0x108  }
0x21: {  	s3 =	sadd.s32 s3, s9;
	s6 =	sadd.s32 @!p0 $0x88, s6;
	s7 =	simm.s32 @p2 $0x1082  }
0x22: {  	[simem:s7], [sflag:s8] =	dma.local @!p0 [hbm:s6], $0xF7A  }
0x23: {  	s9 =	sor.u32 $0xD0000000, s2;
	s6 =	simm.s32 $0x108;
	_ =	swait.ge @!p0 [sflag:s8], $0x0  }
0x24: {  	s3 =	sadd.s32 $0x88, s3;
	s6 =	simm.s32 @!p1 $0x1082;
	[sflag:s4] =	ssyncset.s32 $0xFFFFF086  }
0x25: {  	[simem:s6], [sflag:s4] =	dma.local [hbm:s3], $0xF7A  }
0x26: {  	[smem:$0x3F99] =	sst s1;
	(tag) =	ssettag s2;
	_ =	strace s9  }
0x27: {  	s1 =	sld [smem:$0x3FA9]  }
0x28: {  	s2 =	sld [smem:$0x3FAA]  }
0x29: {  	s4 =	sld [smem:$0x3FAC]  }
0x2a: {  	p0 =	seq.s32 s5, $0x0;
	s5 =	sld [smem:$0x3FAD]  }
0x2b: {  	s6 =	sld [smem:$0x3FAE]  }
0x2c: {  	s7 =	sld [smem:$0x3FAF]  }
0x2d: {  	s3 =	simm.s32 $0x108;
	s8 =	sld [smem:$0x3FB0]  }
0x2e: {  	s3 =	simm.s32 @!p0 $0x1082;
	s9 =	sld [smem:$0x3FB1]  }
0x2f: {  	lr =	sadd.s32 s0, s3;
	s0 =	sld [smem:$0x3FA8]  }
0x30: {  	s3 =	sld [smem:$0x3FAB]  }
0x31: {  	[smem:$0x3FB4] =	sst s10  }
0x32: {  	s10 =	sld [smem:$0x3FB2];
	_ =	sdelay $0x3  }
0x33: {  	p0 =	seq.s32 s10, $0x1;
	s10 =	sld [smem:$0x3FB4];
	_ =	sdelay $0x3  }
0x34: {  	[smem:$0x3FB4] =	sst s10  }
0x35: {  	s10 =	sld [smem:$0x3FB3];
	_ =	sdelay $0x3  }
0x36: {  	p1 =	seq.s32 s10, $0x1;
	s10 =	sld [smem:$0x3FB4];
	_ =	sdelay $0x3  }
0x37: {  	[smem:$0x3FB4] =	sst s10  }
0x38: {  	s10 =	sld [smem:$0x3FB5]  }
0x39: {  	_ = 	snop;
	(pc) =	sbr.ind lr, $3  }
0x3a: {  	_ = 	snop  }
0x3b: {  	_ = 	snop  }
0x3c: {  	p2 =	seq.s32 s10, $0x1;
	s10 =	sld [smem:$0x3FB4]  }
0x3d: {  	_ =	shalt  }
0x3e: {  	_ =	shalt  }
0x3f: {  	_ =	shalt  }
0x40: {  	_ =	shalt  }
0x41: {  	_ =	shalt  }
0x42: {  	_ =	shalt  }
0x43: {  	_ =	shalt  }
0x44: {  	_ =	shalt  }
0x45: {  	_ =	shalt  }
0x46: {  	_ =	shalt  }
0x47: {  	_ =	shalt  }
0x48: {  	_ =	shalt  }
0x49: {  	_ =	shalt  }
0x4a: {  	_ =	shalt  }
0x4b: {  	_ =	shalt  }
0x4c: {  	_ =	shalt  }
0x4d: {  	_ =	shalt  }
0x4e: {  	_ =	shalt  }
0x4f: {  	_ =	shalt  }
0x50: {  	_ =	shalt  }
0x51: {  	_ =	shalt  }
0x52: {  	_ =	shalt  }
0x53: {  	_ =	shalt  }
0x54: {  	_ =	shalt  }
0x55: {  	_ =	shalt  }
0x56: {  	_ =	shalt  }
0x57: {  	_ =	shalt  }
0x58: {  	_ =	shalt  }
0x59: {  	_ =	shalt  }
0x5a: {  	_ =	shalt  }
0x5b: {  	_ =	shalt  }
0x5c: {  	_ =	shalt  }
0x5d: {  	_ =	shalt  }
0x5e: {  	_ =	shalt  }
0x5f: {  	_ =	shalt  }
0x60: {  	_ =	shalt  }
0x61: {  	_ =	shalt  }
0x62: {  	_ =	shalt  }
0x63: {  	_ =	shalt  }
0x64: {  	_ =	shalt  }
0x65: {  	_ =	shalt  }
0x66: {  	_ =	shalt  }
0x67: {  	_ =	shalt  }
0x68: {  	_ =	shalt  }
0x69: {  	_ =	shalt  }
0x6a: {  	_ =	shalt  }
0x6b: {  	_ =	shalt  }
0x6c: {  	_ =	shalt  }
0x6d: {  	_ =	shalt  }
0x6e: {  	_ =	shalt  }
0x6f: {  	_ =	shalt  }
0x70: {  	_ =	shalt  }
0x71: {  	_ =	shalt  }
0x72: {  	_ =	shalt  }
0x73: {  	_ =	shalt  }
0x74: {  	_ =	shalt  }
0x75: {  	_ =	shalt  }
0x76: {  	_ =	shalt  }
0x77: {  	_ =	shalt  }
0x78: {  	_ =	shalt  }
0x79: {  	_ =	shalt  }
0x7a: {  	_ =	shalt  }
0x7b: {  	_ =	shalt  }
0x7c: {  	_ =	shalt  }
0x7d: {  	_ =	shalt  }
0x7e: {  	_ =	shalt  }
0x7f: {  	_ =	shalt  }
0x80: {  	_ =	shalt  }
0x81: {  	_ =	shalt  }
0x82: {  	_ =	shalt  }
0x83: {  	_ =	shalt  }
0x84: {  	_ =	shalt  }
0x85: {  	_ =	shalt  }
0x86: {  	_ =	shalt  }
0x87: {  	_ =	shalt  }
.Lfunc_end0:
.L_simem_size_0:
called_computation_lowered:
.L_overlay_start_0:
0x88: {  	s2 =	sld [smem:$0x3FD9]  }
0x89: {  	s3 =	sld [smem:$0x3FFE];
	_ =	sdelay $0x1  }
0x8a: {  	s1 =	srdreg.scid  }
0x8b: {  	s0 =	sand.u32 $0x1, s1  }
0x8c: {  	s16 =	sshll.u32 s0, $0xA;
	s2 =	sadd.s32 s3, s2  }
0x8d: {  	s2 =	sadd.s32 s2, s16  }
0x8e: {  	[smem:$0x3FC0] =	sst s2  }
0x8f: {  	_ = 	snop  }
0x90: {  	(tm) =	ssettm $0x1  }
0x91: {  	s17 =	sld [smem:$0x3FFB];
	_ =	sdelay $0x3  }
0x92: {  	_ =	strace s17  }
0x93: {  	s2 =	sld [smem:$0x3FFC];
	_ =	sdelay $0x3  }
0x94: {  	_ =	strace s2  }
0x95: {  	s2 =	sld [smem:$0x3FFD];
	_ =	sdelay $0x3  }
0x96: {  	_ =	strace s2  }
0x97: {  	_ =	strace $0x8FFFFFFF  }
0x98: {  	s18 =	sld [smem:$0x3FDB];
	_ =	sdelay $0x1  }
0x99: {  	s19 =	simm.s32 $_scs_section_size  }
0x9a: {  	s4 =	simm.s32 $_size__tile_overlayer_lowered;
	s5 =	simm.s32 $_tile_overlayer_lowered  }
0x9b: {  	s22 =	simm.s32 $0x1BFF;
	s21 =	sshll.u32 s5, $0x1;
	s2 =	sadd.s32 s19, s18  }
0x9c: {  	s6 =	simm.s32 $0x0;
	s20 =	sshll.u32 s4, $0x1;
	s4 =	sadd.s32 s21, s2  }
0x9d: {  	[timem:s6], [sflag:s22] =	dma.local [hbm:s4], s20  }
0x9e: {  	_ =	swait.ge [sflag:s22], s20  }
0x9f: {  	s3 =	ssub.s32 $0x0, s20;
	[sflag:s22] =	ssyncset.done $0x0  }
0xa0: {  	[sflag:s22] =	ssyncadd.s32 s3;
	_ =	sdelay $0x1  }
0xa1: {  	s23 =	simm.s32 $0x1B8B  }
0xa2: {  	_ =	swait.ge [sflag:s23], $0x1  }
0xa3: {  	[sflag:s23] =	ssyncset.done $0x0  }
0xa4: {  	s25 =	simm.s32 $0x1B8E;
	s24 =	sld [smem:$0x3FFE];
	[sflag:s23] =	ssyncadd.s32 $0xFFFFFFFF  }
0xa5: {  	s26 =	simm.s32 $execute0_lowered;
	[smem:$0x3FD2] =	sst s25  }
0xa6: {  	s4 =	sshll.u32 s26, $0x1;
	_ =	strace $0x80000046;
	[dreg:$0x1] =	wrdreg $0xFFFFFFFF  }
0xa7: {  	s28 =	simm.s32 $_size_execute0_lowered;
	s2 =	sadd.s32 s2, s4;
	[dreg:$0x0] =	wrdreg $0x0  }
0xa8: {  	s4 =	sshll.u32 s28, $0x1;
	[dreg:$0x2] =	wrdreg s2  }
0xa9: {  	[dreg:$0x3] =	wrdreg s4  }
0xaa: {  	[dreg:$0x4] =	wrdreg $0xC0  }
0xab: {  	_ =	task [dreg:s6], $0x5FFFF  }
0xac: {  	[dreg:$0x1] =	wrdreg $0xFFFFFFFF  }
0xad: {  	[dreg:$0x0] =	wrdreg $0x60  }
0xae: {  	[dreg:$0x2] =	wrdreg s24  }
0xaf: {  	[dreg:$0x3] =	wrdreg $0x88000  }
0xb0: {  	[dreg:$0x4] =	wrdreg $0x9  }
0xb1: {  	_ =	task.clear_ibuf [dreg:s6], $0x5FFFF;
	_ =	strace $0x90000046  }
0xb2: {  	s29 =	simm.s32 $0x9;
	_ =	strace $0x80000048  }
0xb3: {  	_ =	swait.ge [sflag:s29], $0x1  }
0xb4: {  	[sflag:s29] =	ssyncadd.s32 $0xFFFFFFFF  }
0xb5: {  	_ =	strace $0x90000048  }
0xb6: {  	_ =	sfence  }
0xb7: {  	s30 =	sld [smem:$0x0];
	_ =	sdelay $0x2  }
0xb8: {  	s31 =	sshll.u32 s1, $0xD;
	s1 =	sshrl.u32 s1, $0x2  }
0xb9: {  	s3 =	sand.u32 $0x4000, s31;
	s1 =	sadd.s32 s1, s30  }
0xba: {  	s0 =	sor.u32 s3, s0;
	s1 =	sshll.u32 s1, $0x11  }
0xbb: {  	s0 =	sor.u32 s1, s0  }
0xbc: {  	s0 =	sadd.s32 $0x8F2B, s0  }
0xbd: {  	[sflag:s0] =	ssyncadd.remote.s32 $0x1  }
0xbe: {  	_ =	sfence.sel $0xFFFF  }
0xbf: {  	[dreg:$0x0] =	wrdreg $0xFFFFFFFF;
	(pc) =	sbr.abs _section_cstart, $3  }
0xc0: {  	[dreg:$0x1] =	wrdreg $0xFFFFFFFF  }
0xc1: {  	_ =	task.clear_ibuf [dreg:s6], $0x2FFFF;
	_ =	strace $0x9FFFFFFF  }
0xc2: {  	(tm) =	ssettm $0x7FFFFFFF  }
0xc3: {  	_ =	shalt  }
tec
execute0_lowered:
.L_overlay_start_1:
0x0: {  	(tag) =	ssettag $0x1  }
0x1: {  	s0 =	rddreg [dreg:$0x0]  }
0x2: {  	s1 =	rddreg [dreg:$0x1]  }
0x3: {  	s2 =	srdreg.scid;
	s4 =	simm.s32 $0x0;
	s22 =	stileid.u32  }
0x4: {  	s28 =	simm.s32 $0x400;
	s29 =	simm.s32 $0x600;
	s30 =	simm.s32 $0x80  }
0x5: {  	s31 =	simm.s32 $0x800;
	s2 =	sand.u32 $0x1, s2;
	s5 =	smul.u32 $0x1F400, s22  }
0x6: {  	[smem:$0x7FF] =	sst s4;
	s4 =	sadd.s32 $0x20200, s0;
	s6 =	smul.u32 $0x98, s22  }
0x7: {  	s7 =	sadd.s32 $0xC200, s0;
	s11 =	sadd.s32 $0x2200, s0;
	s10 =	smul.u32 $0x50000, s22  }
0x8: {  	s20 =	sadd.s32 $0x47400, s0;
	s9 =	sshll.u32 s22, $0x3;
	s15 =	smul.u32 $0x7D000, s22  }
0x9: {  	s25 =	sshll.u32 s22, $0x6;
	s3 =	smul.u32 $0x138800, s2;
	_ =	strace $0x80000047  }
0xa: {  	s21 =	ssub.s32 $0x2, s2;
	p0 =	seq.s32 s2, $0x0;
	s2 =	sor.u32 $0x980, s9  }
0xb: {  	[dreg:$0x3] =	wrdreg s20;
	s8 =	sshrl.u32 s21, $0x1;
	s2 =	smov.u32 @p0 s6  }
0xc: {  	s6 =	simm.s32 $0x98;
	s23 =	sshrl.u32 s10, $0x2;
	s3 =	sadd.s32 s5, s3  }
0xd: {  	s6 =	simm.s32 @!p0 $0x8;
	s24 =	sadd.s32 s23, s1;
	s2 =	sshll.u32 s2, $0x4  }
0xe: {  	p0 =	sgt.u32 s22, $0x9;
	s22 =	simm.s32 $0x580;
	s3 =	sshrl.u32 s3, $0x3  }
0xf: {  	s12 =	sadd.s32 $0x2000, s24;
	s13 =	sadd.s32 $0x4000, s24;
	s14 =	sadd.s32 $0x6000, s24  }
0x10: {  	s16 =	sadd.s32 $0x8000, s24;
	s17 =	sadd.s32 $0xA000, s24;
	s18 =	sadd.s32 $0xC000, s24  }
0x11: {  	s19 =	sadd.s32 $0xE000, s24;
	s20 =	sadd.s32 $0x10000, s24;
	[dreg:$0x4] =	wrdreg s24  }
0x12: {  	s9 =	sadd.s32 s7, s2;
	s10 =	sadd.s32 s11, s2;
	s2 =	sor.u32 $0x40, s2  }
0x13: {  	s0 =	sadd.s32 s3, s0;
	s3 =	ssub.s32 s21, s8;
	s26 =	sadd.s32 s7, s2  }
0x14: {  	s8 =	sor.u32 $0x1C05, s25;
	s2 =	sadd.s32 s11, s2;
	[dreg:$0x5] =	wrdreg s26  }
0x15: {  	s21 =	sadd.s32 $0x12000, s24;
	s12 =	sshrl.u32 s12, $0x3;
	[dreg:$0x6] =	wrdreg s2  }
0x16: {  	s7 =	sshrl.u32 s15, $0x2;
	s13 =	sshrl.u32 s13, $0x3;
	[dreg:$0x9] =	wrdreg s12  }
0x17: {  	s15 =	simm.s32 $0x5;
	s14 =	sshrl.u32 s14, $0x3;
	[dreg:$0xa] =	wrdreg s13  }
0x18: {  	s16 =	sshrl.u32 s16, $0x3;
	s17 =	sshrl.u32 s17, $0x3;
	[dreg:$0xb] =	wrdreg s14  }
0x19: {  	s23 =	sshrl.u32 s18, $0x3;
	s24 =	sshrl.u32 s19, $0x3;
	[dreg:$0xc] =	wrdreg s16  }
0x1a: {  	s25 =	sshrl.u32 s20, $0x3;
	s18 =	simm.s32 $0x380;
	[dreg:$0xd] =	wrdreg s17  }
0x1b: {  	s19 =	simm.s32 $0x480;
	s20 =	simm.s32 $0x500;
	[dreg:$0xe] =	wrdreg s23  }
0x1c: {  	s0 =	sadd.s32 $0x47800, s0;
	s11 =	smax.u32 s3, $0x1;
	[dreg:$0xf] =	wrdreg s24  }
0x1d: {  	[dreg:$0x10] =	wrdreg s25;
	s26 =	sshrl.u32 s21, $0x3;
	s2 =	simm.s32 $0x3  }
0x1e: {  	s12 =	simm.s32 $0x4;
	s13 =	simm.s32 $0x280;
	s14 =	simm.s32 $0x180  }
.Ltmp0:
0x1f: {  	s16 =	simm.s32 $0x300;
	s17 =	simm.s32 $0x2;
	(pc) =	sbr.rel .LBB2_1-.Ltmp0, $4  }
0x20: {  	s21 =	simm.s32 $0x680;
	s23 =	simm.s32 $0x700;
	[dreg:$0x7] =	wrdreg s0  }
0x21: {  	s24 =	simm.s32 $0x780;
	s0 =	sadd.s32 s7, s1;
	[dreg:$0x8] =	wrdreg s11  }
0x22: {  	[dreg:$0x11] =	wrdreg s26;
	s26 =	simm.s32 $0x200;
	s0 =	sshrl.u32 @!p0 s0, $0x3  }
0x23: {  	s7 =	simm.s32 $0x0;
	[dreg:$0x12] =	wrdreg s0;
	s0 =	simm.s32 $0x4800  }
.LBB2_5:
0x24: {  	[bflag:$0x0] =	sbarrier.arrive $0xFFFF  }
0x25: {  	s3 =	rddreg [dreg:$0x7]  }
0x26: {  	s5 =	rddreg [dreg:$0x12]  }
0x27: {  	[hbm:s3], [sflag:s8] =	dma.local @!p0 [spmem:s5], $0x3E80  }
0x28: {  	s3 =	simm.s32 @!p0 $0x5  }
0x29: {  	_ =	swait.ge @!p0 [sflag:s3], $0x3E80  }
0x2a: {  	s7 =	rddreg [dreg:$0x13]  }
0x2b: {  	s25 =	rddreg [dreg:$0x8];
	s7 =	sadd.s32 $0x1, s7  }
0x2c: {  	p1 =	sne.s32 s7, s25  }
.Ltmp1:
0x2d: {  	_ = 	snop;
	(pc) =	sbr.rel @!p1 .LBB2_6-.Ltmp1, $3  }
0x2e: {  	_ =	sdelay $0x1  }
0x2f: {  	[sflag:s3] =	ssyncset.done @!p0 $0x0  }
0x30: {  	[sflag:s3] =	ssyncadd.s32 @!p0 $0xFFFFC180  }
.LBB2_1:
0x31: {  	[dreg:$0x13] =	wrdreg s7  }
0x32: {  	s3 =	rddreg [dreg:$0x4]  }
0x33: {  	s5 =	rddreg [dreg:$0x3];
	s3 =	sshrl.u32 s3, $0x3  }
0x34: {  	[spmem:s3], [sflag:s8] =	dma.local [hbm:s5], $0x400  }
0x35: {  	_ =	swait.ge [sflag:s15], $0x400  }
0x36: {  	[sflag:s15] =	ssyncset.done $0x0  }
0x37: {  	s7 =	rddreg [dreg:$0x9];
	[sflag:s15] =	ssyncadd.s32 $0xFFFFFC00  }
0x38: {  	[spmem:s7], [sflag:s8] =	dma.local [hbm:s5], $0x400  }
0x39: {  	_ =	swait.ge [sflag:s15], $0x400  }
0x3a: {  	[sflag:s15] =	ssyncset.done $0x0  }
0x3b: {  	s11 =	rddreg [dreg:$0xa];
	[sflag:s15] =	ssyncadd.s32 $0xFFFFFC00  }
0x3c: {  	[spmem:s11], [sflag:s8] =	dma.local [hbm:s5], $0x400  }
0x3d: {  	_ =	swait.ge [sflag:s15], $0x400  }
0x3e: {  	[sflag:s15] =	ssyncset.done $0x0  }
0x3f: {  	s25 =	rddreg [dreg:$0xb];
	[sflag:s15] =	ssyncadd.s32 $0xFFFFFC00  }
0x40: {  	[spmem:s25], [sflag:s8] =	dma.local [hbm:s5], $0x400  }
0x41: {  	_ =	swait.ge [sflag:s15], $0x400  }
0x42: {  	[sflag:s15] =	ssyncset.done $0x0  }
0x43: {  	s7 =	rddreg [dreg:$0xc];
	[sflag:s15] =	ssyncadd.s32 $0xFFFFFC00  }
0x44: {  	[spmem:s7], [sflag:s8] =	dma.local [hbm:s5], $0x400  }
0x45: {  	_ =	swait.ge [sflag:s15], $0x400  }
0x46: {  	[sflag:s15] =	ssyncset.done $0x0  }
0x47: {  	s11 =	rddreg [dreg:$0xd];
	[sflag:s15] =	ssyncadd.s32 $0xFFFFFC00  }
0x48: {  	[spmem:s11], [sflag:s8] =	dma.local [hbm:s5], $0x400  }
0x49: {  	_ =	swait.ge [sflag:s15], $0x400  }
0x4a: {  	[sflag:s15] =	ssyncset.done $0x0  }
0x4b: {  	s25 =	rddreg [dreg:$0xe];
	[sflag:s15] =	ssyncadd.s32 $0xFFFFFC00  }
0x4c: {  	[spmem:s25], [sflag:s8] =	dma.local [hbm:s5], $0x400  }
0x4d: {  	_ =	swait.ge [sflag:s15], $0x400  }
0x4e: {  	[sflag:s15] =	ssyncset.done $0x0  }
0x4f: {  	s7 =	rddreg [dreg:$0xf];
	[sflag:s15] =	ssyncadd.s32 $0xFFFFFC00  }
0x50: {  	[spmem:s7], [sflag:s8] =	dma.local [hbm:s5], $0x400  }
0x51: {  	_ =	swait.ge [sflag:s15], $0x400  }
0x52: {  	[sflag:s15] =	ssyncset.done $0x0  }
0x53: {  	s11 =	rddreg [dreg:$0x10];
	[sflag:s15] =	ssyncadd.s32 $0xFFFFFC00  }
0x54: {  	[spmem:s11], [sflag:s8] =	dma.local [hbm:s5], $0x400  }
0x55: {  	_ =	swait.ge [sflag:s15], $0x400  }
0x56: {  	[sflag:s15] =	ssyncset.done $0x0  }
0x57: {  	s25 =	rddreg [dreg:$0x11];
	[sflag:s15] =	ssyncadd.s32 $0xFFFFFC00  }
0x58: {  	[spmem:s25], [sflag:s8] =	dma.local [hbm:s5], $0x400  }
0x59: {  	_ =	swait.ge [sflag:s15], $0x400  }
0x5a: {  	[sflag:s15] =	ssyncset.done $0x0  }
0x5b: {  	[sflag:s15] =	ssyncadd.s32 $0xFFFFFC00  }
0x5c: {  	s7 =	simm.s32 $0x0;
	[bflag:$0x0] =	sbarrier.arrive $0xFFFF  }
0x5d: {  	[tilespmem:s7], [sflag:$0x5] =	stream.linear.gather [hbm4b:s9+s7], $0x200, $0x38;
	[tilespmem:$0x1C800] =	vst v63  }
0x5e: {  	_ =	swait.ge [sflag:s15], $0x200  }
0x5f: {  	[sflag:s15] =	ssyncset.done $0x0  }
0x60: {  	[sflag:s15] =	ssyncadd.s32 $0xFFFFFE00  }
0x61: {  	[tilespmem:s26], [sflag:$0x5] =	stream.linear.gather [hbm4b:s10+s7], $0x200, $0x38;
	[tilespmem:$0x1C800] =	vst v63  }
0x62: {  	_ =	swait.ge [sflag:s15], $0x200  }
0x63: {  	[sflag:s15] =	ssyncset.done $0x0  }
0x64: {  	s11 =	rddreg [dreg:$0x5];
	[sflag:s15] =	ssyncadd.s32 $0xFFFFFE00  }
0x65: {  	[tilespmem:s28], [sflag:$0x2] =	stream.linear.gather [hbm4b:s11+s7], $0x200, $0x38;
	[tilespmem:$0x1C800] =	vst v63  }
.Ltmp2:
0x66: {  	s25 =	rddreg [dreg:$0x6];
	(pc) =	sbr.rel .LBB2_2-.Ltmp2, $4  }
0x67: {  	[tilespmem:s29], [sflag:$0x2] =	stream.linear.gather [hbm4b:s25+s7], $0x200, $0x38;
	[tilespmem:$0x1C800] =	vst v63  }
0x68: {  	_ = 	snop  }
0x69: {  	[tilespmem:s31], [sflag:$0x3] =	stream.indirect.gather [hbm4b:s4+s30], $0x80, s7, s30, $0xb8;
	[tilespmem:$0x1C800] =	vst v63  }
0x6a: {  	s3 =	simm.s32 $0x0;
	s7 =	simm.s32 $0x0  }
.LBB2_4:
0x6b: {  	s3 =	sadd.s32 $0x80, s3  }
0x6c: {  	p1 =	sne.s32 s3, $0x980  }
.Ltmp3:
0x6d: {  	_ = 	snop;
	(pc) =	sbr.rel @!p1 .LBB2_5-.Ltmp3, $2  }
0x6e: {  	_ =	sdelay $0x2  }
0x6f: {  	s7 =	sadd.s32 $0x8, s7  }
.LBB2_2:
0x70: {  	p1 =	sge.u32 s7, s6  }
.Ltmp4:
0x71: {  	_ = 	snop;
	(pc) =	sbr.rel @p1 .LBB2_4-.Ltmp4, $1  }
0x72: {  	_ =	sdelay $0x3  }
0x73: {  	[tilespmem:s0], [sflag:$0x4] =	stream.indirect.gather [hbm4b:s4+s30], $0x80, s30, s30, $0xb8;
	[tilespmem:$0x1C800] =	vst v63  }
0x74: {  	_ =	swait.ge [sflag:s2], $0x4000  }
0x75: {  	[sflag:s2] =	ssyncset.done $0x0  }
0x76: {  	[sflag:s2] =	ssyncadd.s32 $0xFFFFC000  }
0x77: {  	[spmem:s1] =	stream.indirect.scatter.add.f32 [tilespmem:s31], [sflag:$0x5], $0x80, s26, s30, $0xb8;
	[tilespmem:$0x1C800] =	vst v63  }
0x78: {  	_ =	swait.ge [sflag:s15], $0x4000  }
0x79: {  	[sflag:s15] =	ssyncset.done $0x0  }
0x7a: {  	s5 =	simm.s32 $0x100;
	[sflag:s15] =	ssyncadd.s32 $0xFFFFC000  }
0x7b: {  	[tilespmem:s31], [sflag:$0x3] =	stream.indirect.gather [hbm4b:s4+s30], $0x80, s5, s30, $0xb8;
	[tilespmem:$0x1C800] =	vst v63  }
0x7c: {  	_ =	swait.ge [sflag:s12], $0x4000  }
0x7d: {  	[sflag:s12] =	ssyncset.done $0x0  }
0x7e: {  	[sflag:s12] =	ssyncadd.s32 $0xFFFFC000  }
0x7f: {  	[spmem:s1] =	stream.indirect.scatter.add.f32 [tilespmem:s0], [sflag:$0x5], $0x80, s13, s30, $0xb8;
	[tilespmem:$0x1C800] =	vst v63  }
0x80: {  	_ =	swait.ge [sflag:s15], $0x4000  }
0x81: {  	[sflag:s15] =	ssyncset.done $0x0  }
0x82: {  	[sflag:s15] =	ssyncadd.s32 $0xFFFFC000  }
0x83: {  	[tilespmem:s0], [sflag:$0x4] =	stream.indirect.gather [hbm4b:s4+s30], $0x80, s14, s30, $0xb8;
	[tilespmem:$0x1C800] =	vst v63  }
0x84: {  	_ =	swait.ge [sflag:s2], $0x4000  }
0x85: {  	[sflag:s2] =	ssyncset.done $0x0  }
0x86: {  	[sflag:s2] =	ssyncadd.s32 $0xFFFFC000  }
0x87: {  	[spmem:s1] =	stream.indirect.scatter.add.f32 [tilespmem:s31], [sflag:$0x5], $0x80, s16, s30, $0xb8;
	[tilespmem:$0x1C800] =	vst v63  }
0x88: {  	_ =	swait.ge [sflag:s15], $0x4000  }
0x89: {  	[sflag:s15] =	ssyncset.done $0x0  }
0x8a: {  	[sflag:s15] =	ssyncadd.s32 $0xFFFFC000  }
0x8b: {  	_ =	swait.ge [sflag:s17], $0x200  }
0x8c: {  	[sflag:s17] =	ssyncset.done $0x0  }
0x8d: {  	[sflag:s17] =	ssyncadd.s32 $0xFFFFFE00  }
0x8e: {  	_ =	swait.ge [sflag:s17], $0x200  }
0x8f: {  	[sflag:s17] =	ssyncset.done $0x0  }
0x90: {  	[sflag:s17] =	ssyncadd.s32 $0xFFFFFE00  }
0x91: {  	[tilespmem:s31], [sflag:$0x3] =	stream.indirect.gather [hbm4b:s4+s30], $0x80, s28, s30, $0xb8;
	[tilespmem:$0x1C800] =	vst v63  }
0x92: {  	_ =	swait.ge [sflag:s12], $0x4000  }
0x93: {  	[sflag:s12] =	ssyncset.done $0x0  }
0x94: {  	s25 =	sadd.s32 $0x8, s7;
	[sflag:s12] =	ssyncadd.s32 $0xFFFFC000  }
0x95: {  	[spmem:s1] =	stream.indirect.scatter.add.f32 [tilespmem:s0], [sflag:$0x5], $0x80, s18, s30, $0xb8;
	[tilespmem:$0x1C800] =	vst v63  }
0x96: {  	p1 =	sge.u32 s25, s6;
	_ =	swait.ge [sflag:s15], $0x4000  }
0x97: {  	s25 =	sadd.s32 @!p1 s3, s9;
	[sflag:s15] =	ssyncset.done $0x0  }
0x98: {  	s25 =	sadd.s32 @!p1 $0x80, s25;
	s5 =	simm.s32 @!p1 $0x0;
	[sflag:s15] =	ssyncadd.s32 $0xFFFFC000  }
0x99: {  	[tilespmem:s5], [sflag:$0x1] =	stream.linear.gather @!p1 [hbm4b:s25+s5], $0x200, $0x38;
	[tilespmem:$0x1C800] =	vst v63  }
0x9a: {  	s25 =	sadd.s32 @!p1 s3, s10  }
0x9b: {  	s11 =	simm.s32 @!p1 $0x200;
	s25 =	sadd.s32 @!p1 $0x80, s25  }
0x9c: {  	[tilespmem:s11], [sflag:$0x1] =	stream.linear.gather @!p1 [hbm4b:s25+s5], $0x200, $0x38;
	[tilespmem:$0x1C800] =	vst v63  }
0x9d: {  	_ = 	snop  }
0x9e: {  	[tilespmem:s0], [sflag:$0x4] =	stream.indirect.gather [hbm4b:s4+s30], $0x80, s19, s30, $0xb8;
	[tilespmem:$0x1C800] =	vst v63  }
0x9f: {  	_ =	swait.ge [sflag:s2], $0x4000  }
0xa0: {  	[sflag:s2] =	ssyncset.done $0x0  }
0xa1: {  	[sflag:s2] =	ssyncadd.s32 $0xFFFFC000  }
0xa2: {  	[spmem:s1] =	stream.indirect.scatter.add.f32 [tilespmem:s31], [sflag:$0x5], $0x80, s29, s30, $0xb8;
	[tilespmem:$0x1C800] =	vst v63  }
0xa3: {  	_ =	swait.ge [sflag:s15], $0x4000  }
0xa4: {  	[sflag:s15] =	ssyncset.done $0x0  }
0xa5: {  	[sflag:s15] =	ssyncadd.s32 $0xFFFFC000  }
0xa6: {  	[tilespmem:s31], [sflag:$0x3] =	stream.indirect.gather [hbm4b:s4+s30], $0x80, s20, s30, $0xb8;
	[tilespmem:$0x1C800] =	vst v63  }
0xa7: {  	_ =	swait.ge [sflag:s12], $0x4000  }
0xa8: {  	[sflag:s12] =	ssyncset.done $0x0  }
0xa9: {  	[sflag:s12] =	ssyncadd.s32 $0xFFFFC000  }
0xaa: {  	[spmem:s1] =	stream.indirect.scatter.add.f32 [tilespmem:s0], [sflag:$0x5], $0x80, s21, s30, $0xb8;
	[tilespmem:$0x1C800] =	vst v63  }
0xab: {  	_ =	swait.ge [sflag:s15], $0x4000  }
0xac: {  	[sflag:s15] =	ssyncset.done $0x0  }
0xad: {  	[sflag:s15] =	ssyncadd.s32 $0xFFFFC000  }
0xae: {  	[tilespmem:s0], [sflag:$0x4] =	stream.indirect.gather [hbm4b:s4+s30], $0x80, s22, s30, $0xb8;
	[tilespmem:$0x1C800] =	vst v63  }
0xaf: {  	_ =	swait.ge [sflag:s2], $0x4000  }
0xb0: {  	[sflag:s2] =	ssyncset.done $0x0  }
0xb1: {  	[sflag:s2] =	ssyncadd.s32 $0xFFFFC000  }
0xb2: {  	[spmem:s1] =	stream.indirect.scatter.add.f32 [tilespmem:s31], [sflag:$0x5], $0x80, s23, s30, $0xb8;
	[tilespmem:$0x1C800] =	vst v63  }
0xb3: {  	_ =	swait.ge [sflag:s15], $0x4000  }
0xb4: {  	[sflag:s15] =	ssyncset.done $0x0  }
0xb5: {  	s11 =	simm.s32 @!p1 $0x1;
	[sflag:s15] =	ssyncadd.s32 $0xFFFFC000  }
0xb6: {  	_ =	swait.ge @!p1 [sflag:s11], $0x200  }
0xb7: {  	[sflag:s11] =	ssyncset.done @!p1 $0x0  }
0xb8: {  	[sflag:s11] =	ssyncadd.s32 @!p1 $0xFFFFFE00  }
0xb9: {  	_ =	swait.ge @!p1 [sflag:s11], $0x200  }
0xba: {  	[sflag:s11] =	ssyncset.done @!p1 $0x0  }
0xbb: {  	s25 =	simm.s32 @!p1 $0x800;
	[sflag:s11] =	ssyncadd.s32 @!p1 $0xFFFFFE00;
	s11 =	simm.s32 @!p1 $0x80  }
0xbc: {  	[tilespmem:s25], [sflag:$0x3] =	stream.indirect.gather @!p1 [hbm4b:s4+s11], $0x80, s5, s11, $0xb8;
	[tilespmem:$0x1C800] =	vst v63  }
0xbd: {  	_ =	swait.ge [sflag:s12], $0x4000  }
0xbe: {  	s25 =	sadd.s32 $0xC, s7;
	[sflag:s12] =	ssyncset.done $0x0  }
0xbf: {  	p1 =	sge.u32 s25, s6;
	[sflag:s12] =	ssyncadd.s32 $0xFFFFC000  }
0xc0: {  	[spmem:s1] =	stream.indirect.scatter.add.f32 [tilespmem:s0], [sflag:$0x5], $0x80, s24, s30, $0xb8;
	[tilespmem:$0x1C800] =	vst v63  }
0xc1: {  	s5 =	sadd.s32 @!p1 s3, s9;
	_ =	swait.ge [sflag:s15], $0x4000  }
0xc2: {  	s11 =	simm.s32 @!p1 $0x0;
	s25 =	simm.s32 @!p1 $0x400;
	[sflag:s15] =	ssyncset.done $0x0  }
.Ltmp5:
0xc3: {  	s5 =	sadd.s32 @!p1 $0xC0, s5;
	[sflag:s15] =	ssyncadd.s32 $0xFFFFC000;
	(pc) =	sbr.rel .LBB2_4-.Ltmp5, $4  }
0xc4: {  	[tilespmem:s25], [sflag:$0x2] =	stream.linear.gather @!p1 [hbm4b:s5+s11], $0x200, $0x38;
	[tilespmem:$0x1C800] =	vst v63  }
0xc5: {  	s5 =	sadd.s32 @!p1 s3, s10  }
0xc6: {  	s25 =	simm.s32 @!p1 $0x600;
	s5 =	sadd.s32 @!p1 $0xC0, s5  }
0xc7: {  	[tilespmem:s25], [sflag:$0x2] =	stream.linear.gather @!p1 [hbm4b:s5+s11], $0x200, $0x38;
	[tilespmem:$0x1C800] =	vst v63  }
.LBB2_6:
0xc8: {  	_ =	sfence.sel $0x180000  }
0xc9: {  	[bflag:$0x0] =	sbarrier.arrive $0xFFFF  }
0xca: {  	_ =	strace $0x90000047  }
0xcb: {  	s0 =	stileid.u32;
	[bflag:$0x2] =	sbarrier.arrive $0xFFFF  }
0xcc: {  	p0 =	sne.s32 s0, $0x0;
	s0 =	rddreg [dreg:$0x2]  }
0xcd: {  	s0 =	sadd.s32 @!p0 $0x100000, s0  }
0xce: {  	[sflag:s0] =	ssyncadd.tile.s32 @!p0 $0x1;
	_ =	shalt  }
.Lfunc_end2:
_tile_overlayer_lowered:
.L_overlay_start_2:
0xcf: {  	(tag) =	ssettag $0x2  }
0xd0: {  	s0 =	rddreg [dreg:$0x0];
	s2 =	stileid.u32  }
0xd1: {  	s1 =	rddreg [dreg:$0x1];
	p0 =	sne.s32 s2, $0x0  }
0xd2: {  	s3 =	rddreg [dreg:$0x2];
	[bflag:$0x3] =	sbarrier.arrive $0xFFFF;
	s2 =	simm.s32 @!p0 $0x1C05  }
0xd3: {  	[timem:s3], [sflag:s2] =	dma.local @!p0 [hbm:s0], s1  }
0xd4: {  	s0 =	simm.s32 @!p0 $0x5  }
0xd5: {  	_ =	swait.ge @!p0 [sflag:s0], s1  }
0xd6: {  	s1 =	ssub.s32 @!p0 $0x0, s1;
	[sflag:s0] =	ssyncset.done @!p0 $0x0  }
0xd7: {  	[sflag:s0] =	ssyncadd.s32 @!p0 s1  }
0xd8: {  	[bflag:$0x3] =	sbarrier.arrive $0xFFFF  }
0xd9: {  	_ =	shalt  }

</sc_bundles>
